<compile_context>
chip_gen: v7x
topology: tpu7x:2x2x1
jax: 0.10.2.dev20260603
libtpu: 0.0.44.dev20260713+nightly
codegen_flags: <defaults>
</compile_context>

<pallas_src>
import functools

import jax
import jax.numpy as jnp
from jax import lax
from jax.experimental import pallas as pl
from jax.experimental.pallas import tpu as pltpu
from jax.experimental.pallas import tpu_sc as plsc

DIM = 32
GROUP_B = 16


@functools.partial(jax.jit, static_argnums=(2,))
def _sc_gather(idx3, table, n_workers):
    _, b_pw, seq = idx3.shape
    n_groups = b_pw // GROUP_B

    mesh = plsc.VectorSubcoreMesh(core_axis_name="c", subcore_axis_name="s")

    @functools.partial(
        pl.kernel,
        mesh=mesh,
        out_type=jax.ShapeDtypeStruct((n_workers * b_pw, seq, DIM), jnp.float32),
        scratch_types=[
            pltpu.VMEM((b_pw, seq), jnp.int32),
            pltpu.VMEM((2, GROUP_B, seq, DIM), jnp.float32),
            pltpu.SemaphoreType.DMA((2,)),
        ],
        compiler_params=pltpu.CompilerParams(use_tc_tiling_on_sc=False),
    )
    def k(idx_hbm, table_hbm, out_hbm, idx_v, rows_v, sems):
        n_cores = 2
        wid = lax.axis_index("s") * n_cores + lax.axis_index("c")
        base = wid * b_pw
        pltpu.sync_copy(idx_hbm.at[wid], idx_v)

        def start_group(g, buf):
            for i in range(GROUP_B):
                pltpu.make_async_copy(
                    table_hbm.at[idx_v.at[g * GROUP_B + i]],
                    rows_v.at[buf, i],
                    sems.at[buf],
                ).start()

        def wait_group(buf):
            for i in range(GROUP_B):
                pltpu.make_async_copy(
                    table_hbm.at[idx_v.at[0]],
                    rows_v.at[buf, i],
                    sems.at[buf],
                ).wait()

        start_group(0, 0)

        def body(gp, _):
            for buf in range(2):
                g = gp * 2 + buf
                nxt = g + 1

                @pl.when(nxt < n_groups)
                def _():
                    start_group(nxt, 1 - buf)

                wait_group(buf)
                pltpu.sync_copy(
                    rows_v.at[buf],
                    out_hbm.at[pl.ds(base + g * GROUP_B, GROUP_B)],
                )
            return 0

        lax.fori_loop(0, n_groups // 2, body, 0, unroll=False)

    return k(idx3, table)


def kernel(token_ids, embedding_matrix):
    b, s = token_ids.shape
    n_workers = 32
    b_pw = b // n_workers
    idx3 = token_ids.reshape(n_workers, b_pw, s).astype(jnp.int32)
    return _sc_gather(idx3, embedding_matrix, n_workers)

# --- scband reference (transcript-rebuilt; emitter-appended) ---
"""Pipeline reference for scband-embedding-28587302322521 (READ-ONLY COPY).

The authoritative reference and input builder live on the scoring server;
editing this copy changes nothing except your own understanding.
"""

import jax, jax.numpy as jnp
import numpy as np

NUM_EMBEDDINGS = 1000000
EMBEDDING_DIM = 32


def setup_inputs(seed: int = 0) -> dict:
    key = jax.random.key(seed)
    k_idx, k_w = jax.random.split(key)
    token_ids = jax.random.randint(k_idx, (16384, 50), 0, NUM_EMBEDDINGS, dtype=jnp.int64)
    # trunc_normal_(a=-3, b=3) ~ standard normal truncated to [-3, 3]
    embedding_matrix = jax.random.truncated_normal(
        k_w, -3.0, 3.0, (NUM_EMBEDDINGS, EMBEDDING_DIM), dtype=jnp.float32
    )
    return {"token_ids": token_ids, "embedding_matrix": embedding_matrix}


def reference(token_ids, embedding_matrix):
    # Faithful translation of: self.embedding_matrix[token_ids]
    return jnp.take(embedding_matrix, token_ids, axis=0)

if __name__ == "__main__":
    import jax
    _d = setup_inputs()
    print(jax.jit(kernel)(*tuple(_d.values())))

</pallas_src>

<mosaic_0001>
#map = affine_map<(d0, d1) -> (0, 0, 0)>
#map1 = affine_map<(d0, d1) -> (0, 0)>
module attributes {stable_mosaic.version = 14 : i64} {
  func.func @k(%arg0: i32, %arg1: i32, %arg2: memref<32x512x50xi32, #tpu.memory_space<hbm>>, %arg3: memref<1000000x32xf32, #tpu.memory_space<hbm>>, %arg4: memref<16384x50x32xf32, #tpu.memory_space<hbm>>, %arg5: memref<512x50xi32, #tpu.memory_space<vmem>>, %arg6: memref<2x16x50x32xf32, #tpu.memory_space<vmem>>, %arg7: memref<2x!tpu.dma_semaphore, #tpu.memory_space<semaphore_mem>>) attributes {dimension_semantics = [#tpu.dimension_semantics<core_parallel>, #tpu.dimension_semantics<subcore_parallel>], iteration_bounds = array<i64: 2, 16>, scalar_prefetch = 0 : i64, scratch_operands = 3 : i64, tpu.core_type = #tpu.core_type<sc_vector_subcore>, window_params = [{transform_indices = #map}, {transform_indices = #map1}, {transform_indices = #map}]} {
    %mul3A = arith.constant 2 : i32
    %mul3A_0 = arith.muli %arg1, %mul3A : i32
    %add3A = arith.addi %mul3A_0, %arg0 : i32
    %mul3A_1 = arith.constant 512 : i32
    %mul3A_2 = arith.muli %add3A, %mul3A_1 : i32
    "tpu.region"() ({
      %run_scoped3A = tpu.sem_alloc : memref<!tpu.dma_semaphore, #tpu.memory_space<semaphore_mem>>
      %dma_start3A_264 = arith.constant 0 : i32
      %dma_start3A_265 = arith.constant 0 : i32
      %dma_start3A_266 = tpu.memref_slice %arg2[%add3A, %dma_start3A_264, %dma_start3A_265] : memref<32x512x50xi32, #tpu.memory_space<hbm>> -> memref<1x512x50xi32, #tpu.memory_space<hbm>>
      %dma_start3A_267 = tpu.memref_squeeze %dma_start3A_266 : memref<1x512x50xi32, #tpu.memory_space<hbm>> -> memref<512x50xi32, #tpu.memory_space<hbm>>
      %dma_start3A_268 = arith.constant 0 : i32
      %dma_start3A_269 = arith.constant 0 : i32
      %dma_start3A_270 = tpu.memref_slice %arg2[%add3A, %dma_start3A_268, %dma_start3A_269] : memref<32x512x50xi32, #tpu.memory_space<hbm>> -> memref<1x512x50xi32, #tpu.memory_space<hbm>>
      %dma_start3A_271 = tpu.memref_squeeze %dma_start3A_270 : memref<1x512x50xi32, #tpu.memory_space<hbm>> -> memref<512x50xi32, #tpu.memory_space<hbm>>
      tpu.enqueue_dma source(%dma_start3A_271 : memref<512x50xi32, #tpu.memory_space<hbm>>) target(%arg5 : memref<512x50xi32, #tpu.memory_space<vmem>>) target_semaphore(%run_scoped3A : memref<!tpu.dma_semaphore, #tpu.memory_space<semaphore_mem>>)
      %dma_wait3A = arith.constant 0 : i32
      %dma_wait3A_272 = arith.constant 0 : i32
      %dma_wait3A_273 = tpu.memref_slice %arg2[%add3A, %dma_wait3A, %dma_wait3A_272] : memref<32x512x50xi32, #tpu.memory_space<hbm>> -> memref<1x512x50xi32, #tpu.memory_space<hbm>>
      %dma_wait3A_274 = tpu.memref_squeeze %dma_wait3A_273 : memref<1x512x50xi32, #tpu.memory_space<hbm>> -> memref<512x50xi32, #tpu.memory_space<hbm>>
      %dma_wait3A_275 = arith.constant 0 : i32
      %dma_wait3A_276 = arith.constant 0 : i32
      %dma_wait3A_277 = tpu.memref_slice %arg2[%add3A, %dma_wait3A_275, %dma_wait3A_276] : memref<32x512x50xi32, #tpu.memory_space<hbm>> -> memref<1x512x50xi32, #tpu.memory_space<hbm>>
      %dma_wait3A_278 = tpu.memref_squeeze %dma_wait3A_277 : memref<1x512x50xi32, #tpu.memory_space<hbm>> -> memref<512x50xi32, #tpu.memory_space<hbm>>
      tpu.wait_dma2 semaphore(%run_scoped3A : memref<!tpu.dma_semaphore, #tpu.memory_space<semaphore_mem>>) src(%dma_wait3A_278 : memref<512x50xi32, #tpu.memory_space<hbm>>) dst(%arg5 : memref<512x50xi32, #tpu.memory_space<vmem>>)
      tpu.yield
    }) : () -> ()
    %dma_start3A = arith.constant 0 : i32
    %dma_start3A_3 = arith.constant 0 : i32
    %dma_start3A_4 = arith.constant 0 : i32
    %dma_start3A_5 = arith.constant 0 : i32
    %dma_start3A_6 = arith.constant 0 : i32
    %dma_start3A_7 = arith.constant 0 : i32
    %dma_start3A_8 = tpu.memref_slice %arg6[%dma_start3A_3, %dma_start3A_4, %dma_start3A_6, %dma_start3A_7] : memref<2x16x50x32xf32, #tpu.memory_space<vmem>> -> memref<1x1x50x32xf32, #tpu.memory_space<vmem>>
    %dma_start3A_9 = tpu.memref_squeeze %dma_start3A_8 : memref<1x1x50x32xf32, #tpu.memory_space<vmem>> -> memref<50x32xf32, #tpu.memory_space<vmem>>
    %dma_start3A_10 = arith.constant 0 : i32
    %dma_start3A_11 = tpu.memref_slice %arg5[%dma_start3A, %dma_start3A_10] : memref<512x50xi32, #tpu.memory_space<vmem>> -> memref<1x50xi32, #tpu.memory_space<vmem>>
    %dma_start3A_12 = tpu.memref_squeeze %dma_start3A_11 : memref<1x50xi32, #tpu.memory_space<vmem>> -> memref<50xi32, #tpu.memory_space<vmem>>
    %dma_start3A_13 = arith.constant 0 : i32
    %dma_start3A_14 = arith.constant 0 : i32
    %dma_start3A_15 = tpu.memref_slice %arg3[%dma_start3A_13, %dma_start3A_14] : memref<1000000x32xf32, #tpu.memory_space<hbm>> -> memref<1000000x32xf32, #tpu.memory_space<hbm>>
    %dma_start3A_16 = tpu.memref_slice %arg7[%dma_start3A_5] : memref<2x!tpu.dma_semaphore, #tpu.memory_space<semaphore_mem>> -> memref<1x!tpu.dma_semaphore, #tpu.memory_space<semaphore_mem>>
    %dma_start3A_17 = tpu.memref_squeeze %dma_start3A_16 : memref<1x!tpu.dma_semaphore, #tpu.memory_space<semaphore_mem>> -> memref<!tpu.dma_semaphore, #tpu.memory_space<semaphore_mem>>
    tpu.enqueue_indirect_dma source(%dma_start3A_15 : memref<1000000x32xf32, #tpu.memory_space<hbm>>) target(%dma_start3A_9 : memref<50x32xf32, #tpu.memory_space<vmem>>) offsets(%dma_start3A_12 : memref<50xi32, #tpu.memory_space<vmem>>) semaphore(%dma_start3A_17 : memref<!tpu.dma_semaphore, #tpu.memory_space<semaphore_mem>>)
    %dma_start3A_18 = arith.constant 1 : i32
    %dma_start3A_19 = arith.constant 0 : i32
    %dma_start3A_20 = arith.constant 1 : i32
    %dma_start3A_21 = arith.constant 0 : i32
    %dma_start3A_22 = arith.constant 0 : i32
    %dma_start3A_23 = arith.constant 0 : i32
    %dma_start3A_24 = tpu.memref_slice %arg6[%dma_start3A_19, %dma_start3A_20, %dma_start3A_22, %dma_start3A_23] : memref<2x16x50x32xf32, #tpu.memory_space<vmem>> -> memref<1x1x50x32xf32, #tpu.memory_space<vmem>>
    %dma_start3A_25 = tpu.memref_squeeze %dma_start3A_24 : memref<1x1x50x32xf32, #tpu.memory_space<vmem>> -> memref<50x32xf32, #tpu.memory_space<vmem>>
    %dma_start3A_26 = arith.constant 0 : i32
    %dma_start3A_27 = tpu.memref_slice %arg5[%dma_start3A_18, %dma_start3A_26] : memref<512x50xi32, #tpu.memory_space<vmem>> -> memref<1x50xi32, #tpu.memory_space<vmem>>
    %dma_start3A_28 = tpu.memref_squeeze %dma_start3A_27 : memref<1x50xi32, #tpu.memory_space<vmem>> -> memref<50xi32, #tpu.memory_space<vmem>>
    %dma_start3A_29 = arith.constant 0 : i32
    %dma_start3A_30 = arith.constant 0 : i32
    %dma_start3A_31 = tpu.memref_slice %arg3[%dma_start3A_29, %dma_start3A_30] : memref<1000000x32xf32, #tpu.memory_space<hbm>> -> memref<1000000x32xf32, #tpu.memory_space<hbm>>
    %dma_start3A_32 = tpu.memref_slice %arg7[%dma_start3A_21] : memref<2x!tpu.dma_semaphore, #tpu.memory_space<semaphore_mem>> -> memref<1x!tpu.dma_semaphore, #tpu.memory_space<semaphore_mem>>
    %dma_start3A_33 = tpu.memref_squeeze %dma_start3A_32 : memref<1x!tpu.dma_semaphore, #tpu.memory_space<semaphore_mem>> -> memref<!tpu.dma_semaphore, #tpu.memory_space<semaphore_mem>>
    tpu.enqueue_indirect_dma source(%dma_start3A_31 : memref<1000000x32xf32, #tpu.memory_space<hbm>>) target(%dma_start3A_25 : memref<50x32xf32, #tpu.memory_space<vmem>>) offsets(%dma_start3A_28 : memref<50xi32, #tpu.memory_space<vmem>>) semaphore(%dma_start3A_33 : memref<!tpu.dma_semaphore, #tpu.memory_space<semaphore_mem>>)
    %dma_start3A_34 = arith.constant 2 : i32
    %dma_start3A_35 = arith.constant 0 : i32
    %dma_start3A_36 = arith.constant 2 : i32
    %dma_start3A_37 = arith.constant 0 : i32
    %dma_start3A_38 = arith.constant 0 : i32
    %dma_start3A_39 = arith.constant 0 : i32
    %dma_start3A_40 = tpu.memref_slice %arg6[%dma_start3A_35, %dma_start3A_36, %dma_start3A_38, %dma_start3A_39] : memref<2x16x50x32xf32, #tpu.memory_space<vmem>> -> memref<1x1x50x32xf32, #tpu.memory_space<vmem>>
    %dma_start3A_41 = tpu.memref_squeeze %dma_start3A_40 : memref<1x1x50x32xf32, #tpu.memory_space<vmem>> -> memref<50x32xf32, #tpu.memory_space<vmem>>
    %dma_start3A_42 = arith.constant 0 : i32
    %dma_start3A_43 = tpu.memref_slice %arg5[%dma_start3A_34, %dma_start3A_42] : memref<512x50xi32, #tpu.memory_space<vmem>> -> memref<1x50xi32, #tpu.memory_space<vmem>>
    %dma_start3A_44 = tpu.memref_squeeze %dma_start3A_43 : memref<1x50xi32, #tpu.memory_space<vmem>> -> memref<50xi32, #tpu.memory_space<vmem>>
    %dma_start3A_45 = arith.constant 0 : i32
    %dma_start3A_46 = arith.constant 0 : i32
    %dma_start3A_47 = tpu.memref_slice %arg3[%dma_start3A_45, %dma_start3A_46] : memref<1000000x32xf32, #tpu.memory_space<hbm>> -> memref<1000000x32xf32, #tpu.memory_space<hbm>>
    %dma_start3A_48 = tpu.memref_slice %arg7[%dma_start3A_37] : memref<2x!tpu.dma_semaphore, #tpu.memory_space<semaphore_mem>> -> memref<1x!tpu.dma_semaphore, #tpu.memory_space<semaphore_mem>>
    %dma_start3A_49 = tpu.memref_squeeze %dma_start3A_48 : memref<1x!tpu.dma_semaphore, #tpu.memory_space<semaphore_mem>> -> memref<!tpu.dma_semaphore, #tpu.memory_space<semaphore_mem>>
    tpu.enqueue_indirect_dma source(%dma_start3A_47 : memref<1000000x32xf32, #tpu.memory_space<hbm>>) target(%dma_start3A_41 : memref<50x32xf32, #tpu.memory_space<vmem>>) offsets(%dma_start3A_44 : memref<50xi32, #tpu.memory_space<vmem>>) semaphore(%dma_start3A_49 : memref<!tpu.dma_semaphore, #tpu.memory_space<semaphore_mem>>)
    %dma_start3A_50 = arith.constant 3 : i32
    %dma_start3A_51 = arith.constant 0 : i32
    %dma_start3A_52 = arith.constant 3 : i32
    %dma_start3A_53 = arith.constant 0 : i32
    %dma_start3A_54 = arith.constant 0 : i32
    %dma_start3A_55 = arith.constant 0 : i32
    %dma_start3A_56 = tpu.memref_slice %arg6[%dma_start3A_51, %dma_start3A_52, %dma_start3A_54, %dma_start3A_55] : memref<2x16x50x32xf32, #tpu.memory_space<vmem>> -> memref<1x1x50x32xf32, #tpu.memory_space<vmem>>
    %dma_start3A_57 = tpu.memref_squeeze %dma_start3A_56 : memref<1x1x50x32xf32, #tpu.memory_space<vmem>> -> memref<50x32xf32, #tpu.memory_space<vmem>>
    %dma_start3A_58 = arith.constant 0 : i32
    %dma_start3A_59 = tpu.memref_slice %arg5[%dma_start3A_50, %dma_start3A_58] : memref<512x50xi32, #tpu.memory_space<vmem>> -> memref<1x50xi32, #tpu.memory_space<vmem>>
    %dma_start3A_60 = tpu.memref_squeeze %dma_start3A_59 : memref<1x50xi32, #tpu.memory_space<vmem>> -> memref<50xi32, #tpu.memory_space<vmem>>
    %dma_start3A_61 = arith.constant 0 : i32
    %dma_start3A_62 = arith.constant 0 : i32
    %dma_start3A_63 = tpu.memref_slice %arg3[%dma_start3A_61, %dma_start3A_62] : memref<1000000x32xf32, #tpu.memory_space<hbm>> -> memref<1000000x32xf32, #tpu.memory_space<hbm>>
    %dma_start3A_64 = tpu.memref_slice %arg7[%dma_start3A_53] : memref<2x!tpu.dma_semaphore, #tpu.memory_space<semaphore_mem>> -> memref<1x!tpu.dma_semaphore, #tpu.memory_space<semaphore_mem>>
    %dma_start3A_65 = tpu.memref_squeeze %dma_start3A_64 : memref<1x!tpu.dma_semaphore, #tpu.memory_space<semaphore_mem>> -> memref<!tpu.dma_semaphore, #tpu.memory_space<semaphore_mem>>
    tpu.enqueue_indirect_dma source(%dma_start3A_63 : memref<1000000x32xf32, #tpu.memory_space<hbm>>) target(%dma_start3A_57 : memref<50x32xf32, #tpu.memory_space<vmem>>) offsets(%dma_start3A_60 : memref<50xi32, #tpu.memory_space<vmem>>) semaphore(%dma_start3A_65 : memref<!tpu.dma_semaphore, #tpu.memory_space<semaphore_mem>>)
    %dma_start3A_66 = arith.constant 4 : i32
    %dma_start3A_67 = arith.constant 0 : i32
    %dma_start3A_68 = arith.constant 4 : i32
    %dma_start3A_69 = arith.constant 0 : i32
    %dma_start3A_70 = arith.constant 0 : i32
    %dma_start3A_71 = arith.constant 0 : i32
    %dma_start3A_72 = tpu.memref_slice %arg6[%dma_start3A_67, %dma_start3A_68, %dma_start3A_70, %dma_start3A_71] : memref<2x16x50x32xf32, #tpu.memory_space<vmem>> -> memref<1x1x50x32xf32, #tpu.memory_space<vmem>>
    %dma_start3A_73 = tpu.memref_squeeze %dma_start3A_72 : memref<1x1x50x32xf32, #tpu.memory_space<vmem>> -> memref<50x32xf32, #tpu.memory_space<vmem>>
    %dma_start3A_74 = arith.constant 0 : i32
    %dma_start3A_75 = tpu.memref_slice %arg5[%dma_start3A_66, %dma_start3A_74] : memref<512x50xi32, #tpu.memory_space<vmem>> -> memref<1x50xi32, #tpu.memory_space<vmem>>
    %dma_start3A_76 = tpu.memref_squeeze %dma_start3A_75 : memref<1x50xi32, #tpu.memory_space<vmem>> -> memref<50xi32, #tpu.memory_space<vmem>>
    %dma_start3A_77 = arith.constant 0 : i32
    %dma_start3A_78 = arith.constant 0 : i32
    %dma_start3A_79 = tpu.memref_slice %arg3[%dma_start3A_77, %dma_start3A_78] : memref<1000000x32xf32, #tpu.memory_space<hbm>> -> memref<1000000x32xf32, #tpu.memory_space<hbm>>
    %dma_start3A_80 = tpu.memref_slice %arg7[%dma_start3A_69] : memref<2x!tpu.dma_semaphore, #tpu.memory_space<semaphore_mem>> -> memref<1x!tpu.dma_semaphore, #tpu.memory_space<semaphore_mem>>
    %dma_start3A_81 = tpu.memref_squeeze %dma_start3A_80 : memref<1x!tpu.dma_semaphore, #tpu.memory_space<semaphore_mem>> -> memref<!tpu.dma_semaphore, #tpu.memory_space<semaphore_mem>>
    tpu.enqueue_indirect_dma source(%dma_start3A_79 : memref<1000000x32xf32, #tpu.memory_space<hbm>>) target(%dma_start3A_73 : memref<50x32xf32, #tpu.memory_space<vmem>>) offsets(%dma_start3A_76 : memref<50xi32, #tpu.memory_space<vmem>>) semaphore(%dma_start3A_81 : memref<!tpu.dma_semaphore, #tpu.memory_space<semaphore_mem>>)
    %dma_start3A_82 = arith.constant 5 : i32
    %dma_start3A_83 = arith.constant 0 : i32
    %dma_start3A_84 = arith.constant 5 : i32
    %dma_start3A_85 = arith.constant 0 : i32
    %dma_start3A_86 = arith.constant 0 : i32
    %dma_start3A_87 = arith.constant 0 : i32
    %dma_start3A_88 = tpu.memref_slice %arg6[%dma_start3A_83, %dma_start3A_84, %dma_start3A_86, %dma_start3A_87] : memref<2x16x50x32xf32, #tpu.memory_space<vmem>> -> memref<1x1x50x32xf32, #tpu.memory_space<vmem>>
    %dma_start3A_89 = tpu.memref_squeeze %dma_start3A_88 : memref<1x1x50x32xf32, #tpu.memory_space<vmem>> -> memref<50x32xf32, #tpu.memory_space<vmem>>
    %dma_start3A_90 = arith.constant 0 : i32
    %dma_start3A_91 = tpu.memref_slice %arg5[%dma_start3A_82, %dma_start3A_90] : memref<512x50xi32, #tpu.memory_space<vmem>> -> memref<1x50xi32, #tpu.memory_space<vmem>>
    %dma_start3A_92 = tpu.memref_squeeze %dma_start3A_91 : memref<1x50xi32, #tpu.memory_space<vmem>> -> memref<50xi32, #tpu.memory_space<vmem>>
    %dma_start3A_93 = arith.constant 0 : i32
    %dma_start3A_94 = arith.constant 0 : i32
    %dma_start3A_95 = tpu.memref_slice %arg3[%dma_start3A_93, %dma_start3A_94] : memref<1000000x32xf32, #tpu.memory_space<hbm>> -> memref<1000000x32xf32, #tpu.memory_space<hbm>>
    %dma_start3A_96 = tpu.memref_slice %arg7[%dma_start3A_85] : memref<2x!tpu.dma_semaphore, #tpu.memory_space<semaphore_mem>> -> memref<1x!tpu.dma_semaphore, #tpu.memory_space<semaphore_mem>>
    %dma_start3A_97 = tpu.memref_squeeze %dma_start3A_96 : memref<1x!tpu.dma_semaphore, #tpu.memory_space<semaphore_mem>> -> memref<!tpu.dma_semaphore, #tpu.memory_space<semaphore_mem>>
    tpu.enqueue_indirect_dma source(%dma_start3A_95 : memref<1000000x32xf32, #tpu.memory_space<hbm>>) target(%dma_start3A_89 : memref<50x32xf32, #tpu.memory_space<vmem>>) offsets(%dma_start3A_92 : memref<50xi32, #tpu.memory_space<vmem>>) semaphore(%dma_start3A_97 : memref<!tpu.dma_semaphore, #tpu.memory_space<semaphore_mem>>)
    %dma_start3A_98 = arith.constant 6 : i32
    %dma_start3A_99 = arith.constant 0 : i32
    %dma_start3A_100 = arith.constant 6 : i32
    %dma_start3A_101 = arith.constant 0 : i32
    %dma_start3A_102 = arith.constant 0 : i32
    %dma_start3A_103 = arith.constant 0 : i32
    %dma_start3A_104 = tpu.memref_slice %arg6[%dma_start3A_99, %dma_start3A_100, %dma_start3A_102, %dma_start3A_103] : memref<2x16x50x32xf32, #tpu.memory_space<vmem>> -> memref<1x1x50x32xf32, #tpu.memory_space<vmem>>
    %dma_start3A_105 = tpu.memref_squeeze %dma_start3A_104 : memref<1x1x50x32xf32, #tpu.memory_space<vmem>> -> memref<50x32xf32, #tpu.memory_space<vmem>>
    %dma_start3A_106 = arith.constant 0 : i32
    %dma_start3A_107 = tpu.memref_slice %arg5[%dma_start3A_98, %dma_start3A_106] : memref<512x50xi32, #tpu.memory_space<vmem>> -> memref<1x50xi32, #tpu.memory_space<vmem>>
    %dma_start3A_108 = tpu.memref_squeeze %dma_start3A_107 : memref<1x50xi32, #tpu.memory_space<vmem>> -> memref<50xi32, #tpu.memory_space<vmem>>
    %dma_start3A_109 = arith.constant 0 : i32
    %dma_start3A_110 = arith.constant 0 : i32
    %dma_start3A_111 = tpu.memref_slice %arg3[%dma_start3A_109, %dma_start3A_110] : memref<1000000x32xf32, #tpu.memory_space<hbm>> -> memref<1000000x32xf32, #tpu.memory_space<hbm>>
    %dma_start3A_112 = tpu.memref_slice %arg7[%dma_start3A_101] : memref<2x!tpu.dma_semaphore, #tpu.memory_space<semaphore_mem>> -> memref<1x!tpu.dma_semaphore, #tpu.memory_space<semaphore_mem>>
    %dma_start3A_113 = tpu.memref_squeeze %dma_start3A_112 : memref<1x!tpu.dma_semaphore, #tpu.memory_space<semaphore_mem>> -> memref<!tpu.dma_semaphore, #tpu.memory_space<semaphore_mem>>
    tpu.enqueue_indirect_dma source(%dma_start3A_111 : memref<1000000x32xf32, #tpu.memory_space<hbm>>) target(%dma_start3A_105 : memref<50x32xf32, #tpu.memory_space<vmem>>) offsets(%dma_start3A_108 : memref<50xi32, #tpu.memory_space<vmem>>) semaphore(%dma_start3A_113 : memref<!tpu.dma_semaphore, #tpu.memory_space<semaphore_mem>>)
    %dma_start3A_114 = arith.constant 7 : i32
    %dma_start3A_115 = arith.constant 0 : i32
    %dma_start3A_116 = arith.constant 7 : i32
    %dma_start3A_117 = arith.constant 0 : i32
    %dma_start3A_118 = arith.constant 0 : i32
    %dma_start3A_119 = arith.constant 0 : i32
    %dma_start3A_120 = tpu.memref_slice %arg6[%dma_start3A_115, %dma_start3A_116, %dma_start3A_118, %dma_start3A_119] : memref<2x16x50x32xf32, #tpu.memory_space<vmem>> -> memref<1x1x50x32xf32, #tpu.memory_space<vmem>>
    %dma_start3A_121 = tpu.memref_squeeze %dma_start3A_120 : memref<1x1x50x32xf32, #tpu.memory_space<vmem>> -> memref<50x32xf32, #tpu.memory_space<vmem>>
    %dma_start3A_122 = arith.constant 0 : i32
    %dma_start3A_123 = tpu.memref_slice %arg5[%dma_start3A_114, %dma_start3A_122] : memref<512x50xi32, #tpu.memory_space<vmem>> -> memref<1x50xi32, #tpu.memory_space<vmem>>
    %dma_start3A_124 = tpu.memref_squeeze %dma_start3A_123 : memref<1x50xi32, #tpu.memory_space<vmem>> -> memref<50xi32, #tpu.memory_space<vmem>>
    %dma_start3A_125 = arith.constant 0 : i32
    %dma_start3A_126 = arith.constant 0 : i32
    %dma_start3A_127 = tpu.memref_slice %arg3[%dma_start3A_125, %dma_start3A_126] : memref<1000000x32xf32, #tpu.memory_space<hbm>> -> memref<1000000x32xf32, #tpu.memory_space<hbm>>
    %dma_start3A_128 = tpu.memref_slice %arg7[%dma_start3A_117] : memref<2x!tpu.dma_semaphore, #tpu.memory_space<semaphore_mem>> -> memref<1x!tpu.dma_semaphore, #tpu.memory_space<semaphore_mem>>
    %dma_start3A_129 = tpu.memref_squeeze %dma_start3A_128 : memref<1x!tpu.dma_semaphore, #tpu.memory_space<semaphore_mem>> -> memref<!tpu.dma_semaphore, #tpu.memory_space<semaphore_mem>>
    tpu.enqueue_indirect_dma source(%dma_start3A_127 : memref<1000000x32xf32, #tpu.memory_space<hbm>>) target(%dma_start3A_121 : memref<50x32xf32, #tpu.memory_space<vmem>>) offsets(%dma_start3A_124 : memref<50xi32, #tpu.memory_space<vmem>>) semaphore(%dma_start3A_129 : memref<!tpu.dma_semaphore, #tpu.memory_space<semaphore_mem>>)
    %dma_start3A_130 = arith.constant 8 : i32
    %dma_start3A_131 = arith.constant 0 : i32
    %dma_start3A_132 = arith.constant 8 : i32
    %dma_start3A_133 = arith.constant 0 : i32
    %dma_start3A_134 = arith.constant 0 : i32
    %dma_start3A_135 = arith.constant 0 : i32
    %dma_start3A_136 = tpu.memref_slice %arg6[%dma_start3A_131, %dma_start3A_132, %dma_start3A_134, %dma_start3A_135] : memref<2x16x50x32xf32, #tpu.memory_space<vmem>> -> memref<1x1x50x32xf32, #tpu.memory_space<vmem>>
    %dma_start3A_137 = tpu.memref_squeeze %dma_start3A_136 : memref<1x1x50x32xf32, #tpu.memory_space<vmem>> -> memref<50x32xf32, #tpu.memory_space<vmem>>
    %dma_start3A_138 = arith.constant 0 : i32
    %dma_start3A_139 = tpu.memref_slice %arg5[%dma_start3A_130, %dma_start3A_138] : memref<512x50xi32, #tpu.memory_space<vmem>> -> memref<1x50xi32, #tpu.memory_space<vmem>>
    %dma_start3A_140 = tpu.memref_squeeze %dma_start3A_139 : memref<1x50xi32, #tpu.memory_space<vmem>> -> memref<50xi32, #tpu.memory_space<vmem>>
    %dma_start3A_141 = arith.constant 0 : i32
    %dma_start3A_142 = arith.constant 0 : i32
    %dma_start3A_143 = tpu.memref_slice %arg3[%dma_start3A_141, %dma_start3A_142] : memref<1000000x32xf32, #tpu.memory_space<hbm>> -> memref<1000000x32xf32, #tpu.memory_space<hbm>>
    %dma_start3A_144 = tpu.memref_slice %arg7[%dma_start3A_133] : memref<2x!tpu.dma_semaphore, #tpu.memory_space<semaphore_mem>> -> memref<1x!tpu.dma_semaphore, #tpu.memory_space<semaphore_mem>>
    %dma_start3A_145 = tpu.memref_squeeze %dma_start3A_144 : memref<1x!tpu.dma_semaphore, #tpu.memory_space<semaphore_mem>> -> memref<!tpu.dma_semaphore, #tpu.memory_space<semaphore_mem>>
    tpu.enqueue_indirect_dma source(%dma_start3A_143 : memref<1000000x32xf32, #tpu.memory_space<hbm>>) target(%dma_start3A_137 : memref<50x32xf32, #tpu.memory_space<vmem>>) offsets(%dma_start3A_140 : memref<50xi32, #tpu.memory_space<vmem>>) semaphore(%dma_start3A_145 : memref<!tpu.dma_semaphore, #tpu.memory_space<semaphore_mem>>)
    %dma_start3A_146 = arith.constant 9 : i32
    %dma_start3A_147 = arith.constant 0 : i32
    %dma_start3A_148 = arith.constant 9 : i32
    %dma_start3A_149 = arith.constant 0 : i32
    %dma_start3A_150 = arith.constant 0 : i32
    %dma_start3A_151 = arith.constant 0 : i32
    %dma_start3A_152 = tpu.memref_slice %arg6[%dma_start3A_147, %dma_start3A_148, %dma_start3A_150, %dma_start3A_151] : memref<2x16x50x32xf32, #tpu.memory_space<vmem>> -> memref<1x1x50x32xf32, #tpu.memory_space<vmem>>
    %dma_start3A_153 = tpu.memref_squeeze %dma_start3A_152 : memref<1x1x50x32xf32, #tpu.memory_space<vmem>> -> memref<50x32xf32, #tpu.memory_space<vmem>>
    %dma_start3A_154 = arith.constant 0 : i32
    %dma_start3A_155 = tpu.memref_slice %arg5[%dma_start3A_146, %dma_start3A_154] : memref<512x50xi32, #tpu.memory_space<vmem>> -> memref<1x50xi32, #tpu.memory_space<vmem>>
    %dma_start3A_156 = tpu.memref_squeeze %dma_start3A_155 : memref<1x50xi32, #tpu.memory_space<vmem>> -> memref<50xi32, #tpu.memory_space<vmem>>
    %dma_start3A_157 = arith.constant 0 : i32
    %dma_start3A_158 = arith.constant 0 : i32
    %dma_start3A_159 = tpu.memref_slice %arg3[%dma_start3A_157, %dma_start3A_158] : memref<1000000x32xf32, #tpu.memory_space<hbm>> -> memref<1000000x32xf32, #tpu.memory_space<hbm>>
    %dma_start3A_160 = tpu.memref_slice %arg7[%dma_start3A_149] : memref<2x!tpu.dma_semaphore, #tpu.memory_space<semaphore_mem>> -> memref<1x!tpu.dma_semaphore, #tpu.memory_space<semaphore_mem>>
    %dma_start3A_161 = tpu.memref_squeeze %dma_start3A_160 : memref<1x!tpu.dma_semaphore, #tpu.memory_space<semaphore_mem>> -> memref<!tpu.dma_semaphore, #tpu.memory_space<semaphore_mem>>
    tpu.enqueue_indirect_dma source(%dma_start3A_159 : memref<1000000x32xf32, #tpu.memory_space<hbm>>) target(%dma_start3A_153 : memref<50x32xf32, #tpu.memory_space<vmem>>) offsets(%dma_start3A_156 : memref<50xi32, #tpu.memory_space<vmem>>) semaphore(%dma_start3A_161 : memref<!tpu.dma_semaphore, #tpu.memory_space<semaphore_mem>>)
    %dma_start3A_162 = arith.constant 10 : i32
    %dma_start3A_163 = arith.constant 0 : i32
    %dma_start3A_164 = arith.constant 10 : i32
    %dma_start3A_165 = arith.constant 0 : i32
    %dma_start3A_166 = arith.constant 0 : i32
    %dma_start3A_167 = arith.constant 0 : i32
    %dma_start3A_168 = tpu.memref_slice %arg6[%dma_start3A_163, %dma_start3A_164, %dma_start3A_166, %dma_start3A_167] : memref<2x16x50x32xf32, #tpu.memory_space<vmem>> -> memref<1x1x50x32xf32, #tpu.memory_space<vmem>>
    %dma_start3A_169 = tpu.memref_squeeze %dma_start3A_168 : memref<1x1x50x32xf32, #tpu.memory_space<vmem>> -> memref<50x32xf32, #tpu.memory_space<vmem>>
    %dma_start3A_170 = arith.constant 0 : i32
    %dma_start3A_171 = tpu.memref_slice %arg5[%dma_start3A_162, %dma_start3A_170] : memref<512x50xi32, #tpu.memory_space<vmem>> -> memref<1x50xi32, #tpu.memory_space<vmem>>
    %dma_start3A_172 = tpu.memref_squeeze %dma_start3A_171 : memref<1x50xi32, #tpu.memory_space<vmem>> -> memref<50xi32, #tpu.memory_space<vmem>>
    %dma_start3A_173 = arith.constant 0 : i32
    %dma_start3A_174 = arith.constant 0 : i32
    %dma_start3A_175 = tpu.memref_slice %arg3[%dma_start3A_173, %dma_start3A_174] : memref<1000000x32xf32, #tpu.memory_space<hbm>> -> memref<1000000x32xf32, #tpu.memory_space<hbm>>
    %dma_start3A_176 = tpu.memref_slice %arg7[%dma_start3A_165] : memref<2x!tpu.dma_semaphore, #tpu.memory_space<semaphore_mem>> -> memref<1x!tpu.dma_semaphore, #tpu.memory_space<semaphore_mem>>
    %dma_start3A_177 = tpu.memref_squeeze %dma_start3A_176 : memref<1x!tpu.dma_semaphore, #tpu.memory_space<semaphore_mem>> -> memref<!tpu.dma_semaphore, #tpu.memory_space<semaphore_mem>>
    tpu.enqueue_indirect_dma source(%dma_start3A_175 : memref<1000000x32xf32, #tpu.memory_space<hbm>>) target(%dma_start3A_169 : memref<50x32xf32, #tpu.memory_space<vmem>>) offsets(%dma_start3A_172 : memref<50xi32, #tpu.memory_space<vmem>>) semaphore(%dma_start3A_177 : memref<!tpu.dma_semaphore, #tpu.memory_space<semaphore_mem>>)
    %dma_start3A_178 = arith.constant 11 : i32
    %dma_start3A_179 = arith.constant 0 : i32
    %dma_start3A_180 = arith.constant 11 : i32
    %dma_start3A_181 = arith.constant 0 : i32
    %dma_start3A_182 = arith.constant 0 : i32
    %dma_start3A_183 = arith.constant 0 : i32
    %dma_start3A_184 = tpu.memref_slice %arg6[%dma_start3A_179, %dma_start3A_180, %dma_start3A_182, %dma_start3A_183] : memref<2x16x50x32xf32, #tpu.memory_space<vmem>> -> memref<1x1x50x32xf32, #tpu.memory_space<vmem>>
    %dma_start3A_185 = tpu.memref_squeeze %dma_start3A_184 : memref<1x1x50x32xf32, #tpu.memory_space<vmem>> -> memref<50x32xf32, #tpu.memory_space<vmem>>
    %dma_start3A_186 = arith.constant 0 : i32
    %dma_start3A_187 = tpu.memref_slice %arg5[%dma_start3A_178, %dma_start3A_186] : memref<512x50xi32, #tpu.memory_space<vmem>> -> memref<1x50xi32, #tpu.memory_space<vmem>>
    %dma_start3A_188 = tpu.memref_squeeze %dma_start3A_187 : memref<1x50xi32, #tpu.memory_space<vmem>> -> memref<50xi32, #tpu.memory_space<vmem>>
    %dma_start3A_189 = arith.constant 0 : i32
    %dma_start3A_190 = arith.constant 0 : i32
    %dma_start3A_191 = tpu.memref_slice %arg3[%dma_start3A_189, %dma_start3A_190] : memref<1000000x32xf32, #tpu.memory_space<hbm>> -> memref<1000000x32xf32, #tpu.memory_space<hbm>>
    %dma_start3A_192 = tpu.memref_slice %arg7[%dma_start3A_181] : memref<2x!tpu.dma_semaphore, #tpu.memory_space<semaphore_mem>> -> memref<1x!tpu.dma_semaphore, #tpu.memory_space<semaphore_mem>>
    %dma_start3A_193 = tpu.memref_squeeze %dma_start3A_192 : memref<1x!tpu.dma_semaphore, #tpu.memory_space<semaphore_mem>> -> memref<!tpu.dma_semaphore, #tpu.memory_space<semaphore_mem>>
    tpu.enqueue_indirect_dma source(%dma_start3A_191 : memref<1000000x32xf32, #tpu.memory_space<hbm>>) target(%dma_start3A_185 : memref<50x32xf32, #tpu.memory_space<vmem>>) offsets(%dma_start3A_188 : memref<50xi32, #tpu.memory_space<vmem>>) semaphore(%dma_start3A_193 : memref<!tpu.dma_semaphore, #tpu.memory_space<semaphore_mem>>)
    %dma_start3A_194 = arith.constant 12 : i32
    %dma_start3A_195 = arith.constant 0 : i32
    %dma_start3A_196 = arith.constant 12 : i32
    %dma_start3A_197 = arith.constant 0 : i32
    %dma_start3A_198 = arith.constant 0 : i32
    %dma_start3A_199 = arith.constant 0 : i32
    %dma_start3A_200 = tpu.memref_slice %arg6[%dma_start3A_195, %dma_start3A_196, %dma_start3A_198, %dma_start3A_199] : memref<2x16x50x32xf32, #tpu.memory_space<vmem>> -> memref<1x1x50x32xf32, #tpu.memory_space<vmem>>
    %dma_start3A_201 = tpu.memref_squeeze %dma_start3A_200 : memref<1x1x50x32xf32, #tpu.memory_space<vmem>> -> memref<50x32xf32, #tpu.memory_space<vmem>>
    %dma_start3A_202 = arith.constant 0 : i32
    %dma_start3A_203 = tpu.memref_slice %arg5[%dma_start3A_194, %dma_start3A_202] : memref<512x50xi32, #tpu.memory_space<vmem>> -> memref<1x50xi32, #tpu.memory_space<vmem>>
    %dma_start3A_204 = tpu.memref_squeeze %dma_start3A_203 : memref<1x50xi32, #tpu.memory_space<vmem>> -> memref<50xi32, #tpu.memory_space<vmem>>
    %dma_start3A_205 = arith.constant 0 : i32
    %dma_start3A_206 = arith.constant 0 : i32
    %dma_start3A_207 = tpu.memref_slice %arg3[%dma_start3A_205, %dma_start3A_206] : memref<1000000x32xf32, #tpu.memory_space<hbm>> -> memref<1000000x32xf32, #tpu.memory_space<hbm>>
    %dma_start3A_208 = tpu.memref_slice %arg7[%dma_start3A_197] : memref<2x!tpu.dma_semaphore, #tpu.memory_space<semaphore_mem>> -> memref<1x!tpu.dma_semaphore, #tpu.memory_space<semaphore_mem>>
    %dma_start3A_209 = tpu.memref_squeeze %dma_start3A_208 : memref<1x!tpu.dma_semaphore, #tpu.memory_space<semaphore_mem>> -> memref<!tpu.dma_semaphore, #tpu.memory_space<semaphore_mem>>
    tpu.enqueue_indirect_dma source(%dma_start3A_207 : memref<1000000x32xf32, #tpu.memory_space<hbm>>) target(%dma_start3A_201 : memref<50x32xf32, #tpu.memory_space<vmem>>) offsets(%dma_start3A_204 : memref<50xi32, #tpu.memory_space<vmem>>) semaphore(%dma_start3A_209 : memref<!tpu.dma_semaphore, #tpu.memory_space<semaphore_mem>>)
    %dma_start3A_210 = arith.constant 13 : i32
    %dma_start3A_211 = arith.constant 0 : i32
    %dma_start3A_212 = arith.constant 13 : i32
    %dma_start3A_213 = arith.constant 0 : i32
    %dma_start3A_214 = arith.constant 0 : i32
    %dma_start3A_215 = arith.constant 0 : i32
    %dma_start3A_216 = tpu.memref_slice %arg6[%dma_start3A_211, %dma_start3A_212, %dma_start3A_214, %dma_start3A_215] : memref<2x16x50x32xf32, #tpu.memory_space<vmem>> -> memref<1x1x50x32xf32, #tpu.memory_space<vmem>>
    %dma_start3A_217 = tpu.memref_squeeze %dma_start3A_216 : memref<1x1x50x32xf32, #tpu.memory_space<vmem>> -> memref<50x32xf32, #tpu.memory_space<vmem>>
    %dma_start3A_218 = arith.constant 0 : i32
    %dma_start3A_219 = tpu.memref_slice %arg5[%dma_start3A_210, %dma_start3A_218] : memref<512x50xi32, #tpu.memory_space<vmem>> -> memref<1x50xi32, #tpu.memory_space<vmem>>
    %dma_start3A_220 = tpu.memref_squeeze %dma_start3A_219 : memref<1x50xi32, #tpu.memory_space<vmem>> -> memref<50xi32, #tpu.memory_space<vmem>>
    %dma_start3A_221 = arith.constant 0 : i32
    %dma_start3A_222 = arith.constant 0 : i32
    %dma_start3A_223 = tpu.memref_slice %arg3[%dma_start3A_221, %dma_start3A_222] : memref<1000000x32xf32, #tpu.memory_space<hbm>> -> memref<1000000x32xf32, #tpu.memory_space<hbm>>
    %dma_start3A_224 = tpu.memref_slice %arg7[%dma_start3A_213] : memref<2x!tpu.dma_semaphore, #tpu.memory_space<semaphore_mem>> -> memref<1x!tpu.dma_semaphore, #tpu.memory_space<semaphore_mem>>
    %dma_start3A_225 = tpu.memref_squeeze %dma_start3A_224 : memref<1x!tpu.dma_semaphore, #tpu.memory_space<semaphore_mem>> -> memref<!tpu.dma_semaphore, #tpu.memory_space<semaphore_mem>>
    tpu.enqueue_indirect_dma source(%dma_start3A_223 : memref<1000000x32xf32, #tpu.memory_space<hbm>>) target(%dma_start3A_217 : memref<50x32xf32, #tpu.memory_space<vmem>>) offsets(%dma_start3A_220 : memref<50xi32, #tpu.memory_space<vmem>>) semaphore(%dma_start3A_225 : memref<!tpu.dma_semaphore, #tpu.memory_space<semaphore_mem>>)
    %dma_start3A_226 = arith.constant 14 : i32
    %dma_start3A_227 = arith.constant 0 : i32
    %dma_start3A_228 = arith.constant 14 : i32
    %dma_start3A_229 = arith.constant 0 : i32
    %dma_start3A_230 = arith.constant 0 : i32
    %dma_start3A_231 = arith.constant 0 : i32
    %dma_start3A_232 = tpu.memref_slice %arg6[%dma_start3A_227, %dma_start3A_228, %dma_start3A_230, %dma_start3A_231] : memref<2x16x50x32xf32, #tpu.memory_space<vmem>> -> memref<1x1x50x32xf32, #tpu.memory_space<vmem>>
    %dma_start3A_233 = tpu.memref_squeeze %dma_start3A_232 : memref<1x1x50x32xf32, #tpu.memory_space<vmem>> -> memref<50x32xf32, #tpu.memory_space<vmem>>
    %dma_start3A_234 = arith.constant 0 : i32
    %dma_start3A_235 = tpu.memref_slice %arg5[%dma_start3A_226, %dma_start3A_234] : memref<512x50xi32, #tpu.memory_space<vmem>> -> memref<1x50xi32, #tpu.memory_space<vmem>>
    %dma_start3A_236 = tpu.memref_squeeze %dma_start3A_235 : memref<1x50xi32, #tpu.memory_space<vmem>> -> memref<50xi32, #tpu.memory_space<vmem>>
    %dma_start3A_237 = arith.constant 0 : i32
    %dma_start3A_238 = arith.constant 0 : i32
    %dma_start3A_239 = tpu.memref_slice %arg3[%dma_start3A_237, %dma_start3A_238] : memref<1000000x32xf32, #tpu.memory_space<hbm>> -> memref<1000000x32xf32, #tpu.memory_space<hbm>>
    %dma_start3A_240 = tpu.memref_slice %arg7[%dma_start3A_229] : memref<2x!tpu.dma_semaphore, #tpu.memory_space<semaphore_mem>> -> memref<1x!tpu.dma_semaphore, #tpu.memory_space<semaphore_mem>>
    %dma_start3A_241 = tpu.memref_squeeze %dma_start3A_240 : memref<1x!tpu.dma_semaphore, #tpu.memory_space<semaphore_mem>> -> memref<!tpu.dma_semaphore, #tpu.memory_space<semaphore_mem>>
    tpu.enqueue_indirect_dma source(%dma_start3A_239 : memref<1000000x32xf32, #tpu.memory_space<hbm>>) target(%dma_start3A_233 : memref<50x32xf32, #tpu.memory_space<vmem>>) offsets(%dma_start3A_236 : memref<50xi32, #tpu.memory_space<vmem>>) semaphore(%dma_start3A_241 : memref<!tpu.dma_semaphore, #tpu.memory_space<semaphore_mem>>)
    %dma_start3A_242 = arith.constant 15 : i32
    %dma_start3A_243 = arith.constant 0 : i32
    %dma_start3A_244 = arith.constant 15 : i32
    %dma_start3A_245 = arith.constant 0 : i32
    %dma_start3A_246 = arith.constant 0 : i32
    %dma_start3A_247 = arith.constant 0 : i32
    %dma_start3A_248 = tpu.memref_slice %arg6[%dma_start3A_243, %dma_start3A_244, %dma_start3A_246, %dma_start3A_247] : memref<2x16x50x32xf32, #tpu.memory_space<vmem>> -> memref<1x1x50x32xf32, #tpu.memory_space<vmem>>
    %dma_start3A_249 = tpu.memref_squeeze %dma_start3A_248 : memref<1x1x50x32xf32, #tpu.memory_space<vmem>> -> memref<50x32xf32, #tpu.memory_space<vmem>>
    %dma_start3A_250 = arith.constant 0 : i32
    %dma_start3A_251 = tpu.memref_slice %arg5[%dma_start3A_242, %dma_start3A_250] : memref<512x50xi32, #tpu.memory_space<vmem>> -> memref<1x50xi32, #tpu.memory_space<vmem>>
    %dma_start3A_252 = tpu.memref_squeeze %dma_start3A_251 : memref<1x50xi32, #tpu.memory_space<vmem>> -> memref<50xi32, #tpu.memory_space<vmem>>
    %dma_start3A_253 = arith.constant 0 : i32
    %dma_start3A_254 = arith.constant 0 : i32
    %dma_start3A_255 = tpu.memref_slice %arg3[%dma_start3A_253, %dma_start3A_254] : memref<1000000x32xf32, #tpu.memory_space<hbm>> -> memref<1000000x32xf32, #tpu.memory_space<hbm>>
    %dma_start3A_256 = tpu.memref_slice %arg7[%dma_start3A_245] : memref<2x!tpu.dma_semaphore, #tpu.memory_space<semaphore_mem>> -> memref<1x!tpu.dma_semaphore, #tpu.memory_space<semaphore_mem>>
    %dma_start3A_257 = tpu.memref_squeeze %dma_start3A_256 : memref<1x!tpu.dma_semaphore, #tpu.memory_space<semaphore_mem>> -> memref<!tpu.dma_semaphore, #tpu.memory_space<semaphore_mem>>
    tpu.enqueue_indirect_dma source(%dma_start3A_255 : memref<1000000x32xf32, #tpu.memory_space<hbm>>) target(%dma_start3A_249 : memref<50x32xf32, #tpu.memory_space<vmem>>) offsets(%dma_start3A_252 : memref<50xi32, #tpu.memory_space<vmem>>) semaphore(%dma_start3A_257 : memref<!tpu.dma_semaphore, #tpu.memory_space<semaphore_mem>>)
    %scan3A = arith.constant 0 : i32
    %scan3A_258 = arith.constant 0 : i32
    %scan3A_259 = arith.constant 16 : i32
    %scan3A_260 = arith.addi %scan3A_258, %scan3A_259 : i32
    %scan3A_261 = arith.constant 1 : i32
    %scan3A_262 = scf.for %scan3A_264 = %scan3A_258 to %scan3A_260 step %scan3A_261 iter_args(%scan3A_265 = %scan3A) -> (i32)  : i32 {
      %mul3A_266 = arith.constant 2 : i32
      %mul3A_267 = arith.muli %scan3A_264, %mul3A_266 : i32
      %add3A_268 = arith.constant 0 : i32
      %add3A_269 = arith.addi %mul3A_267, %add3A_268 : i32
      %add3A_270 = arith.constant 1 : i32
      %add3A_271 = arith.addi %add3A_269, %add3A_270 : i32
      %lt3A = arith.constant 32 : i32
      %lt3A_272 = arith.cmpi slt, %add3A_271, %lt3A : i32
      %convert_element_type3A = arith.extui %lt3A_272 : i1 to i32
      %cond3A = arith.constant 0 : i32
      %cond3A_273 = arith.cmpi ne, %convert_element_type3A, %cond3A : i32
      scf.if %cond3A_273 {
        %mul3A_804 = arith.constant 16 : i32
        %mul3A_805 = arith.muli %add3A_271, %mul3A_804 : i32
        %add3A_806 = arith.constant 0 : i32
        %add3A_807 = arith.addi %mul3A_805, %add3A_806 : i32
        %dma_start3A_808 = arith.constant 1 : i32
        %dma_start3A_809 = arith.constant 0 : i32
        %dma_start3A_810 = arith.constant 1 : i32
        %dma_start3A_811 = arith.constant 0 : i32
        %dma_start3A_812 = arith.constant 0 : i32
        %dma_start3A_813 = tpu.memref_slice %arg6[%dma_start3A_808, %dma_start3A_809, %dma_start3A_811, %dma_start3A_812] : memref<2x16x50x32xf32, #tpu.memory_space<vmem>> -> memref<1x1x50x32xf32, #tpu.memory_space<vmem>>
        %dma_start3A_814 = tpu.memref_squeeze %dma_start3A_813 : memref<1x1x50x32xf32, #tpu.memory_space<vmem>> -> memref<50x32xf32, #tpu.memory_space<vmem>>
        %dma_start3A_815 = arith.constant 0 : i32
        %dma_start3A_816 = tpu.memref_slice %arg5[%add3A_807, %dma_start3A_815] : memref<512x50xi32, #tpu.memory_space<vmem>> -> memref<1x50xi32, #tpu.memory_space<vmem>>
        %dma_start3A_817 = tpu.memref_squeeze %dma_start3A_816 : memref<1x50xi32, #tpu.memory_space<vmem>> -> memref<50xi32, #tpu.memory_space<vmem>>
        %dma_start3A_818 = arith.constant 0 : i32
        %dma_start3A_819 = arith.constant 0 : i32
        %dma_start3A_820 = tpu.memref_slice %arg3[%dma_start3A_818, %dma_start3A_819] : memref<1000000x32xf32, #tpu.memory_space<hbm>> -> memref<1000000x32xf32, #tpu.memory_space<hbm>>
        %dma_start3A_821 = tpu.memref_slice %arg7[%dma_start3A_810] : memref<2x!tpu.dma_semaphore, #tpu.memory_space<semaphore_mem>> -> memref<1x!tpu.dma_semaphore, #tpu.memory_space<semaphore_mem>>
        %dma_start3A_822 = tpu.memref_squeeze %dma_start3A_821 : memref<1x!tpu.dma_semaphore, #tpu.memory_space<semaphore_mem>> -> memref<!tpu.dma_semaphore, #tpu.memory_space<semaphore_mem>>
        tpu.enqueue_indirect_dma source(%dma_start3A_820 : memref<1000000x32xf32, #tpu.memory_space<hbm>>) target(%dma_start3A_814 : memref<50x32xf32, #tpu.memory_space<vmem>>) offsets(%dma_start3A_817 : memref<50xi32, #tpu.memory_space<vmem>>) semaphore(%dma_start3A_822 : memref<!tpu.dma_semaphore, #tpu.memory_space<semaphore_mem>>)
        %mul3A_823 = arith.constant 16 : i32
        %mul3A_824 = arith.muli %add3A_271, %mul3A_823 : i32
        %add3A_825 = arith.constant 1 : i32
        %add3A_826 = arith.addi %mul3A_824, %add3A_825 : i32
        %dma_start3A_827 = arith.constant 1 : i32
        %dma_start3A_828 = arith.constant 1 : i32
        %dma_start3A_829 = arith.constant 1 : i32
        %dma_start3A_830 = arith.constant 0 : i32
        %dma_start3A_831 = arith.constant 0 : i32
        %dma_start3A_832 = tpu.memref_slice %arg6[%dma_start3A_827, %dma_start3A_828, %dma_start3A_830, %dma_start3A_831] : memref<2x16x50x32xf32, #tpu.memory_space<vmem>> -> memref<1x1x50x32xf32, #tpu.memory_space<vmem>>
        %dma_start3A_833 = tpu.memref_squeeze %dma_start3A_832 : memref<1x1x50x32xf32, #tpu.memory_space<vmem>> -> memref<50x32xf32, #tpu.memory_space<vmem>>
        %dma_start3A_834 = arith.constant 0 : i32
        %dma_start3A_835 = tpu.memref_slice %arg5[%add3A_826, %dma_start3A_834] : memref<512x50xi32, #tpu.memory_space<vmem>> -> memref<1x50xi32, #tpu.memory_space<vmem>>
        %dma_start3A_836 = tpu.memref_squeeze %dma_start3A_835 : memref<1x50xi32, #tpu.memory_space<vmem>> -> memref<50xi32, #tpu.memory_space<vmem>>
        %dma_start3A_837 = arith.constant 0 : i32
        %dma_start3A_838 = arith.constant 0 : i32
        %dma_start3A_839 = tpu.memref_slice %arg3[%dma_start3A_837, %dma_start3A_838] : memref<1000000x32xf32, #tpu.memory_space<hbm>> -> memref<1000000x32xf32, #tpu.memory_space<hbm>>
        %dma_start3A_840 = tpu.memref_slice %arg7[%dma_start3A_829] : memref<2x!tpu.dma_semaphore, #tpu.memory_space<semaphore_mem>> -> memref<1x!tpu.dma_semaphore, #tpu.memory_space<semaphore_mem>>
        %dma_start3A_841 = tpu.memref_squeeze %dma_start3A_840 : memref<1x!tpu.dma_semaphore, #tpu.memory_space<semaphore_mem>> -> memref<!tpu.dma_semaphore, #tpu.memory_space<semaphore_mem>>
        tpu.enqueue_indirect_dma source(%dma_start3A_839 : memref<1000000x32xf32, #tpu.memory_space<hbm>>) target(%dma_start3A_833 : memref<50x32xf32, #tpu.memory_space<vmem>>) offsets(%dma_start3A_836 : memref<50xi32, #tpu.memory_space<vmem>>) semaphore(%dma_start3A_841 : memref<!tpu.dma_semaphore, #tpu.memory_space<semaphore_mem>>)
        %mul3A_842 = arith.constant 16 : i32
        %mul3A_843 = arith.muli %add3A_271, %mul3A_842 : i32
        %add3A_844 = arith.constant 2 : i32
        %add3A_845 = arith.addi %mul3A_843, %add3A_844 : i32
        %dma_start3A_846 = arith.constant 1 : i32
        %dma_start3A_847 = arith.constant 2 : i32
        %dma_start3A_848 = arith.constant 1 : i32
        %dma_start3A_849 = arith.constant 0 : i32
        %dma_start3A_850 = arith.constant 0 : i32
        %dma_start3A_851 = tpu.memref_slice %arg6[%dma_start3A_846, %dma_start3A_847, %dma_start3A_849, %dma_start3A_850] : memref<2x16x50x32xf32, #tpu.memory_space<vmem>> -> memref<1x1x50x32xf32, #tpu.memory_space<vmem>>
        %dma_start3A_852 = tpu.memref_squeeze %dma_start3A_851 : memref<1x1x50x32xf32, #tpu.memory_space<vmem>> -> memref<50x32xf32, #tpu.memory_space<vmem>>
        %dma_start3A_853 = arith.constant 0 : i32
        %dma_start3A_854 = tpu.memref_slice %arg5[%add3A_845, %dma_start3A_853] : memref<512x50xi32, #tpu.memory_space<vmem>> -> memref<1x50xi32, #tpu.memory_space<vmem>>
        %dma_start3A_855 = tpu.memref_squeeze %dma_start3A_854 : memref<1x50xi32, #tpu.memory_space<vmem>> -> memref<50xi32, #tpu.memory_space<vmem>>
        %dma_start3A_856 = arith.constant 0 : i32
        %dma_start3A_857 = arith.constant 0 : i32
        %dma_start3A_858 = tpu.memref_slice %arg3[%dma_start3A_856, %dma_start3A_857] : memref<1000000x32xf32, #tpu.memory_space<hbm>> -> memref<1000000x32xf32, #tpu.memory_space<hbm>>
        %dma_start3A_859 = tpu.memref_slice %arg7[%dma_start3A_848] : memref<2x!tpu.dma_semaphore, #tpu.memory_space<semaphore_mem>> -> memref<1x!tpu.dma_semaphore, #tpu.memory_space<semaphore_mem>>
        %dma_start3A_860 = tpu.memref_squeeze %dma_start3A_859 : memref<1x!tpu.dma_semaphore, #tpu.memory_space<semaphore_mem>> -> memref<!tpu.dma_semaphore, #tpu.memory_space<semaphore_mem>>
        tpu.enqueue_indirect_dma source(%dma_start3A_858 : memref<1000000x32xf32, #tpu.memory_space<hbm>>) target(%dma_start3A_852 : memref<50x32xf32, #tpu.memory_space<vmem>>) offsets(%dma_start3A_855 : memref<50xi32, #tpu.memory_space<vmem>>) semaphore(%dma_start3A_860 : memref<!tpu.dma_semaphore, #tpu.memory_space<semaphore_mem>>)
        %mul3A_861 = arith.constant 16 : i32
        %mul3A_862 = arith.muli %add3A_271, %mul3A_861 : i32
        %add3A_863 = arith.constant 3 : i32
        %add3A_864 = arith.addi %mul3A_862, %add3A_863 : i32
        %dma_start3A_865 = arith.constant 1 : i32
        %dma_start3A_866 = arith.constant 3 : i32
        %dma_start3A_867 = arith.constant 1 : i32
        %dma_start3A_868 = arith.constant 0 : i32
        %dma_start3A_869 = arith.constant 0 : i32
        %dma_start3A_870 = tpu.memref_slice %arg6[%dma_start3A_865, %dma_start3A_866, %dma_start3A_868, %dma_start3A_869] : memref<2x16x50x32xf32, #tpu.memory_space<vmem>> -> memref<1x1x50x32xf32, #tpu.memory_space<vmem>>
        %dma_start3A_871 = tpu.memref_squeeze %dma_start3A_870 : memref<1x1x50x32xf32, #tpu.memory_space<vmem>> -> memref<50x32xf32, #tpu.memory_space<vmem>>
        %dma_start3A_872 = arith.constant 0 : i32
        %dma_start3A_873 = tpu.memref_slice %arg5[%add3A_864, %dma_start3A_872] : memref<512x50xi32, #tpu.memory_space<vmem>> -> memref<1x50xi32, #tpu.memory_space<vmem>>
        %dma_start3A_874 = tpu.memref_squeeze %dma_start3A_873 : memref<1x50xi32, #tpu.memory_space<vmem>> -> memref<50xi32, #tpu.memory_space<vmem>>
        %dma_start3A_875 = arith.constant 0 : i32
        %dma_start3A_876 = arith.constant 0 : i32
        %dma_start3A_877 = tpu.memref_slice %arg3[%dma_start3A_875, %dma_start3A_876] : memref<1000000x32xf32, #tpu.memory_space<hbm>> -> memref<1000000x32xf32, #tpu.memory_space<hbm>>
        %dma_start3A_878 = tpu.memref_slice %arg7[%dma_start3A_867] : memref<2x!tpu.dma_semaphore, #tpu.memory_space<semaphore_mem>> -> memref<1x!tpu.dma_semaphore, #tpu.memory_space<semaphore_mem>>
        %dma_start3A_879 = tpu.memref_squeeze %dma_start3A_878 : memref<1x!tpu.dma_semaphore, #tpu.memory_space<semaphore_mem>> -> memref<!tpu.dma_semaphore, #tpu.memory_space<semaphore_mem>>
        tpu.enqueue_indirect_dma source(%dma_start3A_877 : memref<1000000x32xf32, #tpu.memory_space<hbm>>) target(%dma_start3A_871 : memref<50x32xf32, #tpu.memory_space<vmem>>) offsets(%dma_start3A_874 : memref<50xi32, #tpu.memory_space<vmem>>) semaphore(%dma_start3A_879 : memref<!tpu.dma_semaphore, #tpu.memory_space<semaphore_mem>>)
        %mul3A_880 = arith.constant 16 : i32
        %mul3A_881 = arith.muli %add3A_271, %mul3A_880 : i32
        %add3A_882 = arith.constant 4 : i32
        %add3A_883 = arith.addi %mul3A_881, %add3A_882 : i32
        %dma_start3A_884 = arith.constant 1 : i32
        %dma_start3A_885 = arith.constant 4 : i32
        %dma_start3A_886 = arith.constant 1 : i32
        %dma_start3A_887 = arith.constant 0 : i32
        %dma_start3A_888 = arith.constant 0 : i32
        %dma_start3A_889 = tpu.memref_slice %arg6[%dma_start3A_884, %dma_start3A_885, %dma_start3A_887, %dma_start3A_888] : memref<2x16x50x32xf32, #tpu.memory_space<vmem>> -> memref<1x1x50x32xf32, #tpu.memory_space<vmem>>
        %dma_start3A_890 = tpu.memref_squeeze %dma_start3A_889 : memref<1x1x50x32xf32, #tpu.memory_space<vmem>> -> memref<50x32xf32, #tpu.memory_space<vmem>>
        %dma_start3A_891 = arith.constant 0 : i32
        %dma_start3A_892 = tpu.memref_slice %arg5[%add3A_883, %dma_start3A_891] : memref<512x50xi32, #tpu.memory_space<vmem>> -> memref<1x50xi32, #tpu.memory_space<vmem>>
        %dma_start3A_893 = tpu.memref_squeeze %dma_start3A_892 : memref<1x50xi32, #tpu.memory_space<vmem>> -> memref<50xi32, #tpu.memory_space<vmem>>
        %dma_start3A_894 = arith.constant 0 : i32
        %dma_start3A_895 = arith.constant 0 : i32
        %dma_start3A_896 = tpu.memref_slice %arg3[%dma_start3A_894, %dma_start3A_895] : memref<1000000x32xf32, #tpu.memory_space<hbm>> -> memref<1000000x32xf32, #tpu.memory_space<hbm>>
        %dma_start3A_897 = tpu.memref_slice %arg7[%dma_start3A_886] : memref<2x!tpu.dma_semaphore, #tpu.memory_space<semaphore_mem>> -> memref<1x!tpu.dma_semaphore, #tpu.memory_space<semaphore_mem>>
        %dma_start3A_898 = tpu.memref_squeeze %dma_start3A_897 : memref<1x!tpu.dma_semaphore, #tpu.memory_space<semaphore_mem>> -> memref<!tpu.dma_semaphore, #tpu.memory_space<semaphore_mem>>
        tpu.enqueue_indirect_dma source(%dma_start3A_896 : memref<1000000x32xf32, #tpu.memory_space<hbm>>) target(%dma_start3A_890 : memref<50x32xf32, #tpu.memory_space<vmem>>) offsets(%dma_start3A_893 : memref<50xi32, #tpu.memory_space<vmem>>) semaphore(%dma_start3A_898 : memref<!tpu.dma_semaphore, #tpu.memory_space<semaphore_mem>>)
        %mul3A_899 = arith.constant 16 : i32
        %mul3A_900 = arith.muli %add3A_271, %mul3A_899 : i32
        %add3A_901 = arith.constant 5 : i32
        %add3A_902 = arith.addi %mul3A_900, %add3A_901 : i32
        %dma_start3A_903 = arith.constant 1 : i32
        %dma_start3A_904 = arith.constant 5 : i32
        %dma_start3A_905 = arith.constant 1 : i32
        %dma_start3A_906 = arith.constant 0 : i32
        %dma_start3A_907 = arith.constant 0 : i32
        %dma_start3A_908 = tpu.memref_slice %arg6[%dma_start3A_903, %dma_start3A_904, %dma_start3A_906, %dma_start3A_907] : memref<2x16x50x32xf32, #tpu.memory_space<vmem>> -> memref<1x1x50x32xf32, #tpu.memory_space<vmem>>
        %dma_start3A_909 = tpu.memref_squeeze %dma_start3A_908 : memref<1x1x50x32xf32, #tpu.memory_space<vmem>> -> memref<50x32xf32, #tpu.memory_space<vmem>>
        %dma_start3A_910 = arith.constant 0 : i32
        %dma_start3A_911 = tpu.memref_slice %arg5[%add3A_902, %dma_start3A_910] : memref<512x50xi32, #tpu.memory_space<vmem>> -> memref<1x50xi32, #tpu.memory_space<vmem>>
        %dma_start3A_912 = tpu.memref_squeeze %dma_start3A_911 : memref<1x50xi32, #tpu.memory_space<vmem>> -> memref<50xi32, #tpu.memory_space<vmem>>
        %dma_start3A_913 = arith.constant 0 : i32
        %dma_start3A_914 = arith.constant 0 : i32
        %dma_start3A_915 = tpu.memref_slice %arg3[%dma_start3A_913, %dma_start3A_914] : memref<1000000x32xf32, #tpu.memory_space<hbm>> -> memref<1000000x32xf32, #tpu.memory_space<hbm>>
        %dma_start3A_916 = tpu.memref_slice %arg7[%dma_start3A_905] : memref<2x!tpu.dma_semaphore, #tpu.memory_space<semaphore_mem>> -> memref<1x!tpu.dma_semaphore, #tpu.memory_space<semaphore_mem>>
        %dma_start3A_917 = tpu.memref_squeeze %dma_start3A_916 : memref<1x!tpu.dma_semaphore, #tpu.memory_space<semaphore_mem>> -> memref<!tpu.dma_semaphore, #tpu.memory_space<semaphore_mem>>
        tpu.enqueue_indirect_dma source(%dma_start3A_915 : memref<1000000x32xf32, #tpu.memory_space<hbm>>) target(%dma_start3A_909 : memref<50x32xf32, #tpu.memory_space<vmem>>) offsets(%dma_start3A_912 : memref<50xi32, #tpu.memory_space<vmem>>) semaphore(%dma_start3A_917 : memref<!tpu.dma_semaphore, #tpu.memory_space<semaphore_mem>>)
        %mul3A_918 = arith.constant 16 : i32
        %mul3A_919 = arith.muli %add3A_271, %mul3A_918 : i32
        %add3A_920 = arith.constant 6 : i32
        %add3A_921 = arith.addi %mul3A_919, %add3A_920 : i32
        %dma_start3A_922 = arith.constant 1 : i32
        %dma_start3A_923 = arith.constant 6 : i32
        %dma_start3A_924 = arith.constant 1 : i32
        %dma_start3A_925 = arith.constant 0 : i32
        %dma_start3A_926 = arith.constant 0 : i32
        %dma_start3A_927 = tpu.memref_slice %arg6[%dma_start3A_922, %dma_start3A_923, %dma_start3A_925, %dma_start3A_926] : memref<2x16x50x32xf32, #tpu.memory_space<vmem>> -> memref<1x1x50x32xf32, #tpu.memory_space<vmem>>
        %dma_start3A_928 = tpu.memref_squeeze %dma_start3A_927 : memref<1x1x50x32xf32, #tpu.memory_space<vmem>> -> memref<50x32xf32, #tpu.memory_space<vmem>>
        %dma_start3A_929 = arith.constant 0 : i32
        %dma_start3A_930 = tpu.memref_slice %arg5[%add3A_921, %dma_start3A_929] : memref<512x50xi32, #tpu.memory_space<vmem>> -> memref<1x50xi32, #tpu.memory_space<vmem>>
        %dma_start3A_931 = tpu.memref_squeeze %dma_start3A_930 : memref<1x50xi32, #tpu.memory_space<vmem>> -> memref<50xi32, #tpu.memory_space<vmem>>
        %dma_start3A_932 = arith.constant 0 : i32
        %dma_start3A_933 = arith.constant 0 : i32
        %dma_start3A_934 = tpu.memref_slice %arg3[%dma_start3A_932, %dma_start3A_933] : memref<1000000x32xf32, #tpu.memory_space<hbm>> -> memref<1000000x32xf32, #tpu.memory_space<hbm>>
        %dma_start3A_935 = tpu.memref_slice %arg7[%dma_start3A_924] : memref<2x!tpu.dma_semaphore, #tpu.memory_space<semaphore_mem>> -> memref<1x!tpu.dma_semaphore, #tpu.memory_space<semaphore_mem>>
        %dma_start3A_936 = tpu.memref_squeeze %dma_start3A_935 : memref<1x!tpu.dma_semaphore, #tpu.memory_space<semaphore_mem>> -> memref<!tpu.dma_semaphore, #tpu.memory_space<semaphore_mem>>
        tpu.enqueue_indirect_dma source(%dma_start3A_934 : memref<1000000x32xf32, #tpu.memory_space<hbm>>) target(%dma_start3A_928 : memref<50x32xf32, #tpu.memory_space<vmem>>) offsets(%dma_start3A_931 : memref<50xi32, #tpu.memory_space<vmem>>) semaphore(%dma_start3A_936 : memref<!tpu.dma_semaphore, #tpu.memory_space<semaphore_mem>>)
        %mul3A_937 = arith.constant 16 : i32
        %mul3A_938 = arith.muli %add3A_271, %mul3A_937 : i32
        %add3A_939 = arith.constant 7 : i32
        %add3A_940 = arith.addi %mul3A_938, %add3A_939 : i32
        %dma_start3A_941 = arith.constant 1 : i32
        %dma_start3A_942 = arith.constant 7 : i32
        %dma_start3A_943 = arith.constant 1 : i32
        %dma_start3A_944 = arith.constant 0 : i32
        %dma_start3A_945 = arith.constant 0 : i32
        %dma_start3A_946 = tpu.memref_slice %arg6[%dma_start3A_941, %dma_start3A_942, %dma_start3A_944, %dma_start3A_945] : memref<2x16x50x32xf32, #tpu.memory_space<vmem>> -> memref<1x1x50x32xf32, #tpu.memory_space<vmem>>
        %dma_start3A_947 = tpu.memref_squeeze %dma_start3A_946 : memref<1x1x50x32xf32, #tpu.memory_space<vmem>> -> memref<50x32xf32, #tpu.memory_space<vmem>>
        %dma_start3A_948 = arith.constant 0 : i32
        %dma_start3A_949 = tpu.memref_slice %arg5[%add3A_940, %dma_start3A_948] : memref<512x50xi32, #tpu.memory_space<vmem>> -> memref<1x50xi32, #tpu.memory_space<vmem>>
        %dma_start3A_950 = tpu.memref_squeeze %dma_start3A_949 : memref<1x50xi32, #tpu.memory_space<vmem>> -> memref<50xi32, #tpu.memory_space<vmem>>
        %dma_start3A_951 = arith.constant 0 : i32
        %dma_start3A_952 = arith.constant 0 : i32
        %dma_start3A_953 = tpu.memref_slice %arg3[%dma_start3A_951, %dma_start3A_952] : memref<1000000x32xf32, #tpu.memory_space<hbm>> -> memref<1000000x32xf32, #tpu.memory_space<hbm>>
        %dma_start3A_954 = tpu.memref_slice %arg7[%dma_start3A_943] : memref<2x!tpu.dma_semaphore, #tpu.memory_space<semaphore_mem>> -> memref<1x!tpu.dma_semaphore, #tpu.memory_space<semaphore_mem>>
        %dma_start3A_955 = tpu.memref_squeeze %dma_start3A_954 : memref<1x!tpu.dma_semaphore, #tpu.memory_space<semaphore_mem>> -> memref<!tpu.dma_semaphore, #tpu.memory_space<semaphore_mem>>
        tpu.enqueue_indirect_dma source(%dma_start3A_953 : memref<1000000x32xf32, #tpu.memory_space<hbm>>) target(%dma_start3A_947 : memref<50x32xf32, #tpu.memory_space<vmem>>) offsets(%dma_start3A_950 : memref<50xi32, #tpu.memory_space<vmem>>) semaphore(%dma_start3A_955 : memref<!tpu.dma_semaphore, #tpu.memory_space<semaphore_mem>>)
        %mul3A_956 = arith.constant 16 : i32
        %mul3A_957 = arith.muli %add3A_271, %mul3A_956 : i32
        %add3A_958 = arith.constant 8 : i32
        %add3A_959 = arith.addi %mul3A_957, %add3A_958 : i32
        %dma_start3A_960 = arith.constant 1 : i32
        %dma_start3A_961 = arith.constant 8 : i32
        %dma_start3A_962 = arith.constant 1 : i32
        %dma_start3A_963 = arith.constant 0 : i32
        %dma_start3A_964 = arith.constant 0 : i32
        %dma_start3A_965 = tpu.memref_slice %arg6[%dma_start3A_960, %dma_start3A_961, %dma_start3A_963, %dma_start3A_964] : memref<2x16x50x32xf32, #tpu.memory_space<vmem>> -> memref<1x1x50x32xf32, #tpu.memory_space<vmem>>
        %dma_start3A_966 = tpu.memref_squeeze %dma_start3A_965 : memref<1x1x50x32xf32, #tpu.memory_space<vmem>> -> memref<50x32xf32, #tpu.memory_space<vmem>>
        %dma_start3A_967 = arith.constant 0 : i32
        %dma_start3A_968 = tpu.memref_slice %arg5[%add3A_959, %dma_start3A_967] : memref<512x50xi32, #tpu.memory_space<vmem>> -> memref<1x50xi32, #tpu.memory_space<vmem>>
        %dma_start3A_969 = tpu.memref_squeeze %dma_start3A_968 : memref<1x50xi32, #tpu.memory_space<vmem>> -> memref<50xi32, #tpu.memory_space<vmem>>
        %dma_start3A_970 = arith.constant 0 : i32
        %dma_start3A_971 = arith.constant 0 : i32
        %dma_start3A_972 = tpu.memref_slice %arg3[%dma_start3A_970, %dma_start3A_971] : memref<1000000x32xf32, #tpu.memory_space<hbm>> -> memref<1000000x32xf32, #tpu.memory_space<hbm>>
        %dma_start3A_973 = tpu.memref_slice %arg7[%dma_start3A_962] : memref<2x!tpu.dma_semaphore, #tpu.memory_space<semaphore_mem>> -> memref<1x!tpu.dma_semaphore, #tpu.memory_space<semaphore_mem>>
        %dma_start3A_974 = tpu.memref_squeeze %dma_start3A_973 : memref<1x!tpu.dma_semaphore, #tpu.memory_space<semaphore_mem>> -> memref<!tpu.dma_semaphore, #tpu.memory_space<semaphore_mem>>
        tpu.enqueue_indirect_dma source(%dma_start3A_972 : memref<1000000x32xf32, #tpu.memory_space<hbm>>) target(%dma_start3A_966 : memref<50x32xf32, #tpu.memory_space<vmem>>) offsets(%dma_start3A_969 : memref<50xi32, #tpu.memory_space<vmem>>) semaphore(%dma_start3A_974 : memref<!tpu.dma_semaphore, #tpu.memory_space<semaphore_mem>>)
        %mul3A_975 = arith.constant 16 : i32
        %mul3A_976 = arith.muli %add3A_271, %mul3A_975 : i32
        %add3A_977 = arith.constant 9 : i32
        %add3A_978 = arith.addi %mul3A_976, %add3A_977 : i32
        %dma_start3A_979 = arith.constant 1 : i32
        %dma_start3A_980 = arith.constant 9 : i32
        %dma_start3A_981 = arith.constant 1 : i32
        %dma_start3A_982 = arith.constant 0 : i32
        %dma_start3A_983 = arith.constant 0 : i32
        %dma_start3A_984 = tpu.memref_slice %arg6[%dma_start3A_979, %dma_start3A_980, %dma_start3A_982, %dma_start3A_983] : memref<2x16x50x32xf32, #tpu.memory_space<vmem>> -> memref<1x1x50x32xf32, #tpu.memory_space<vmem>>
        %dma_start3A_985 = tpu.memref_squeeze %dma_start3A_984 : memref<1x1x50x32xf32, #tpu.memory_space<vmem>> -> memref<50x32xf32, #tpu.memory_space<vmem>>
        %dma_start3A_986 = arith.constant 0 : i32
        %dma_start3A_987 = tpu.memref_slice %arg5[%add3A_978, %dma_start3A_986] : memref<512x50xi32, #tpu.memory_space<vmem>> -> memref<1x50xi32, #tpu.memory_space<vmem>>
        %dma_start3A_988 = tpu.memref_squeeze %dma_start3A_987 : memref<1x50xi32, #tpu.memory_space<vmem>> -> memref<50xi32, #tpu.memory_space<vmem>>
        %dma_start3A_989 = arith.constant 0 : i32
        %dma_start3A_990 = arith.constant 0 : i32
        %dma_start3A_991 = tpu.memref_slice %arg3[%dma_start3A_989, %dma_start3A_990] : memref<1000000x32xf32, #tpu.memory_space<hbm>> -> memref<1000000x32xf32, #tpu.memory_space<hbm>>
        %dma_start3A_992 = tpu.memref_slice %arg7[%dma_start3A_981] : memref<2x!tpu.dma_semaphore, #tpu.memory_space<semaphore_mem>> -> memref<1x!tpu.dma_semaphore, #tpu.memory_space<semaphore_mem>>
        %dma_start3A_993 = tpu.memref_squeeze %dma_start3A_992 : memref<1x!tpu.dma_semaphore, #tpu.memory_space<semaphore_mem>> -> memref<!tpu.dma_semaphore, #tpu.memory_space<semaphore_mem>>
        tpu.enqueue_indirect_dma source(%dma_start3A_991 : memref<1000000x32xf32, #tpu.memory_space<hbm>>) target(%dma_start3A_985 : memref<50x32xf32, #tpu.memory_space<vmem>>) offsets(%dma_start3A_988 : memref<50xi32, #tpu.memory_space<vmem>>) semaphore(%dma_start3A_993 : memref<!tpu.dma_semaphore, #tpu.memory_space<semaphore_mem>>)
        %mul3A_994 = arith.constant 16 : i32
        %mul3A_995 = arith.muli %add3A_271, %mul3A_994 : i32
        %add3A_996 = arith.constant 10 : i32
        %add3A_997 = arith.addi %mul3A_995, %add3A_996 : i32
        %dma_start3A_998 = arith.constant 1 : i32
        %dma_start3A_999 = arith.constant 10 : i32
        %dma_start3A_1000 = arith.constant 1 : i32
        %dma_start3A_1001 = arith.constant 0 : i32
        %dma_start3A_1002 = arith.constant 0 : i32
        %dma_start3A_1003 = tpu.memref_slice %arg6[%dma_start3A_998, %dma_start3A_999, %dma_start3A_1001, %dma_start3A_1002] : memref<2x16x50x32xf32, #tpu.memory_space<vmem>> -> memref<1x1x50x32xf32, #tpu.memory_space<vmem>>
        %dma_start3A_1004 = tpu.memref_squeeze %dma_start3A_1003 : memref<1x1x50x32xf32, #tpu.memory_space<vmem>> -> memref<50x32xf32, #tpu.memory_space<vmem>>
        %dma_start3A_1005 = arith.constant 0 : i32
        %dma_start3A_1006 = tpu.memref_slice %arg5[%add3A_997, %dma_start3A_1005] : memref<512x50xi32, #tpu.memory_space<vmem>> -> memref<1x50xi32, #tpu.memory_space<vmem>>
        %dma_start3A_1007 = tpu.memref_squeeze %dma_start3A_1006 : memref<1x50xi32, #tpu.memory_space<vmem>> -> memref<50xi32, #tpu.memory_space<vmem>>
        %dma_start3A_1008 = arith.constant 0 : i32
        %dma_start3A_1009 = arith.constant 0 : i32
        %dma_start3A_1010 = tpu.memref_slice %arg3[%dma_start3A_1008, %dma_start3A_1009] : memref<1000000x32xf32, #tpu.memory_space<hbm>> -> memref<1000000x32xf32, #tpu.memory_space<hbm>>
        %dma_start3A_1011 = tpu.memref_slice %arg7[%dma_start3A_1000] : memref<2x!tpu.dma_semaphore, #tpu.memory_space<semaphore_mem>> -> memref<1x!tpu.dma_semaphore, #tpu.memory_space<semaphore_mem>>
        %dma_start3A_1012 = tpu.memref_squeeze %dma_start3A_1011 : memref<1x!tpu.dma_semaphore, #tpu.memory_space<semaphore_mem>> -> memref<!tpu.dma_semaphore, #tpu.memory_space<semaphore_mem>>
        tpu.enqueue_indirect_dma source(%dma_start3A_1010 : memref<1000000x32xf32, #tpu.memory_space<hbm>>) target(%dma_start3A_1004 : memref<50x32xf32, #tpu.memory_space<vmem>>) offsets(%dma_start3A_1007 : memref<50xi32, #tpu.memory_space<vmem>>) semaphore(%dma_start3A_1012 : memref<!tpu.dma_semaphore, #tpu.memory_space<semaphore_mem>>)
        %mul3A_1013 = arith.constant 16 : i32
        %mul3A_1014 = arith.muli %add3A_271, %mul3A_1013 : i32
        %add3A_1015 = arith.constant 11 : i32
        %add3A_1016 = arith.addi %mul3A_1014, %add3A_1015 : i32
        %dma_start3A_1017 = arith.constant 1 : i32
        %dma_start3A_1018 = arith.constant 11 : i32
        %dma_start3A_1019 = arith.constant 1 : i32
        %dma_start3A_1020 = arith.constant 0 : i32
        %dma_start3A_1021 = arith.constant 0 : i32
        %dma_start3A_1022 = tpu.memref_slice %arg6[%dma_start3A_1017, %dma_start3A_1018, %dma_start3A_1020, %dma_start3A_1021] : memref<2x16x50x32xf32, #tpu.memory_space<vmem>> -> memref<1x1x50x32xf32, #tpu.memory_space<vmem>>
        %dma_start3A_1023 = tpu.memref_squeeze %dma_start3A_1022 : memref<1x1x50x32xf32, #tpu.memory_space<vmem>> -> memref<50x32xf32, #tpu.memory_space<vmem>>
        %dma_start3A_1024 = arith.constant 0 : i32
        %dma_start3A_1025 = tpu.memref_slice %arg5[%add3A_1016, %dma_start3A_1024] : memref<512x50xi32, #tpu.memory_space<vmem>> -> memref<1x50xi32, #tpu.memory_space<vmem>>
        %dma_start3A_1026 = tpu.memref_squeeze %dma_start3A_1025 : memref<1x50xi32, #tpu.memory_space<vmem>> -> memref<50xi32, #tpu.memory_space<vmem>>
        %dma_start3A_1027 = arith.constant 0 : i32
        %dma_start3A_1028 = arith.constant 0 : i32
        %dma_start3A_1029 = tpu.memref_slice %arg3[%dma_start3A_1027, %dma_start3A_1028] : memref<1000000x32xf32, #tpu.memory_space<hbm>> -> memref<1000000x32xf32, #tpu.memory_space<hbm>>
        %dma_start3A_1030 = tpu.memref_slice %arg7[%dma_start3A_1019] : memref<2x!tpu.dma_semaphore, #tpu.memory_space<semaphore_mem>> -> memref<1x!tpu.dma_semaphore, #tpu.memory_space<semaphore_mem>>
        %dma_start3A_1031 = tpu.memref_squeeze %dma_start3A_1030 : memref<1x!tpu.dma_semaphore, #tpu.memory_space<semaphore_mem>> -> memref<!tpu.dma_semaphore, #tpu.memory_space<semaphore_mem>>
        tpu.enqueue_indirect_dma source(%dma_start3A_1029 : memref<1000000x32xf32, #tpu.memory_space<hbm>>) target(%dma_start3A_1023 : memref<50x32xf32, #tpu.memory_space<vmem>>) offsets(%dma_start3A_1026 : memref<50xi32, #tpu.memory_space<vmem>>) semaphore(%dma_start3A_1031 : memref<!tpu.dma_semaphore, #tpu.memory_space<semaphore_mem>>)
        %mul3A_1032 = arith.constant 16 : i32
        %mul3A_1033 = arith.muli %add3A_271, %mul3A_1032 : i32
        %add3A_1034 = arith.constant 12 : i32
        %add3A_1035 = arith.addi %mul3A_1033, %add3A_1034 : i32
        %dma_start3A_1036 = arith.constant 1 : i32
        %dma_start3A_1037 = arith.constant 12 : i32
        %dma_start3A_1038 = arith.constant 1 : i32
        %dma_start3A_1039 = arith.constant 0 : i32
        %dma_start3A_1040 = arith.constant 0 : i32
        %dma_start3A_1041 = tpu.memref_slice %arg6[%dma_start3A_1036, %dma_start3A_1037, %dma_start3A_1039, %dma_start3A_1040] : memref<2x16x50x32xf32, #tpu.memory_space<vmem>> -> memref<1x1x50x32xf32, #tpu.memory_space<vmem>>
        %dma_start3A_1042 = tpu.memref_squeeze %dma_start3A_1041 : memref<1x1x50x32xf32, #tpu.memory_space<vmem>> -> memref<50x32xf32, #tpu.memory_space<vmem>>
        %dma_start3A_1043 = arith.constant 0 : i32
        %dma_start3A_1044 = tpu.memref_slice %arg5[%add3A_1035, %dma_start3A_1043] : memref<512x50xi32, #tpu.memory_space<vmem>> -> memref<1x50xi32, #tpu.memory_space<vmem>>
        %dma_start3A_1045 = tpu.memref_squeeze %dma_start3A_1044 : memref<1x50xi32, #tpu.memory_space<vmem>> -> memref<50xi32, #tpu.memory_space<vmem>>
        %dma_start3A_1046 = arith.constant 0 : i32
        %dma_start3A_1047 = arith.constant 0 : i32
        %dma_start3A_1048 = tpu.memref_slice %arg3[%dma_start3A_1046, %dma_start3A_1047] : memref<1000000x32xf32, #tpu.memory_space<hbm>> -> memref<1000000x32xf32, #tpu.memory_space<hbm>>
        %dma_start3A_1049 = tpu.memref_slice %arg7[%dma_start3A_1038] : memref<2x!tpu.dma_semaphore, #tpu.memory_space<semaphore_mem>> -> memref<1x!tpu.dma_semaphore, #tpu.memory_space<semaphore_mem>>
        %dma_start3A_1050 = tpu.memref_squeeze %dma_start3A_1049 : memref<1x!tpu.dma_semaphore, #tpu.memory_space<semaphore_mem>> -> memref<!tpu.dma_semaphore, #tpu.memory_space<semaphore_mem>>
        tpu.enqueue_indirect_dma source(%dma_start3A_1048 : memref<1000000x32xf32, #tpu.memory_space<hbm>>) target(%dma_start3A_1042 : memref<50x32xf32, #tpu.memory_space<vmem>>) offsets(%dma_start3A_1045 : memref<50xi32, #tpu.memory_space<vmem>>) semaphore(%dma_start3A_1050 : memref<!tpu.dma_semaphore, #tpu.memory_space<semaphore_mem>>)
        %mul3A_1051 = arith.constant 16 : i32
        %mul3A_1052 = arith.muli %add3A_271, %mul3A_1051 : i32
        %add3A_1053 = arith.constant 13 : i32
        %add3A_1054 = arith.addi %mul3A_1052, %add3A_1053 : i32
        %dma_start3A_1055 = arith.constant 1 : i32
        %dma_start3A_1056 = arith.constant 13 : i32
        %dma_start3A_1057 = arith.constant 1 : i32
        %dma_start3A_1058 = arith.constant 0 : i32
        %dma_start3A_1059 = arith.constant 0 : i32
        %dma_start3A_1060 = tpu.memref_slice %arg6[%dma_start3A_1055, %dma_start3A_1056, %dma_start3A_1058, %dma_start3A_1059] : memref<2x16x50x32xf32, #tpu.memory_space<vmem>> -> memref<1x1x50x32xf32, #tpu.memory_space<vmem>>
        %dma_start3A_1061 = tpu.memref_squeeze %dma_start3A_1060 : memref<1x1x50x32xf32, #tpu.memory_space<vmem>> -> memref<50x32xf32, #tpu.memory_space<vmem>>
        %dma_start3A_1062 = arith.constant 0 : i32
        %dma_start3A_1063 = tpu.memref_slice %arg5[%add3A_1054, %dma_start3A_1062] : memref<512x50xi32, #tpu.memory_space<vmem>> -> memref<1x50xi32, #tpu.memory_space<vmem>>
        %dma_start3A_1064 = tpu.memref_squeeze %dma_start3A_1063 : memref<1x50xi32, #tpu.memory_space<vmem>> -> memref<50xi32, #tpu.memory_space<vmem>>
        %dma_start3A_1065 = arith.constant 0 : i32
        %dma_start3A_1066 = arith.constant 0 : i32
        %dma_start3A_1067 = tpu.memref_slice %arg3[%dma_start3A_1065, %dma_start3A_1066] : memref<1000000x32xf32, #tpu.memory_space<hbm>> -> memref<1000000x32xf32, #tpu.memory_space<hbm>>
        %dma_start3A_1068 = tpu.memref_slice %arg7[%dma_start3A_1057] : memref<2x!tpu.dma_semaphore, #tpu.memory_space<semaphore_mem>> -> memref<1x!tpu.dma_semaphore, #tpu.memory_space<semaphore_mem>>
        %dma_start3A_1069 = tpu.memref_squeeze %dma_start3A_1068 : memref<1x!tpu.dma_semaphore, #tpu.memory_space<semaphore_mem>> -> memref<!tpu.dma_semaphore, #tpu.memory_space<semaphore_mem>>
        tpu.enqueue_indirect_dma source(%dma_start3A_1067 : memref<1000000x32xf32, #tpu.memory_space<hbm>>) target(%dma_start3A_1061 : memref<50x32xf32, #tpu.memory_space<vmem>>) offsets(%dma_start3A_1064 : memref<50xi32, #tpu.memory_space<vmem>>) semaphore(%dma_start3A_1069 : memref<!tpu.dma_semaphore, #tpu.memory_space<semaphore_mem>>)
        %mul3A_1070 = arith.constant 16 : i32
        %mul3A_1071 = arith.muli %add3A_271, %mul3A_1070 : i32
        %add3A_1072 = arith.constant 14 : i32
        %add3A_1073 = arith.addi %mul3A_1071, %add3A_1072 : i32
        %dma_start3A_1074 = arith.constant 1 : i32
        %dma_start3A_1075 = arith.constant 14 : i32
        %dma_start3A_1076 = arith.constant 1 : i32
        %dma_start3A_1077 = arith.constant 0 : i32
        %dma_start3A_1078 = arith.constant 0 : i32
        %dma_start3A_1079 = tpu.memref_slice %arg6[%dma_start3A_1074, %dma_start3A_1075, %dma_start3A_1077, %dma_start3A_1078] : memref<2x16x50x32xf32, #tpu.memory_space<vmem>> -> memref<1x1x50x32xf32, #tpu.memory_space<vmem>>
        %dma_start3A_1080 = tpu.memref_squeeze %dma_start3A_1079 : memref<1x1x50x32xf32, #tpu.memory_space<vmem>> -> memref<50x32xf32, #tpu.memory_space<vmem>>
        %dma_start3A_1081 = arith.constant 0 : i32
        %dma_start3A_1082 = tpu.memref_slice %arg5[%add3A_1073, %dma_start3A_1081] : memref<512x50xi32, #tpu.memory_space<vmem>> -> memref<1x50xi32, #tpu.memory_space<vmem>>
        %dma_start3A_1083 = tpu.memref_squeeze %dma_start3A_1082 : memref<1x50xi32, #tpu.memory_space<vmem>> -> memref<50xi32, #tpu.memory_space<vmem>>
        %dma_start3A_1084 = arith.constant 0 : i32
        %dma_start3A_1085 = arith.constant 0 : i32
        %dma_start3A_1086 = tpu.memref_slice %arg3[%dma_start3A_1084, %dma_start3A_1085] : memref<1000000x32xf32, #tpu.memory_space<hbm>> -> memref<1000000x32xf32, #tpu.memory_space<hbm>>
        %dma_start3A_1087 = tpu.memref_slice %arg7[%dma_start3A_1076] : memref<2x!tpu.dma_semaphore, #tpu.memory_space<semaphore_mem>> -> memref<1x!tpu.dma_semaphore, #tpu.memory_space<semaphore_mem>>
        %dma_start3A_1088 = tpu.memref_squeeze %dma_start3A_1087 : memref<1x!tpu.dma_semaphore, #tpu.memory_space<semaphore_mem>> -> memref<!tpu.dma_semaphore, #tpu.memory_space<semaphore_mem>>
        tpu.enqueue_indirect_dma source(%dma_start3A_1086 : memref<1000000x32xf32, #tpu.memory_space<hbm>>) target(%dma_start3A_1080 : memref<50x32xf32, #tpu.memory_space<vmem>>) offsets(%dma_start3A_1083 : memref<50xi32, #tpu.memory_space<vmem>>) semaphore(%dma_start3A_1088 : memref<!tpu.dma_semaphore, #tpu.memory_space<semaphore_mem>>)
        %mul3A_1089 = arith.constant 16 : i32
        %mul3A_1090 = arith.muli %add3A_271, %mul3A_1089 : i32
        %add3A_1091 = arith.constant 15 : i32
        %add3A_1092 = arith.addi %mul3A_1090, %add3A_1091 : i32
        %dma_start3A_1093 = arith.constant 1 : i32
        %dma_start3A_1094 = arith.constant 15 : i32
        %dma_start3A_1095 = arith.constant 1 : i32
        %dma_start3A_1096 = arith.constant 0 : i32
        %dma_start3A_1097 = arith.constant 0 : i32
        %dma_start3A_1098 = tpu.memref_slice %arg6[%dma_start3A_1093, %dma_start3A_1094, %dma_start3A_1096, %dma_start3A_1097] : memref<2x16x50x32xf32, #tpu.memory_space<vmem>> -> memref<1x1x50x32xf32, #tpu.memory_space<vmem>>
        %dma_start3A_1099 = tpu.memref_squeeze %dma_start3A_1098 : memref<1x1x50x32xf32, #tpu.memory_space<vmem>> -> memref<50x32xf32, #tpu.memory_space<vmem>>
        %dma_start3A_1100 = arith.constant 0 : i32
        %dma_start3A_1101 = tpu.memref_slice %arg5[%add3A_1092, %dma_start3A_1100] : memref<512x50xi32, #tpu.memory_space<vmem>> -> memref<1x50xi32, #tpu.memory_space<vmem>>
        %dma_start3A_1102 = tpu.memref_squeeze %dma_start3A_1101 : memref<1x50xi32, #tpu.memory_space<vmem>> -> memref<50xi32, #tpu.memory_space<vmem>>
        %dma_start3A_1103 = arith.constant 0 : i32
        %dma_start3A_1104 = arith.constant 0 : i32
        %dma_start3A_1105 = tpu.memref_slice %arg3[%dma_start3A_1103, %dma_start3A_1104] : memref<1000000x32xf32, #tpu.memory_space<hbm>> -> memref<1000000x32xf32, #tpu.memory_space<hbm>>
        %dma_start3A_1106 = tpu.memref_slice %arg7[%dma_start3A_1095] : memref<2x!tpu.dma_semaphore, #tpu.memory_space<semaphore_mem>> -> memref<1x!tpu.dma_semaphore, #tpu.memory_space<semaphore_mem>>
        %dma_start3A_1107 = tpu.memref_squeeze %dma_start3A_1106 : memref<1x!tpu.dma_semaphore, #tpu.memory_space<semaphore_mem>> -> memref<!tpu.dma_semaphore, #tpu.memory_space<semaphore_mem>>
        tpu.enqueue_indirect_dma source(%dma_start3A_1105 : memref<1000000x32xf32, #tpu.memory_space<hbm>>) target(%dma_start3A_1099 : memref<50x32xf32, #tpu.memory_space<vmem>>) offsets(%dma_start3A_1102 : memref<50xi32, #tpu.memory_space<vmem>>) semaphore(%dma_start3A_1107 : memref<!tpu.dma_semaphore, #tpu.memory_space<semaphore_mem>>)
      } else {
      }
      %dma_wait3A = arith.constant 0 : i32
      %dma_wait3A_274 = arith.constant 0 : i32
      %dma_wait3A_275 = arith.constant 0 : i32
      %dma_wait3A_276 = arith.constant 0 : i32
      %dma_wait3A_277 = arith.constant 0 : i32
      %dma_wait3A_278 = arith.constant 0 : i32
      %dma_wait3A_279 = tpu.memref_slice %arg6[%dma_wait3A_274, %dma_wait3A_275, %dma_wait3A_277, %dma_wait3A_278] : memref<2x16x50x32xf32, #tpu.memory_space<vmem>> -> memref<1x1x50x32xf32, #tpu.memory_space<vmem>>
      %dma_wait3A_280 = tpu.memref_squeeze %dma_wait3A_279 : memref<1x1x50x32xf32, #tpu.memory_space<vmem>> -> memref<50x32xf32, #tpu.memory_space<vmem>>
      %dma_wait3A_281 = arith.constant 0 : i32
      %dma_wait3A_282 = tpu.memref_slice %arg5[%dma_wait3A, %dma_wait3A_281] : memref<512x50xi32, #tpu.memory_space<vmem>> -> memref<1x50xi32, #tpu.memory_space<vmem>>
      %dma_wait3A_283 = tpu.memref_squeeze %dma_wait3A_282 : memref<1x50xi32, #tpu.memory_space<vmem>> -> memref<50xi32, #tpu.memory_space<vmem>>
      %dma_wait3A_284 = arith.constant 0 : i32
      %dma_wait3A_285 = arith.constant 0 : i32
      %dma_wait3A_286 = tpu.memref_slice %arg3[%dma_wait3A_284, %dma_wait3A_285] : memref<1000000x32xf32, #tpu.memory_space<hbm>> -> memref<1000000x32xf32, #tpu.memory_space<hbm>>
      %dma_wait3A_287 = tpu.memref_slice %arg7[%dma_wait3A_276] : memref<2x!tpu.dma_semaphore, #tpu.memory_space<semaphore_mem>> -> memref<1x!tpu.dma_semaphore, #tpu.memory_space<semaphore_mem>>
      %dma_wait3A_288 = tpu.memref_squeeze %dma_wait3A_287 : memref<1x!tpu.dma_semaphore, #tpu.memory_space<semaphore_mem>> -> memref<!tpu.dma_semaphore, #tpu.memory_space<semaphore_mem>>
      tpu.wait_indirect_dma semaphore(%dma_wait3A_288 : memref<!tpu.dma_semaphore, #tpu.memory_space<semaphore_mem>>) src(%dma_wait3A_286 : memref<1000000x32xf32, #tpu.memory_space<hbm>>) dst(%dma_wait3A_280 : memref<50x32xf32, #tpu.memory_space<vmem>>)
      %dma_wait3A_289 = arith.constant 0 : i32
      %dma_wait3A_290 = arith.constant 0 : i32
      %dma_wait3A_291 = arith.constant 1 : i32
      %dma_wait3A_292 = arith.constant 0 : i32
      %dma_wait3A_293 = arith.constant 0 : i32
      %dma_wait3A_294 = arith.constant 0 : i32
      %dma_wait3A_295 = tpu.memref_slice %arg6[%dma_wait3A_290, %dma_wait3A_291, %dma_wait3A_293, %dma_wait3A_294] : memref<2x16x50x32xf32, #tpu.memory_space<vmem>> -> memref<1x1x50x32xf32, #tpu.memory_space<vmem>>
      %dma_wait3A_296 = tpu.memref_squeeze %dma_wait3A_295 : memref<1x1x50x32xf32, #tpu.memory_space<vmem>> -> memref<50x32xf32, #tpu.memory_space<vmem>>
      %dma_wait3A_297 = arith.constant 0 : i32
      %dma_wait3A_298 = tpu.memref_slice %arg5[%dma_wait3A_289, %dma_wait3A_297] : memref<512x50xi32, #tpu.memory_space<vmem>> -> memref<1x50xi32, #tpu.memory_space<vmem>>
      %dma_wait3A_299 = tpu.memref_squeeze %dma_wait3A_298 : memref<1x50xi32, #tpu.memory_space<vmem>> -> memref<50xi32, #tpu.memory_space<vmem>>
      %dma_wait3A_300 = arith.constant 0 : i32
      %dma_wait3A_301 = arith.constant 0 : i32
      %dma_wait3A_302 = tpu.memref_slice %arg3[%dma_wait3A_300, %dma_wait3A_301] : memref<1000000x32xf32, #tpu.memory_space<hbm>> -> memref<1000000x32xf32, #tpu.memory_space<hbm>>
      %dma_wait3A_303 = tpu.memref_slice %arg7[%dma_wait3A_292] : memref<2x!tpu.dma_semaphore, #tpu.memory_space<semaphore_mem>> -> memref<1x!tpu.dma_semaphore, #tpu.memory_space<semaphore_mem>>
      %dma_wait3A_304 = tpu.memref_squeeze %dma_wait3A_303 : memref<1x!tpu.dma_semaphore, #tpu.memory_space<semaphore_mem>> -> memref<!tpu.dma_semaphore, #tpu.memory_space<semaphore_mem>>
      tpu.wait_indirect_dma semaphore(%dma_wait3A_304 : memref<!tpu.dma_semaphore, #tpu.memory_space<semaphore_mem>>) src(%dma_wait3A_302 : memref<1000000x32xf32, #tpu.memory_space<hbm>>) dst(%dma_wait3A_296 : memref<50x32xf32, #tpu.memory_space<vmem>>)
      %dma_wait3A_305 = arith.constant 0 : i32
      %dma_wait3A_306 = arith.constant 0 : i32
      %dma_wait3A_307 = arith.constant 2 : i32
      %dma_wait3A_308 = arith.constant 0 : i32
      %dma_wait3A_309 = arith.constant 0 : i32
      %dma_wait3A_310 = arith.constant 0 : i32
      %dma_wait3A_311 = tpu.memref_slice %arg6[%dma_wait3A_306, %dma_wait3A_307, %dma_wait3A_309, %dma_wait3A_310] : memref<2x16x50x32xf32, #tpu.memory_space<vmem>> -> memref<1x1x50x32xf32, #tpu.memory_space<vmem>>
      %dma_wait3A_312 = tpu.memref_squeeze %dma_wait3A_311 : memref<1x1x50x32xf32, #tpu.memory_space<vmem>> -> memref<50x32xf32, #tpu.memory_space<vmem>>
      %dma_wait3A_313 = arith.constant 0 : i32
      %dma_wait3A_314 = tpu.memref_slice %arg5[%dma_wait3A_305, %dma_wait3A_313] : memref<512x50xi32, #tpu.memory_space<vmem>> -> memref<1x50xi32, #tpu.memory_space<vmem>>
      %dma_wait3A_315 = tpu.memref_squeeze %dma_wait3A_314 : memref<1x50xi32, #tpu.memory_space<vmem>> -> memref<50xi32, #tpu.memory_space<vmem>>
      %dma_wait3A_316 = arith.constant 0 : i32
      %dma_wait3A_317 = arith.constant 0 : i32
      %dma_wait3A_318 = tpu.memref_slice %arg3[%dma_wait3A_316, %dma_wait3A_317] : memref<1000000x32xf32, #tpu.memory_space<hbm>> -> memref<1000000x32xf32, #tpu.memory_space<hbm>>
      %dma_wait3A_319 = tpu.memref_slice %arg7[%dma_wait3A_308] : memref<2x!tpu.dma_semaphore, #tpu.memory_space<semaphore_mem>> -> memref<1x!tpu.dma_semaphore, #tpu.memory_space<semaphore_mem>>
      %dma_wait3A_320 = tpu.memref_squeeze %dma_wait3A_319 : memref<1x!tpu.dma_semaphore, #tpu.memory_space<semaphore_mem>> -> memref<!tpu.dma_semaphore, #tpu.memory_space<semaphore_mem>>
      tpu.wait_indirect_dma semaphore(%dma_wait3A_320 : memref<!tpu.dma_semaphore, #tpu.memory_space<semaphore_mem>>) src(%dma_wait3A_318 : memref<1000000x32xf32, #tpu.memory_space<hbm>>) dst(%dma_wait3A_312 : memref<50x32xf32, #tpu.memory_space<vmem>>)
      %dma_wait3A_321 = arith.constant 0 : i32
      %dma_wait3A_322 = arith.constant 0 : i32
      %dma_wait3A_323 = arith.constant 3 : i32
      %dma_wait3A_324 = arith.constant 0 : i32
      %dma_wait3A_325 = arith.constant 0 : i32
      %dma_wait3A_326 = arith.constant 0 : i32
      %dma_wait3A_327 = tpu.memref_slice %arg6[%dma_wait3A_322, %dma_wait3A_323, %dma_wait3A_325, %dma_wait3A_326] : memref<2x16x50x32xf32, #tpu.memory_space<vmem>> -> memref<1x1x50x32xf32, #tpu.memory_space<vmem>>
      %dma_wait3A_328 = tpu.memref_squeeze %dma_wait3A_327 : memref<1x1x50x32xf32, #tpu.memory_space<vmem>> -> memref<50x32xf32, #tpu.memory_space<vmem>>
      %dma_wait3A_329 = arith.constant 0 : i32
      %dma_wait3A_330 = tpu.memref_slice %arg5[%dma_wait3A_321, %dma_wait3A_329] : memref<512x50xi32, #tpu.memory_space<vmem>> -> memref<1x50xi32, #tpu.memory_space<vmem>>
      %dma_wait3A_331 = tpu.memref_squeeze %dma_wait3A_330 : memref<1x50xi32, #tpu.memory_space<vmem>> -> memref<50xi32, #tpu.memory_space<vmem>>
      %dma_wait3A_332 = arith.constant 0 : i32
      %dma_wait3A_333 = arith.constant 0 : i32
      %dma_wait3A_334 = tpu.memref_slice %arg3[%dma_wait3A_332, %dma_wait3A_333] : memref<1000000x32xf32, #tpu.memory_space<hbm>> -> memref<1000000x32xf32, #tpu.memory_space<hbm>>
      %dma_wait3A_335 = tpu.memref_slice %arg7[%dma_wait3A_324] : memref<2x!tpu.dma_semaphore, #tpu.memory_space<semaphore_mem>> -> memref<1x!tpu.dma_semaphore, #tpu.memory_space<semaphore_mem>>
      %dma_wait3A_336 = tpu.memref_squeeze %dma_wait3A_335 : memref<1x!tpu.dma_semaphore, #tpu.memory_space<semaphore_mem>> -> memref<!tpu.dma_semaphore, #tpu.memory_space<semaphore_mem>>
      tpu.wait_indirect_dma semaphore(%dma_wait3A_336 : memref<!tpu.dma_semaphore, #tpu.memory_space<semaphore_mem>>) src(%dma_wait3A_334 : memref<1000000x32xf32, #tpu.memory_space<hbm>>) dst(%dma_wait3A_328 : memref<50x32xf32, #tpu.memory_space<vmem>>)
      %dma_wait3A_337 = arith.constant 0 : i32
      %dma_wait3A_338 = arith.constant 0 : i32
      %dma_wait3A_339 = arith.constant 4 : i32
      %dma_wait3A_340 = arith.constant 0 : i32
      %dma_wait3A_341 = arith.constant 0 : i32
      %dma_wait3A_342 = arith.constant 0 : i32
      %dma_wait3A_343 = tpu.memref_slice %arg6[%dma_wait3A_338, %dma_wait3A_339, %dma_wait3A_341, %dma_wait3A_342] : memref<2x16x50x32xf32, #tpu.memory_space<vmem>> -> memref<1x1x50x32xf32, #tpu.memory_space<vmem>>
      %dma_wait3A_344 = tpu.memref_squeeze %dma_wait3A_343 : memref<1x1x50x32xf32, #tpu.memory_space<vmem>> -> memref<50x32xf32, #tpu.memory_space<vmem>>
      %dma_wait3A_345 = arith.constant 0 : i32
      %dma_wait3A_346 = tpu.memref_slice %arg5[%dma_wait3A_337, %dma_wait3A_345] : memref<512x50xi32, #tpu.memory_space<vmem>> -> memref<1x50xi32, #tpu.memory_space<vmem>>
      %dma_wait3A_347 = tpu.memref_squeeze %dma_wait3A_346 : memref<1x50xi32, #tpu.memory_space<vmem>> -> memref<50xi32, #tpu.memory_space<vmem>>
      %dma_wait3A_348 = arith.constant 0 : i32
      %dma_wait3A_349 = arith.constant 0 : i32
      %dma_wait3A_350 = tpu.memref_slice %arg3[%dma_wait3A_348, %dma_wait3A_349] : memref<1000000x32xf32, #tpu.memory_space<hbm>> -> memref<1000000x32xf32, #tpu.memory_space<hbm>>
      %dma_wait3A_351 = tpu.memref_slice %arg7[%dma_wait3A_340] : memref<2x!tpu.dma_semaphore, #tpu.memory_space<semaphore_mem>> -> memref<1x!tpu.dma_semaphore, #tpu.memory_space<semaphore_mem>>
      %dma_wait3A_352 = tpu.memref_squeeze %dma_wait3A_351 : memref<1x!tpu.dma_semaphore, #tpu.memory_space<semaphore_mem>> -> memref<!tpu.dma_semaphore, #tpu.memory_space<semaphore_mem>>
      tpu.wait_indirect_dma semaphore(%dma_wait3A_352 : memref<!tpu.dma_semaphore, #tpu.memory_space<semaphore_mem>>) src(%dma_wait3A_350 : memref<1000000x32xf32, #tpu.memory_space<hbm>>) dst(%dma_wait3A_344 : memref<50x32xf32, #tpu.memory_space<vmem>>)
      %dma_wait3A_353 = arith.constant 0 : i32
      %dma_wait3A_354 = arith.constant 0 : i32
      %dma_wait3A_355 = arith.constant 5 : i32
      %dma_wait3A_356 = arith.constant 0 : i32
      %dma_wait3A_357 = arith.constant 0 : i32
      %dma_wait3A_358 = arith.constant 0 : i32
      %dma_wait3A_359 = tpu.memref_slice %arg6[%dma_wait3A_354, %dma_wait3A_355, %dma_wait3A_357, %dma_wait3A_358] : memref<2x16x50x32xf32, #tpu.memory_space<vmem>> -> memref<1x1x50x32xf32, #tpu.memory_space<vmem>>
      %dma_wait3A_360 = tpu.memref_squeeze %dma_wait3A_359 : memref<1x1x50x32xf32, #tpu.memory_space<vmem>> -> memref<50x32xf32, #tpu.memory_space<vmem>>
      %dma_wait3A_361 = arith.constant 0 : i32
      %dma_wait3A_362 = tpu.memref_slice %arg5[%dma_wait3A_353, %dma_wait3A_361] : memref<512x50xi32, #tpu.memory_space<vmem>> -> memref<1x50xi32, #tpu.memory_space<vmem>>
      %dma_wait3A_363 = tpu.memref_squeeze %dma_wait3A_362 : memref<1x50xi32, #tpu.memory_space<vmem>> -> memref<50xi32, #tpu.memory_space<vmem>>
      %dma_wait3A_364 = arith.constant 0 : i32
      %dma_wait3A_365 = arith.constant 0 : i32
      %dma_wait3A_366 = tpu.memref_slice %arg3[%dma_wait3A_364, %dma_wait3A_365] : memref<1000000x32xf32, #tpu.memory_space<hbm>> -> memref<1000000x32xf32, #tpu.memory_space<hbm>>
      %dma_wait3A_367 = tpu.memref_slice %arg7[%dma_wait3A_356] : memref<2x!tpu.dma_semaphore, #tpu.memory_space<semaphore_mem>> -> memref<1x!tpu.dma_semaphore, #tpu.memory_space<semaphore_mem>>
      %dma_wait3A_368 = tpu.memref_squeeze %dma_wait3A_367 : memref<1x!tpu.dma_semaphore, #tpu.memory_space<semaphore_mem>> -> memref<!tpu.dma_semaphore, #tpu.memory_space<semaphore_mem>>
      tpu.wait_indirect_dma semaphore(%dma_wait3A_368 : memref<!tpu.dma_semaphore, #tpu.memory_space<semaphore_mem>>) src(%dma_wait3A_366 : memref<1000000x32xf32, #tpu.memory_space<hbm>>) dst(%dma_wait3A_360 : memref<50x32xf32, #tpu.memory_space<vmem>>)
      %dma_wait3A_369 = arith.constant 0 : i32
      %dma_wait3A_370 = arith.constant 0 : i32
      %dma_wait3A_371 = arith.constant 6 : i32
      %dma_wait3A_372 = arith.constant 0 : i32
      %dma_wait3A_373 = arith.constant 0 : i32
      %dma_wait3A_374 = arith.constant 0 : i32
      %dma_wait3A_375 = tpu.memref_slice %arg6[%dma_wait3A_370, %dma_wait3A_371, %dma_wait3A_373, %dma_wait3A_374] : memref<2x16x50x32xf32, #tpu.memory_space<vmem>> -> memref<1x1x50x32xf32, #tpu.memory_space<vmem>>
      %dma_wait3A_376 = tpu.memref_squeeze %dma_wait3A_375 : memref<1x1x50x32xf32, #tpu.memory_space<vmem>> -> memref<50x32xf32, #tpu.memory_space<vmem>>
      %dma_wait3A_377 = arith.constant 0 : i32
      %dma_wait3A_378 = tpu.memref_slice %arg5[%dma_wait3A_369, %dma_wait3A_377] : memref<512x50xi32, #tpu.memory_space<vmem>> -> memref<1x50xi32, #tpu.memory_space<vmem>>
      %dma_wait3A_379 = tpu.memref_squeeze %dma_wait3A_378 : memref<1x50xi32, #tpu.memory_space<vmem>> -> memref<50xi32, #tpu.memory_space<vmem>>
      %dma_wait3A_380 = arith.constant 0 : i32
      %dma_wait3A_381 = arith.constant 0 : i32
      %dma_wait3A_382 = tpu.memref_slice %arg3[%dma_wait3A_380, %dma_wait3A_381] : memref<1000000x32xf32, #tpu.memory_space<hbm>> -> memref<1000000x32xf32, #tpu.memory_space<hbm>>
      %dma_wait3A_383 = tpu.memref_slice %arg7[%dma_wait3A_372] : memref<2x!tpu.dma_semaphore, #tpu.memory_space<semaphore_mem>> -> memref<1x!tpu.dma_semaphore, #tpu.memory_space<semaphore_mem>>
      %dma_wait3A_384 = tpu.memref_squeeze %dma_wait3A_383 : memref<1x!tpu.dma_semaphore, #tpu.memory_space<semaphore_mem>> -> memref<!tpu.dma_semaphore, #tpu.memory_space<semaphore_mem>>
      tpu.wait_indirect_dma semaphore(%dma_wait3A_384 : memref<!tpu.dma_semaphore, #tpu.memory_space<semaphore_mem>>) src(%dma_wait3A_382 : memref<1000000x32xf32, #tpu.memory_space<hbm>>) dst(%dma_wait3A_376 : memref<50x32xf32, #tpu.memory_space<vmem>>)
      %dma_wait3A_385 = arith.constant 0 : i32
      %dma_wait3A_386 = arith.constant 0 : i32
      %dma_wait3A_387 = arith.constant 7 : i32
      %dma_wait3A_388 = arith.constant 0 : i32
      %dma_wait3A_389 = arith.constant 0 : i32
      %dma_wait3A_390 = arith.constant 0 : i32
      %dma_wait3A_391 = tpu.memref_slice %arg6[%dma_wait3A_386, %dma_wait3A_387, %dma_wait3A_389, %dma_wait3A_390] : memref<2x16x50x32xf32, #tpu.memory_space<vmem>> -> memref<1x1x50x32xf32, #tpu.memory_space<vmem>>
      %dma_wait3A_392 = tpu.memref_squeeze %dma_wait3A_391 : memref<1x1x50x32xf32, #tpu.memory_space<vmem>> -> memref<50x32xf32, #tpu.memory_space<vmem>>
      %dma_wait3A_393 = arith.constant 0 : i32
      %dma_wait3A_394 = tpu.memref_slice %arg5[%dma_wait3A_385, %dma_wait3A_393] : memref<512x50xi32, #tpu.memory_space<vmem>> -> memref<1x50xi32, #tpu.memory_space<vmem>>
      %dma_wait3A_395 = tpu.memref_squeeze %dma_wait3A_394 : memref<1x50xi32, #tpu.memory_space<vmem>> -> memref<50xi32, #tpu.memory_space<vmem>>
      %dma_wait3A_396 = arith.constant 0 : i32
      %dma_wait3A_397 = arith.constant 0 : i32
      %dma_wait3A_398 = tpu.memref_slice %arg3[%dma_wait3A_396, %dma_wait3A_397] : memref<1000000x32xf32, #tpu.memory_space<hbm>> -> memref<1000000x32xf32, #tpu.memory_space<hbm>>
      %dma_wait3A_399 = tpu.memref_slice %arg7[%dma_wait3A_388] : memref<2x!tpu.dma_semaphore, #tpu.memory_space<semaphore_mem>> -> memref<1x!tpu.dma_semaphore, #tpu.memory_space<semaphore_mem>>
      %dma_wait3A_400 = tpu.memref_squeeze %dma_wait3A_399 : memref<1x!tpu.dma_semaphore, #tpu.memory_space<semaphore_mem>> -> memref<!tpu.dma_semaphore, #tpu.memory_space<semaphore_mem>>
      tpu.wait_indirect_dma semaphore(%dma_wait3A_400 : memref<!tpu.dma_semaphore, #tpu.memory_space<semaphore_mem>>) src(%dma_wait3A_398 : memref<1000000x32xf32, #tpu.memory_space<hbm>>) dst(%dma_wait3A_392 : memref<50x32xf32, #tpu.memory_space<vmem>>)
      %dma_wait3A_401 = arith.constant 0 : i32
      %dma_wait3A_402 = arith.constant 0 : i32
      %dma_wait3A_403 = arith.constant 8 : i32
      %dma_wait3A_404 = arith.constant 0 : i32
      %dma_wait3A_405 = arith.constant 0 : i32
      %dma_wait3A_406 = arith.constant 0 : i32
      %dma_wait3A_407 = tpu.memref_slice %arg6[%dma_wait3A_402, %dma_wait3A_403, %dma_wait3A_405, %dma_wait3A_406] : memref<2x16x50x32xf32, #tpu.memory_space<vmem>> -> memref<1x1x50x32xf32, #tpu.memory_space<vmem>>
      %dma_wait3A_408 = tpu.memref_squeeze %dma_wait3A_407 : memref<1x1x50x32xf32, #tpu.memory_space<vmem>> -> memref<50x32xf32, #tpu.memory_space<vmem>>
      %dma_wait3A_409 = arith.constant 0 : i32
      %dma_wait3A_410 = tpu.memref_slice %arg5[%dma_wait3A_401, %dma_wait3A_409] : memref<512x50xi32, #tpu.memory_space<vmem>> -> memref<1x50xi32, #tpu.memory_space<vmem>>
      %dma_wait3A_411 = tpu.memref_squeeze %dma_wait3A_410 : memref<1x50xi32, #tpu.memory_space<vmem>> -> memref<50xi32, #tpu.memory_space<vmem>>
      %dma_wait3A_412 = arith.constant 0 : i32
      %dma_wait3A_413 = arith.constant 0 : i32
      %dma_wait3A_414 = tpu.memref_slice %arg3[%dma_wait3A_412, %dma_wait3A_413] : memref<1000000x32xf32, #tpu.memory_space<hbm>> -> memref<1000000x32xf32, #tpu.memory_space<hbm>>
      %dma_wait3A_415 = tpu.memref_slice %arg7[%dma_wait3A_404] : memref<2x!tpu.dma_semaphore, #tpu.memory_space<semaphore_mem>> -> memref<1x!tpu.dma_semaphore, #tpu.memory_space<semaphore_mem>>
      %dma_wait3A_416 = tpu.memref_squeeze %dma_wait3A_415 : memref<1x!tpu.dma_semaphore, #tpu.memory_space<semaphore_mem>> -> memref<!tpu.dma_semaphore, #tpu.memory_space<semaphore_mem>>
      tpu.wait_indirect_dma semaphore(%dma_wait3A_416 : memref<!tpu.dma_semaphore, #tpu.memory_space<semaphore_mem>>) src(%dma_wait3A_414 : memref<1000000x32xf32, #tpu.memory_space<hbm>>) dst(%dma_wait3A_408 : memref<50x32xf32, #tpu.memory_space<vmem>>)
      %dma_wait3A_417 = arith.constant 0 : i32
      %dma_wait3A_418 = arith.constant 0 : i32
      %dma_wait3A_419 = arith.constant 9 : i32
      %dma_wait3A_420 = arith.constant 0 : i32
      %dma_wait3A_421 = arith.constant 0 : i32
      %dma_wait3A_422 = arith.constant 0 : i32
      %dma_wait3A_423 = tpu.memref_slice %arg6[%dma_wait3A_418, %dma_wait3A_419, %dma_wait3A_421, %dma_wait3A_422] : memref<2x16x50x32xf32, #tpu.memory_space<vmem>> -> memref<1x1x50x32xf32, #tpu.memory_space<vmem>>
      %dma_wait3A_424 = tpu.memref_squeeze %dma_wait3A_423 : memref<1x1x50x32xf32, #tpu.memory_space<vmem>> -> memref<50x32xf32, #tpu.memory_space<vmem>>
      %dma_wait3A_425 = arith.constant 0 : i32
      %dma_wait3A_426 = tpu.memref_slice %arg5[%dma_wait3A_417, %dma_wait3A_425] : memref<512x50xi32, #tpu.memory_space<vmem>> -> memref<1x50xi32, #tpu.memory_space<vmem>>
      %dma_wait3A_427 = tpu.memref_squeeze %dma_wait3A_426 : memref<1x50xi32, #tpu.memory_space<vmem>> -> memref<50xi32, #tpu.memory_space<vmem>>
      %dma_wait3A_428 = arith.constant 0 : i32
      %dma_wait3A_429 = arith.constant 0 : i32
      %dma_wait3A_430 = tpu.memref_slice %arg3[%dma_wait3A_428, %dma_wait3A_429] : memref<1000000x32xf32, #tpu.memory_space<hbm>> -> memref<1000000x32xf32, #tpu.memory_space<hbm>>
      %dma_wait3A_431 = tpu.memref_slice %arg7[%dma_wait3A_420] : memref<2x!tpu.dma_semaphore, #tpu.memory_space<semaphore_mem>> -> memref<1x!tpu.dma_semaphore, #tpu.memory_space<semaphore_mem>>
      %dma_wait3A_432 = tpu.memref_squeeze %dma_wait3A_431 : memref<1x!tpu.dma_semaphore, #tpu.memory_space<semaphore_mem>> -> memref<!tpu.dma_semaphore, #tpu.memory_space<semaphore_mem>>
      tpu.wait_indirect_dma semaphore(%dma_wait3A_432 : memref<!tpu.dma_semaphore, #tpu.memory_space<semaphore_mem>>) src(%dma_wait3A_430 : memref<1000000x32xf32, #tpu.memory_space<hbm>>) dst(%dma_wait3A_424 : memref<50x32xf32, #tpu.memory_space<vmem>>)
      %dma_wait3A_433 = arith.constant 0 : i32
      %dma_wait3A_434 = arith.constant 0 : i32
      %dma_wait3A_435 = arith.constant 10 : i32
      %dma_wait3A_436 = arith.constant 0 : i32
      %dma_wait3A_437 = arith.constant 0 : i32
      %dma_wait3A_438 = arith.constant 0 : i32
      %dma_wait3A_439 = tpu.memref_slice %arg6[%dma_wait3A_434, %dma_wait3A_435, %dma_wait3A_437, %dma_wait3A_438] : memref<2x16x50x32xf32, #tpu.memory_space<vmem>> -> memref<1x1x50x32xf32, #tpu.memory_space<vmem>>
      %dma_wait3A_440 = tpu.memref_squeeze %dma_wait3A_439 : memref<1x1x50x32xf32, #tpu.memory_space<vmem>> -> memref<50x32xf32, #tpu.memory_space<vmem>>
      %dma_wait3A_441 = arith.constant 0 : i32
      %dma_wait3A_442 = tpu.memref_slice %arg5[%dma_wait3A_433, %dma_wait3A_441] : memref<512x50xi32, #tpu.memory_space<vmem>> -> memref<1x50xi32, #tpu.memory_space<vmem>>
      %dma_wait3A_443 = tpu.memref_squeeze %dma_wait3A_442 : memref<1x50xi32, #tpu.memory_space<vmem>> -> memref<50xi32, #tpu.memory_space<vmem>>
      %dma_wait3A_444 = arith.constant 0 : i32
      %dma_wait3A_445 = arith.constant 0 : i32
      %dma_wait3A_446 = tpu.memref_slice %arg3[%dma_wait3A_444, %dma_wait3A_445] : memref<1000000x32xf32, #tpu.memory_space<hbm>> -> memref<1000000x32xf32, #tpu.memory_space<hbm>>
      %dma_wait3A_447 = tpu.memref_slice %arg7[%dma_wait3A_436] : memref<2x!tpu.dma_semaphore, #tpu.memory_space<semaphore_mem>> -> memref<1x!tpu.dma_semaphore, #tpu.memory_space<semaphore_mem>>
      %dma_wait3A_448 = tpu.memref_squeeze %dma_wait3A_447 : memref<1x!tpu.dma_semaphore, #tpu.memory_space<semaphore_mem>> -> memref<!tpu.dma_semaphore, #tpu.memory_space<semaphore_mem>>
      tpu.wait_indirect_dma semaphore(%dma_wait3A_448 : memref<!tpu.dma_semaphore, #tpu.memory_space<semaphore_mem>>) src(%dma_wait3A_446 : memref<1000000x32xf32, #tpu.memory_space<hbm>>) dst(%dma_wait3A_440 : memref<50x32xf32, #tpu.memory_space<vmem>>)
      %dma_wait3A_449 = arith.constant 0 : i32
      %dma_wait3A_450 = arith.constant 0 : i32
      %dma_wait3A_451 = arith.constant 11 : i32
      %dma_wait3A_452 = arith.constant 0 : i32
      %dma_wait3A_453 = arith.constant 0 : i32
      %dma_wait3A_454 = arith.constant 0 : i32
      %dma_wait3A_455 = tpu.memref_slice %arg6[%dma_wait3A_450, %dma_wait3A_451, %dma_wait3A_453, %dma_wait3A_454] : memref<2x16x50x32xf32, #tpu.memory_space<vmem>> -> memref<1x1x50x32xf32, #tpu.memory_space<vmem>>
      %dma_wait3A_456 = tpu.memref_squeeze %dma_wait3A_455 : memref<1x1x50x32xf32, #tpu.memory_space<vmem>> -> memref<50x32xf32, #tpu.memory_space<vmem>>
      %dma_wait3A_457 = arith.constant 0 : i32
      %dma_wait3A_458 = tpu.memref_slice %arg5[%dma_wait3A_449, %dma_wait3A_457] : memref<512x50xi32, #tpu.memory_space<vmem>> -> memref<1x50xi32, #tpu.memory_space<vmem>>
      %dma_wait3A_459 = tpu.memref_squeeze %dma_wait3A_458 : memref<1x50xi32, #tpu.memory_space<vmem>> -> memref<50xi32, #tpu.memory_space<vmem>>
      %dma_wait3A_460 = arith.constant 0 : i32
      %dma_wait3A_461 = arith.constant 0 : i32
      %dma_wait3A_462 = tpu.memref_slice %arg3[%dma_wait3A_460, %dma_wait3A_461] : memref<1000000x32xf32, #tpu.memory_space<hbm>> -> memref<1000000x32xf32, #tpu.memory_space<hbm>>
      %dma_wait3A_463 = tpu.memref_slice %arg7[%dma_wait3A_452] : memref<2x!tpu.dma_semaphore, #tpu.memory_space<semaphore_mem>> -> memref<1x!tpu.dma_semaphore, #tpu.memory_space<semaphore_mem>>
      %dma_wait3A_464 = tpu.memref_squeeze %dma_wait3A_463 : memref<1x!tpu.dma_semaphore, #tpu.memory_space<semaphore_mem>> -> memref<!tpu.dma_semaphore, #tpu.memory_space<semaphore_mem>>
      tpu.wait_indirect_dma semaphore(%dma_wait3A_464 : memref<!tpu.dma_semaphore, #tpu.memory_space<semaphore_mem>>) src(%dma_wait3A_462 : memref<1000000x32xf32, #tpu.memory_space<hbm>>) dst(%dma_wait3A_456 : memref<50x32xf32, #tpu.memory_space<vmem>>)
      %dma_wait3A_465 = arith.constant 0 : i32
      %dma_wait3A_466 = arith.constant 0 : i32
      %dma_wait3A_467 = arith.constant 12 : i32
      %dma_wait3A_468 = arith.constant 0 : i32
      %dma_wait3A_469 = arith.constant 0 : i32
      %dma_wait3A_470 = arith.constant 0 : i32
      %dma_wait3A_471 = tpu.memref_slice %arg6[%dma_wait3A_466, %dma_wait3A_467, %dma_wait3A_469, %dma_wait3A_470] : memref<2x16x50x32xf32, #tpu.memory_space<vmem>> -> memref<1x1x50x32xf32, #tpu.memory_space<vmem>>
      %dma_wait3A_472 = tpu.memref_squeeze %dma_wait3A_471 : memref<1x1x50x32xf32, #tpu.memory_space<vmem>> -> memref<50x32xf32, #tpu.memory_space<vmem>>
      %dma_wait3A_473 = arith.constant 0 : i32
      %dma_wait3A_474 = tpu.memref_slice %arg5[%dma_wait3A_465, %dma_wait3A_473] : memref<512x50xi32, #tpu.memory_space<vmem>> -> memref<1x50xi32, #tpu.memory_space<vmem>>
      %dma_wait3A_475 = tpu.memref_squeeze %dma_wait3A_474 : memref<1x50xi32, #tpu.memory_space<vmem>> -> memref<50xi32, #tpu.memory_space<vmem>>
      %dma_wait3A_476 = arith.constant 0 : i32
      %dma_wait3A_477 = arith.constant 0 : i32
      %dma_wait3A_478 = tpu.memref_slice %arg3[%dma_wait3A_476, %dma_wait3A_477] : memref<1000000x32xf32, #tpu.memory_space<hbm>> -> memref<1000000x32xf32, #tpu.memory_space<hbm>>
      %dma_wait3A_479 = tpu.memref_slice %arg7[%dma_wait3A_468] : memref<2x!tpu.dma_semaphore, #tpu.memory_space<semaphore_mem>> -> memref<1x!tpu.dma_semaphore, #tpu.memory_space<semaphore_mem>>
      %dma_wait3A_480 = tpu.memref_squeeze %dma_wait3A_479 : memref<1x!tpu.dma_semaphore, #tpu.memory_space<semaphore_mem>> -> memref<!tpu.dma_semaphore, #tpu.memory_space<semaphore_mem>>
      tpu.wait_indirect_dma semaphore(%dma_wait3A_480 : memref<!tpu.dma_semaphore, #tpu.memory_space<semaphore_mem>>) src(%dma_wait3A_478 : memref<1000000x32xf32, #tpu.memory_space<hbm>>) dst(%dma_wait3A_472 : memref<50x32xf32, #tpu.memory_space<vmem>>)
      %dma_wait3A_481 = arith.constant 0 : i32
      %dma_wait3A_482 = arith.constant 0 : i32
      %dma_wait3A_483 = arith.constant 13 : i32
      %dma_wait3A_484 = arith.constant 0 : i32
      %dma_wait3A_485 = arith.constant 0 : i32
      %dma_wait3A_486 = arith.constant 0 : i32
      %dma_wait3A_487 = tpu.memref_slice %arg6[%dma_wait3A_482, %dma_wait3A_483, %dma_wait3A_485, %dma_wait3A_486] : memref<2x16x50x32xf32, #tpu.memory_space<vmem>> -> memref<1x1x50x32xf32, #tpu.memory_space<vmem>>
      %dma_wait3A_488 = tpu.memref_squeeze %dma_wait3A_487 : memref<1x1x50x32xf32, #tpu.memory_space<vmem>> -> memref<50x32xf32, #tpu.memory_space<vmem>>
      %dma_wait3A_489 = arith.constant 0 : i32
      %dma_wait3A_490 = tpu.memref_slice %arg5[%dma_wait3A_481, %dma_wait3A_489] : memref<512x50xi32, #tpu.memory_space<vmem>> -> memref<1x50xi32, #tpu.memory_space<vmem>>
      %dma_wait3A_491 = tpu.memref_squeeze %dma_wait3A_490 : memref<1x50xi32, #tpu.memory_space<vmem>> -> memref<50xi32, #tpu.memory_space<vmem>>
      %dma_wait3A_492 = arith.constant 0 : i32
      %dma_wait3A_493 = arith.constant 0 : i32
      %dma_wait3A_494 = tpu.memref_slice %arg3[%dma_wait3A_492, %dma_wait3A_493] : memref<1000000x32xf32, #tpu.memory_space<hbm>> -> memref<1000000x32xf32, #tpu.memory_space<hbm>>
      %dma_wait3A_495 = tpu.memref_slice %arg7[%dma_wait3A_484] : memref<2x!tpu.dma_semaphore, #tpu.memory_space<semaphore_mem>> -> memref<1x!tpu.dma_semaphore, #tpu.memory_space<semaphore_mem>>
      %dma_wait3A_496 = tpu.memref_squeeze %dma_wait3A_495 : memref<1x!tpu.dma_semaphore, #tpu.memory_space<semaphore_mem>> -> memref<!tpu.dma_semaphore, #tpu.memory_space<semaphore_mem>>
      tpu.wait_indirect_dma semaphore(%dma_wait3A_496 : memref<!tpu.dma_semaphore, #tpu.memory_space<semaphore_mem>>) src(%dma_wait3A_494 : memref<1000000x32xf32, #tpu.memory_space<hbm>>) dst(%dma_wait3A_488 : memref<50x32xf32, #tpu.memory_space<vmem>>)
      %dma_wait3A_497 = arith.constant 0 : i32
      %dma_wait3A_498 = arith.constant 0 : i32
      %dma_wait3A_499 = arith.constant 14 : i32
      %dma_wait3A_500 = arith.constant 0 : i32
      %dma_wait3A_501 = arith.constant 0 : i32
      %dma_wait3A_502 = arith.constant 0 : i32
      %dma_wait3A_503 = tpu.memref_slice %arg6[%dma_wait3A_498, %dma_wait3A_499, %dma_wait3A_501, %dma_wait3A_502] : memref<2x16x50x32xf32, #tpu.memory_space<vmem>> -> memref<1x1x50x32xf32, #tpu.memory_space<vmem>>
      %dma_wait3A_504 = tpu.memref_squeeze %dma_wait3A_503 : memref<1x1x50x32xf32, #tpu.memory_space<vmem>> -> memref<50x32xf32, #tpu.memory_space<vmem>>
      %dma_wait3A_505 = arith.constant 0 : i32
      %dma_wait3A_506 = tpu.memref_slice %arg5[%dma_wait3A_497, %dma_wait3A_505] : memref<512x50xi32, #tpu.memory_space<vmem>> -> memref<1x50xi32, #tpu.memory_space<vmem>>
      %dma_wait3A_507 = tpu.memref_squeeze %dma_wait3A_506 : memref<1x50xi32, #tpu.memory_space<vmem>> -> memref<50xi32, #tpu.memory_space<vmem>>
      %dma_wait3A_508 = arith.constant 0 : i32
      %dma_wait3A_509 = arith.constant 0 : i32
      %dma_wait3A_510 = tpu.memref_slice %arg3[%dma_wait3A_508, %dma_wait3A_509] : memref<1000000x32xf32, #tpu.memory_space<hbm>> -> memref<1000000x32xf32, #tpu.memory_space<hbm>>
      %dma_wait3A_511 = tpu.memref_slice %arg7[%dma_wait3A_500] : memref<2x!tpu.dma_semaphore, #tpu.memory_space<semaphore_mem>> -> memref<1x!tpu.dma_semaphore, #tpu.memory_space<semaphore_mem>>
      %dma_wait3A_512 = tpu.memref_squeeze %dma_wait3A_511 : memref<1x!tpu.dma_semaphore, #tpu.memory_space<semaphore_mem>> -> memref<!tpu.dma_semaphore, #tpu.memory_space<semaphore_mem>>
      tpu.wait_indirect_dma semaphore(%dma_wait3A_512 : memref<!tpu.dma_semaphore, #tpu.memory_space<semaphore_mem>>) src(%dma_wait3A_510 : memref<1000000x32xf32, #tpu.memory_space<hbm>>) dst(%dma_wait3A_504 : memref<50x32xf32, #tpu.memory_space<vmem>>)
      %dma_wait3A_513 = arith.constant 0 : i32
      %dma_wait3A_514 = arith.constant 0 : i32
      %dma_wait3A_515 = arith.constant 15 : i32
      %dma_wait3A_516 = arith.constant 0 : i32
      %dma_wait3A_517 = arith.constant 0 : i32
      %dma_wait3A_518 = arith.constant 0 : i32
      %dma_wait3A_519 = tpu.memref_slice %arg6[%dma_wait3A_514, %dma_wait3A_515, %dma_wait3A_517, %dma_wait3A_518] : memref<2x16x50x32xf32, #tpu.memory_space<vmem>> -> memref<1x1x50x32xf32, #tpu.memory_space<vmem>>
      %dma_wait3A_520 = tpu.memref_squeeze %dma_wait3A_519 : memref<1x1x50x32xf32, #tpu.memory_space<vmem>> -> memref<50x32xf32, #tpu.memory_space<vmem>>
      %dma_wait3A_521 = arith.constant 0 : i32
      %dma_wait3A_522 = tpu.memref_slice %arg5[%dma_wait3A_513, %dma_wait3A_521] : memref<512x50xi32, #tpu.memory_space<vmem>> -> memref<1x50xi32, #tpu.memory_space<vmem>>
      %dma_wait3A_523 = tpu.memref_squeeze %dma_wait3A_522 : memref<1x50xi32, #tpu.memory_space<vmem>> -> memref<50xi32, #tpu.memory_space<vmem>>
      %dma_wait3A_524 = arith.constant 0 : i32
      %dma_wait3A_525 = arith.constant 0 : i32
      %dma_wait3A_526 = tpu.memref_slice %arg3[%dma_wait3A_524, %dma_wait3A_525] : memref<1000000x32xf32, #tpu.memory_space<hbm>> -> memref<1000000x32xf32, #tpu.memory_space<hbm>>
      %dma_wait3A_527 = tpu.memref_slice %arg7[%dma_wait3A_516] : memref<2x!tpu.dma_semaphore, #tpu.memory_space<semaphore_mem>> -> memref<1x!tpu.dma_semaphore, #tpu.memory_space<semaphore_mem>>
      %dma_wait3A_528 = tpu.memref_squeeze %dma_wait3A_527 : memref<1x!tpu.dma_semaphore, #tpu.memory_space<semaphore_mem>> -> memref<!tpu.dma_semaphore, #tpu.memory_space<semaphore_mem>>
      tpu.wait_indirect_dma semaphore(%dma_wait3A_528 : memref<!tpu.dma_semaphore, #tpu.memory_space<semaphore_mem>>) src(%dma_wait3A_526 : memref<1000000x32xf32, #tpu.memory_space<hbm>>) dst(%dma_wait3A_520 : memref<50x32xf32, #tpu.memory_space<vmem>>)
      %mul3A_529 = arith.constant 16 : i32
      %mul3A_530 = arith.muli %add3A_269, %mul3A_529 : i32
      %add3A_531 = arith.addi %mul3A_2, %mul3A_530 : i32
      %run_scoped3A = arith.constant 0 : i32
      "tpu.region"() ({
        %run_scoped3A_804 = tpu.sem_alloc : memref<!tpu.dma_semaphore, #tpu.memory_space<semaphore_mem>>
        %dma_start3A_805 = arith.constant 0 : i32
        %dma_start3A_806 = arith.constant 0 : i32
        %dma_start3A_807 = arith.constant 0 : i32
        %dma_start3A_808 = tpu.memref_slice %arg6[%run_scoped3A, %dma_start3A_805, %dma_start3A_806, %dma_start3A_807] : memref<2x16x50x32xf32, #tpu.memory_space<vmem>> -> memref<1x16x50x32xf32, #tpu.memory_space<vmem>>
        %dma_start3A_809 = tpu.memref_squeeze %dma_start3A_808 : memref<1x16x50x32xf32, #tpu.memory_space<vmem>> -> memref<16x50x32xf32, #tpu.memory_space<vmem>>
        %dma_start3A_810 = arith.constant 0 : i32
        %dma_start3A_811 = arith.constant 0 : i32
        %dma_start3A_812 = tpu.memref_slice %arg4[%add3A_531, %dma_start3A_810, %dma_start3A_811] : memref<16384x50x32xf32, #tpu.memory_space<hbm>> -> memref<16x50x32xf32, #tpu.memory_space<hbm>>
        %dma_start3A_813 = arith.constant 0 : i32
        %dma_start3A_814 = arith.constant 0 : i32
        %dma_start3A_815 = tpu.memref_slice %arg4[%add3A_531, %dma_start3A_813, %dma_start3A_814] : memref<16384x50x32xf32, #tpu.memory_space<hbm>> -> memref<16x50x32xf32, #tpu.memory_space<hbm>>
        %dma_start3A_816 = arith.constant 0 : i32
        %dma_start3A_817 = arith.constant 0 : i32
        %dma_start3A_818 = arith.constant 0 : i32
        %dma_start3A_819 = tpu.memref_slice %arg6[%run_scoped3A, %dma_start3A_816, %dma_start3A_817, %dma_start3A_818] : memref<2x16x50x32xf32, #tpu.memory_space<vmem>> -> memref<1x16x50x32xf32, #tpu.memory_space<vmem>>
        %dma_start3A_820 = tpu.memref_squeeze %dma_start3A_819 : memref<1x16x50x32xf32, #tpu.memory_space<vmem>> -> memref<16x50x32xf32, #tpu.memory_space<vmem>>
        tpu.enqueue_dma source(%dma_start3A_820 : memref<16x50x32xf32, #tpu.memory_space<vmem>>) target(%dma_start3A_815 : memref<16x50x32xf32, #tpu.memory_space<hbm>>) target_semaphore(%run_scoped3A_804 : memref<!tpu.dma_semaphore, #tpu.memory_space<semaphore_mem>>)
        %dma_wait3A_821 = arith.constant 0 : i32
        %dma_wait3A_822 = arith.constant 0 : i32
        %dma_wait3A_823 = arith.constant 0 : i32
        %dma_wait3A_824 = tpu.memref_slice %arg6[%run_scoped3A, %dma_wait3A_821, %dma_wait3A_822, %dma_wait3A_823] : memref<2x16x50x32xf32, #tpu.memory_space<vmem>> -> memref<1x16x50x32xf32, #tpu.memory_space<vmem>>
        %dma_wait3A_825 = tpu.memref_squeeze %dma_wait3A_824 : memref<1x16x50x32xf32, #tpu.memory_space<vmem>> -> memref<16x50x32xf32, #tpu.memory_space<vmem>>
        %dma_wait3A_826 = arith.constant 0 : i32
        %dma_wait3A_827 = arith.constant 0 : i32
        %dma_wait3A_828 = tpu.memref_slice %arg4[%add3A_531, %dma_wait3A_826, %dma_wait3A_827] : memref<16384x50x32xf32, #tpu.memory_space<hbm>> -> memref<16x50x32xf32, #tpu.memory_space<hbm>>
        %dma_wait3A_829 = arith.constant 0 : i32
        %dma_wait3A_830 = arith.constant 0 : i32
        %dma_wait3A_831 = tpu.memref_slice %arg4[%add3A_531, %dma_wait3A_829, %dma_wait3A_830] : memref<16384x50x32xf32, #tpu.memory_space<hbm>> -> memref<16x50x32xf32, #tpu.memory_space<hbm>>
        %dma_wait3A_832 = arith.constant 0 : i32
        %dma_wait3A_833 = arith.constant 0 : i32
        %dma_wait3A_834 = arith.constant 0 : i32
        %dma_wait3A_835 = tpu.memref_slice %arg6[%run_scoped3A, %dma_wait3A_832, %dma_wait3A_833, %dma_wait3A_834] : memref<2x16x50x32xf32, #tpu.memory_space<vmem>> -> memref<1x16x50x32xf32, #tpu.memory_space<vmem>>
        %dma_wait3A_836 = tpu.memref_squeeze %dma_wait3A_835 : memref<1x16x50x32xf32, #tpu.memory_space<vmem>> -> memref<16x50x32xf32, #tpu.memory_space<vmem>>
        tpu.wait_dma2 semaphore(%run_scoped3A_804 : memref<!tpu.dma_semaphore, #tpu.memory_space<semaphore_mem>>) src(%dma_wait3A_836 : memref<16x50x32xf32, #tpu.memory_space<vmem>>) dst(%dma_wait3A_831 : memref<16x50x32xf32, #tpu.memory_space<hbm>>)
        tpu.yield
      }) : () -> ()
      %mul3A_532 = arith.constant 2 : i32
      %mul3A_533 = arith.muli %scan3A_264, %mul3A_532 : i32
      %add3A_534 = arith.constant 1 : i32
      %add3A_535 = arith.addi %mul3A_533, %add3A_534 : i32
      %add3A_536 = arith.constant 1 : i32
      %add3A_537 = arith.addi %add3A_535, %add3A_536 : i32
      %lt3A_538 = arith.constant 32 : i32
      %lt3A_539 = arith.cmpi slt, %add3A_537, %lt3A_538 : i32
      %convert_element_type3A_540 = arith.extui %lt3A_539 : i1 to i32
      %cond3A_541 = arith.constant 0 : i32
      %cond3A_542 = arith.cmpi ne, %convert_element_type3A_540, %cond3A_541 : i32
      scf.if %cond3A_542 {
        %mul3A_804 = arith.constant 16 : i32
        %mul3A_805 = arith.muli %add3A_537, %mul3A_804 : i32
        %add3A_806 = arith.constant 0 : i32
        %add3A_807 = arith.addi %mul3A_805, %add3A_806 : i32
        %dma_start3A_808 = arith.constant 0 : i32
        %dma_start3A_809 = arith.constant 0 : i32
        %dma_start3A_810 = arith.constant 0 : i32
        %dma_start3A_811 = arith.constant 0 : i32
        %dma_start3A_812 = arith.constant 0 : i32
        %dma_start3A_813 = tpu.memref_slice %arg6[%dma_start3A_808, %dma_start3A_809, %dma_start3A_811, %dma_start3A_812] : memref<2x16x50x32xf32, #tpu.memory_space<vmem>> -> memref<1x1x50x32xf32, #tpu.memory_space<vmem>>
        %dma_start3A_814 = tpu.memref_squeeze %dma_start3A_813 : memref<1x1x50x32xf32, #tpu.memory_space<vmem>> -> memref<50x32xf32, #tpu.memory_space<vmem>>
        %dma_start3A_815 = arith.constant 0 : i32
        %dma_start3A_816 = tpu.memref_slice %arg5[%add3A_807, %dma_start3A_815] : memref<512x50xi32, #tpu.memory_space<vmem>> -> memref<1x50xi32, #tpu.memory_space<vmem>>
        %dma_start3A_817 = tpu.memref_squeeze %dma_start3A_816 : memref<1x50xi32, #tpu.memory_space<vmem>> -> memref<50xi32, #tpu.memory_space<vmem>>
        %dma_start3A_818 = arith.constant 0 : i32
        %dma_start3A_819 = arith.constant 0 : i32
        %dma_start3A_820 = tpu.memref_slice %arg3[%dma_start3A_818, %dma_start3A_819] : memref<1000000x32xf32, #tpu.memory_space<hbm>> -> memref<1000000x32xf32, #tpu.memory_space<hbm>>
        %dma_start3A_821 = tpu.memref_slice %arg7[%dma_start3A_810] : memref<2x!tpu.dma_semaphore, #tpu.memory_space<semaphore_mem>> -> memref<1x!tpu.dma_semaphore, #tpu.memory_space<semaphore_mem>>
        %dma_start3A_822 = tpu.memref_squeeze %dma_start3A_821 : memref<1x!tpu.dma_semaphore, #tpu.memory_space<semaphore_mem>> -> memref<!tpu.dma_semaphore, #tpu.memory_space<semaphore_mem>>
        tpu.enqueue_indirect_dma source(%dma_start3A_820 : memref<1000000x32xf32, #tpu.memory_space<hbm>>) target(%dma_start3A_814 : memref<50x32xf32, #tpu.memory_space<vmem>>) offsets(%dma_start3A_817 : memref<50xi32, #tpu.memory_space<vmem>>) semaphore(%dma_start3A_822 : memref<!tpu.dma_semaphore, #tpu.memory_space<semaphore_mem>>)
        %mul3A_823 = arith.constant 16 : i32
        %mul3A_824 = arith.muli %add3A_537, %mul3A_823 : i32
        %add3A_825 = arith.constant 1 : i32
        %add3A_826 = arith.addi %mul3A_824, %add3A_825 : i32
        %dma_start3A_827 = arith.constant 0 : i32
        %dma_start3A_828 = arith.constant 1 : i32
        %dma_start3A_829 = arith.constant 0 : i32
        %dma_start3A_830 = arith.constant 0 : i32
        %dma_start3A_831 = arith.constant 0 : i32
        %dma_start3A_832 = tpu.memref_slice %arg6[%dma_start3A_827, %dma_start3A_828, %dma_start3A_830, %dma_start3A_831] : memref<2x16x50x32xf32, #tpu.memory_space<vmem>> -> memref<1x1x50x32xf32, #tpu.memory_space<vmem>>
        %dma_start3A_833 = tpu.memref_squeeze %dma_start3A_832 : memref<1x1x50x32xf32, #tpu.memory_space<vmem>> -> memref<50x32xf32, #tpu.memory_space<vmem>>
        %dma_start3A_834 = arith.constant 0 : i32
        %dma_start3A_835 = tpu.memref_slice %arg5[%add3A_826, %dma_start3A_834] : memref<512x50xi32, #tpu.memory_space<vmem>> -> memref<1x50xi32, #tpu.memory_space<vmem>>
        %dma_start3A_836 = tpu.memref_squeeze %dma_start3A_835 : memref<1x50xi32, #tpu.memory_space<vmem>> -> memref<50xi32, #tpu.memory_space<vmem>>
        %dma_start3A_837 = arith.constant 0 : i32
        %dma_start3A_838 = arith.constant 0 : i32
        %dma_start3A_839 = tpu.memref_slice %arg3[%dma_start3A_837, %dma_start3A_838] : memref<1000000x32xf32, #tpu.memory_space<hbm>> -> memref<1000000x32xf32, #tpu.memory_space<hbm>>
        %dma_start3A_840 = tpu.memref_slice %arg7[%dma_start3A_829] : memref<2x!tpu.dma_semaphore, #tpu.memory_space<semaphore_mem>> -> memref<1x!tpu.dma_semaphore, #tpu.memory_space<semaphore_mem>>
        %dma_start3A_841 = tpu.memref_squeeze %dma_start3A_840 : memref<1x!tpu.dma_semaphore, #tpu.memory_space<semaphore_mem>> -> memref<!tpu.dma_semaphore, #tpu.memory_space<semaphore_mem>>
        tpu.enqueue_indirect_dma source(%dma_start3A_839 : memref<1000000x32xf32, #tpu.memory_space<hbm>>) target(%dma_start3A_833 : memref<50x32xf32, #tpu.memory_space<vmem>>) offsets(%dma_start3A_836 : memref<50xi32, #tpu.memory_space<vmem>>) semaphore(%dma_start3A_841 : memref<!tpu.dma_semaphore, #tpu.memory_space<semaphore_mem>>)
        %mul3A_842 = arith.constant 16 : i32
        %mul3A_843 = arith.muli %add3A_537, %mul3A_842 : i32
        %add3A_844 = arith.constant 2 : i32
        %add3A_845 = arith.addi %mul3A_843, %add3A_844 : i32
        %dma_start3A_846 = arith.constant 0 : i32
        %dma_start3A_847 = arith.constant 2 : i32
        %dma_start3A_848 = arith.constant 0 : i32
        %dma_start3A_849 = arith.constant 0 : i32
        %dma_start3A_850 = arith.constant 0 : i32
        %dma_start3A_851 = tpu.memref_slice %arg6[%dma_start3A_846, %dma_start3A_847, %dma_start3A_849, %dma_start3A_850] : memref<2x16x50x32xf32, #tpu.memory_space<vmem>> -> memref<1x1x50x32xf32, #tpu.memory_space<vmem>>
        %dma_start3A_852 = tpu.memref_squeeze %dma_start3A_851 : memref<1x1x50x32xf32, #tpu.memory_space<vmem>> -> memref<50x32xf32, #tpu.memory_space<vmem>>
        %dma_start3A_853 = arith.constant 0 : i32
        %dma_start3A_854 = tpu.memref_slice %arg5[%add3A_845, %dma_start3A_853] : memref<512x50xi32, #tpu.memory_space<vmem>> -> memref<1x50xi32, #tpu.memory_space<vmem>>
        %dma_start3A_855 = tpu.memref_squeeze %dma_start3A_854 : memref<1x50xi32, #tpu.memory_space<vmem>> -> memref<50xi32, #tpu.memory_space<vmem>>
        %dma_start3A_856 = arith.constant 0 : i32
        %dma_start3A_857 = arith.constant 0 : i32
        %dma_start3A_858 = tpu.memref_slice %arg3[%dma_start3A_856, %dma_start3A_857] : memref<1000000x32xf32, #tpu.memory_space<hbm>> -> memref<1000000x32xf32, #tpu.memory_space<hbm>>
        %dma_start3A_859 = tpu.memref_slice %arg7[%dma_start3A_848] : memref<2x!tpu.dma_semaphore, #tpu.memory_space<semaphore_mem>> -> memref<1x!tpu.dma_semaphore, #tpu.memory_space<semaphore_mem>>
        %dma_start3A_860 = tpu.memref_squeeze %dma_start3A_859 : memref<1x!tpu.dma_semaphore, #tpu.memory_space<semaphore_mem>> -> memref<!tpu.dma_semaphore, #tpu.memory_space<semaphore_mem>>
        tpu.enqueue_indirect_dma source(%dma_start3A_858 : memref<1000000x32xf32, #tpu.memory_space<hbm>>) target(%dma_start3A_852 : memref<50x32xf32, #tpu.memory_space<vmem>>) offsets(%dma_start3A_855 : memref<50xi32, #tpu.memory_space<vmem>>) semaphore(%dma_start3A_860 : memref<!tpu.dma_semaphore, #tpu.memory_space<semaphore_mem>>)
        %mul3A_861 = arith.constant 16 : i32
        %mul3A_862 = arith.muli %add3A_537, %mul3A_861 : i32
        %add3A_863 = arith.constant 3 : i32
        %add3A_864 = arith.addi %mul3A_862, %add3A_863 : i32
        %dma_start3A_865 = arith.constant 0 : i32
        %dma_start3A_866 = arith.constant 3 : i32
        %dma_start3A_867 = arith.constant 0 : i32
        %dma_start3A_868 = arith.constant 0 : i32
        %dma_start3A_869 = arith.constant 0 : i32
        %dma_start3A_870 = tpu.memref_slice %arg6[%dma_start3A_865, %dma_start3A_866, %dma_start3A_868, %dma_start3A_869] : memref<2x16x50x32xf32, #tpu.memory_space<vmem>> -> memref<1x1x50x32xf32, #tpu.memory_space<vmem>>
        %dma_start3A_871 = tpu.memref_squeeze %dma_start3A_870 : memref<1x1x50x32xf32, #tpu.memory_space<vmem>> -> memref<50x32xf32, #tpu.memory_space<vmem>>
        %dma_start3A_872 = arith.constant 0 : i32
        %dma_start3A_873 = tpu.memref_slice %arg5[%add3A_864, %dma_start3A_872] : memref<512x50xi32, #tpu.memory_space<vmem>> -> memref<1x50xi32, #tpu.memory_space<vmem>>
        %dma_start3A_874 = tpu.memref_squeeze %dma_start3A_873 : memref<1x50xi32, #tpu.memory_space<vmem>> -> memref<50xi32, #tpu.memory_space<vmem>>
        %dma_start3A_875 = arith.constant 0 : i32
        %dma_start3A_876 = arith.constant 0 : i32
        %dma_start3A_877 = tpu.memref_slice %arg3[%dma_start3A_875, %dma_start3A_876] : memref<1000000x32xf32, #tpu.memory_space<hbm>> -> memref<1000000x32xf32, #tpu.memory_space<hbm>>
        %dma_start3A_878 = tpu.memref_slice %arg7[%dma_start3A_867] : memref<2x!tpu.dma_semaphore, #tpu.memory_space<semaphore_mem>> -> memref<1x!tpu.dma_semaphore, #tpu.memory_space<semaphore_mem>>
        %dma_start3A_879 = tpu.memref_squeeze %dma_start3A_878 : memref<1x!tpu.dma_semaphore, #tpu.memory_space<semaphore_mem>> -> memref<!tpu.dma_semaphore, #tpu.memory_space<semaphore_mem>>
        tpu.enqueue_indirect_dma source(%dma_start3A_877 : memref<1000000x32xf32, #tpu.memory_space<hbm>>) target(%dma_start3A_871 : memref<50x32xf32, #tpu.memory_space<vmem>>) offsets(%dma_start3A_874 : memref<50xi32, #tpu.memory_space<vmem>>) semaphore(%dma_start3A_879 : memref<!tpu.dma_semaphore, #tpu.memory_space<semaphore_mem>>)
        %mul3A_880 = arith.constant 16 : i32
        %mul3A_881 = arith.muli %add3A_537, %mul3A_880 : i32
        %add3A_882 = arith.constant 4 : i32
        %add3A_883 = arith.addi %mul3A_881, %add3A_882 : i32
        %dma_start3A_884 = arith.constant 0 : i32
        %dma_start3A_885 = arith.constant 4 : i32
        %dma_start3A_886 = arith.constant 0 : i32
        %dma_start3A_887 = arith.constant 0 : i32
        %dma_start3A_888 = arith.constant 0 : i32
        %dma_start3A_889 = tpu.memref_slice %arg6[%dma_start3A_884, %dma_start3A_885, %dma_start3A_887, %dma_start3A_888] : memref<2x16x50x32xf32, #tpu.memory_space<vmem>> -> memref<1x1x50x32xf32, #tpu.memory_space<vmem>>
        %dma_start3A_890 = tpu.memref_squeeze %dma_start3A_889 : memref<1x1x50x32xf32, #tpu.memory_space<vmem>> -> memref<50x32xf32, #tpu.memory_space<vmem>>
        %dma_start3A_891 = arith.constant 0 : i32
        %dma_start3A_892 = tpu.memref_slice %arg5[%add3A_883, %dma_start3A_891] : memref<512x50xi32, #tpu.memory_space<vmem>> -> memref<1x50xi32, #tpu.memory_space<vmem>>
        %dma_start3A_893 = tpu.memref_squeeze %dma_start3A_892 : memref<1x50xi32, #tpu.memory_space<vmem>> -> memref<50xi32, #tpu.memory_space<vmem>>
        %dma_start3A_894 = arith.constant 0 : i32
        %dma_start3A_895 = arith.constant 0 : i32
        %dma_start3A_896 = tpu.memref_slice %arg3[%dma_start3A_894, %dma_start3A_895] : memref<1000000x32xf32, #tpu.memory_space<hbm>> -> memref<1000000x32xf32, #tpu.memory_space<hbm>>
        %dma_start3A_897 = tpu.memref_slice %arg7[%dma_start3A_886] : memref<2x!tpu.dma_semaphore, #tpu.memory_space<semaphore_mem>> -> memref<1x!tpu.dma_semaphore, #tpu.memory_space<semaphore_mem>>
        %dma_start3A_898 = tpu.memref_squeeze %dma_start3A_897 : memref<1x!tpu.dma_semaphore, #tpu.memory_space<semaphore_mem>> -> memref<!tpu.dma_semaphore, #tpu.memory_space<semaphore_mem>>
        tpu.enqueue_indirect_dma source(%dma_start3A_896 : memref<1000000x32xf32, #tpu.memory_space<hbm>>) target(%dma_start3A_890 : memref<50x32xf32, #tpu.memory_space<vmem>>) offsets(%dma_start3A_893 : memref<50xi32, #tpu.memory_space<vmem>>) semaphore(%dma_start3A_898 : memref<!tpu.dma_semaphore, #tpu.memory_space<semaphore_mem>>)
        %mul3A_899 = arith.constant 16 : i32
        %mul3A_900 = arith.muli %add3A_537, %mul3A_899 : i32
        %add3A_901 = arith.constant 5 : i32
        %add3A_902 = arith.addi %mul3A_900, %add3A_901 : i32
        %dma_start3A_903 = arith.constant 0 : i32
        %dma_start3A_904 = arith.constant 5 : i32
        %dma_start3A_905 = arith.constant 0 : i32
        %dma_start3A_906 = arith.constant 0 : i32
        %dma_start3A_907 = arith.constant 0 : i32
        %dma_start3A_908 = tpu.memref_slice %arg6[%dma_start3A_903, %dma_start3A_904, %dma_start3A_906, %dma_start3A_907] : memref<2x16x50x32xf32, #tpu.memory_space<vmem>> -> memref<1x1x50x32xf32, #tpu.memory_space<vmem>>
        %dma_start3A_909 = tpu.memref_squeeze %dma_start3A_908 : memref<1x1x50x32xf32, #tpu.memory_space<vmem>> -> memref<50x32xf32, #tpu.memory_space<vmem>>
        %dma_start3A_910 = arith.constant 0 : i32
        %dma_start3A_911 = tpu.memref_slice %arg5[%add3A_902, %dma_start3A_910] : memref<512x50xi32, #tpu.memory_space<vmem>> -> memref<1x50xi32, #tpu.memory_space<vmem>>
        %dma_start3A_912 = tpu.memref_squeeze %dma_start3A_911 : memref<1x50xi32, #tpu.memory_space<vmem>> -> memref<50xi32, #tpu.memory_space<vmem>>
        %dma_start3A_913 = arith.constant 0 : i32
        %dma_start3A_914 = arith.constant 0 : i32
        %dma_start3A_915 = tpu.memref_slice %arg3[%dma_start3A_913, %dma_start3A_914] : memref<1000000x32xf32, #tpu.memory_space<hbm>> -> memref<1000000x32xf32, #tpu.memory_space<hbm>>
        %dma_start3A_916 = tpu.memref_slice %arg7[%dma_start3A_905] : memref<2x!tpu.dma_semaphore, #tpu.memory_space<semaphore_mem>> -> memref<1x!tpu.dma_semaphore, #tpu.memory_space<semaphore_mem>>
        %dma_start3A_917 = tpu.memref_squeeze %dma_start3A_916 : memref<1x!tpu.dma_semaphore, #tpu.memory_space<semaphore_mem>> -> memref<!tpu.dma_semaphore, #tpu.memory_space<semaphore_mem>>
        tpu.enqueue_indirect_dma source(%dma_start3A_915 : memref<1000000x32xf32, #tpu.memory_space<hbm>>) target(%dma_start3A_909 : memref<50x32xf32, #tpu.memory_space<vmem>>) offsets(%dma_start3A_912 : memref<50xi32, #tpu.memory_space<vmem>>) semaphore(%dma_start3A_917 : memref<!tpu.dma_semaphore, #tpu.memory_space<semaphore_mem>>)
        %mul3A_918 = arith.constant 16 : i32
        %mul3A_919 = arith.muli %add3A_537, %mul3A_918 : i32
        %add3A_920 = arith.constant 6 : i32
        %add3A_921 = arith.addi %mul3A_919, %add3A_920 : i32
        %dma_start3A_922 = arith.constant 0 : i32
        %dma_start3A_923 = arith.constant 6 : i32
        %dma_start3A_924 = arith.constant 0 : i32
        %dma_start3A_925 = arith.constant 0 : i32
        %dma_start3A_926 = arith.constant 0 : i32
        %dma_start3A_927 = tpu.memref_slice %arg6[%dma_start3A_922, %dma_start3A_923, %dma_start3A_925, %dma_start3A_926] : memref<2x16x50x32xf32, #tpu.memory_space<vmem>> -> memref<1x1x50x32xf32, #tpu.memory_space<vmem>>
        %dma_start3A_928 = tpu.memref_squeeze %dma_start3A_927 : memref<1x1x50x32xf32, #tpu.memory_space<vmem>> -> memref<50x32xf32, #tpu.memory_space<vmem>>
        %dma_start3A_929 = arith.constant 0 : i32
        %dma_start3A_930 = tpu.memref_slice %arg5[%add3A_921, %dma_start3A_929] : memref<512x50xi32, #tpu.memory_space<vmem>> -> memref<1x50xi32, #tpu.memory_space<vmem>>
        %dma_start3A_931 = tpu.memref_squeeze %dma_start3A_930 : memref<1x50xi32, #tpu.memory_space<vmem>> -> memref<50xi32, #tpu.memory_space<vmem>>
        %dma_start3A_932 = arith.constant 0 : i32
        %dma_start3A_933 = arith.constant 0 : i32
        %dma_start3A_934 = tpu.memref_slice %arg3[%dma_start3A_932, %dma_start3A_933] : memref<1000000x32xf32, #tpu.memory_space<hbm>> -> memref<1000000x32xf32, #tpu.memory_space<hbm>>
        %dma_start3A_935 = tpu.memref_slice %arg7[%dma_start3A_924] : memref<2x!tpu.dma_semaphore, #tpu.memory_space<semaphore_mem>> -> memref<1x!tpu.dma_semaphore, #tpu.memory_space<semaphore_mem>>
        %dma_start3A_936 = tpu.memref_squeeze %dma_start3A_935 : memref<1x!tpu.dma_semaphore, #tpu.memory_space<semaphore_mem>> -> memref<!tpu.dma_semaphore, #tpu.memory_space<semaphore_mem>>
        tpu.enqueue_indirect_dma source(%dma_start3A_934 : memref<1000000x32xf32, #tpu.memory_space<hbm>>) target(%dma_start3A_928 : memref<50x32xf32, #tpu.memory_space<vmem>>) offsets(%dma_start3A_931 : memref<50xi32, #tpu.memory_space<vmem>>) semaphore(%dma_start3A_936 : memref<!tpu.dma_semaphore, #tpu.memory_space<semaphore_mem>>)
        %mul3A_937 = arith.constant 16 : i32
        %mul3A_938 = arith.muli %add3A_537, %mul3A_937 : i32
        %add3A_939 = arith.constant 7 : i32
        %add3A_940 = arith.addi %mul3A_938, %add3A_939 : i32
        %dma_start3A_941 = arith.constant 0 : i32
        %dma_start3A_942 = arith.constant 7 : i32
        %dma_start3A_943 = arith.constant 0 : i32
        %dma_start3A_944 = arith.constant 0 : i32
        %dma_start3A_945 = arith.constant 0 : i32
        %dma_start3A_946 = tpu.memref_slice %arg6[%dma_start3A_941, %dma_start3A_942, %dma_start3A_944, %dma_start3A_945] : memref<2x16x50x32xf32, #tpu.memory_space<vmem>> -> memref<1x1x50x32xf32, #tpu.memory_space<vmem>>
        %dma_start3A_947 = tpu.memref_squeeze %dma_start3A_946 : memref<1x1x50x32xf32, #tpu.memory_space<vmem>> -> memref<50x32xf32, #tpu.memory_space<vmem>>
        %dma_start3A_948 = arith.constant 0 : i32
        %dma_start3A_949 = tpu.memref_slice %arg5[%add3A_940, %dma_start3A_948] : memref<512x50xi32, #tpu.memory_space<vmem>> -> memref<1x50xi32, #tpu.memory_space<vmem>>
        %dma_start3A_950 = tpu.memref_squeeze %dma_start3A_949 : memref<1x50xi32, #tpu.memory_space<vmem>> -> memref<50xi32, #tpu.memory_space<vmem>>
        %dma_start3A_951 = arith.constant 0 : i32
        %dma_start3A_952 = arith.constant 0 : i32
        %dma_start3A_953 = tpu.memref_slice %arg3[%dma_start3A_951, %dma_start3A_952] : memref<1000000x32xf32, #tpu.memory_space<hbm>> -> memref<1000000x32xf32, #tpu.memory_space<hbm>>
        %dma_start3A_954 = tpu.memref_slice %arg7[%dma_start3A_943] : memref<2x!tpu.dma_semaphore, #tpu.memory_space<semaphore_mem>> -> memref<1x!tpu.dma_semaphore, #tpu.memory_space<semaphore_mem>>
        %dma_start3A_955 = tpu.memref_squeeze %dma_start3A_954 : memref<1x!tpu.dma_semaphore, #tpu.memory_space<semaphore_mem>> -> memref<!tpu.dma_semaphore, #tpu.memory_space<semaphore_mem>>
        tpu.enqueue_indirect_dma source(%dma_start3A_953 : memref<1000000x32xf32, #tpu.memory_space<hbm>>) target(%dma_start3A_947 : memref<50x32xf32, #tpu.memory_space<vmem>>) offsets(%dma_start3A_950 : memref<50xi32, #tpu.memory_space<vmem>>) semaphore(%dma_start3A_955 : memref<!tpu.dma_semaphore, #tpu.memory_space<semaphore_mem>>)
        %mul3A_956 = arith.constant 16 : i32
        %mul3A_957 = arith.muli %add3A_537, %mul3A_956 : i32
        %add3A_958 = arith.constant 8 : i32
        %add3A_959 = arith.addi %mul3A_957, %add3A_958 : i32
        %dma_start3A_960 = arith.constant 0 : i32
        %dma_start3A_961 = arith.constant 8 : i32
        %dma_start3A_962 = arith.constant 0 : i32
        %dma_start3A_963 = arith.constant 0 : i32
        %dma_start3A_964 = arith.constant 0 : i32
        %dma_start3A_965 = tpu.memref_slice %arg6[%dma_start3A_960, %dma_start3A_961, %dma_start3A_963, %dma_start3A_964] : memref<2x16x50x32xf32, #tpu.memory_space<vmem>> -> memref<1x1x50x32xf32, #tpu.memory_space<vmem>>
        %dma_start3A_966 = tpu.memref_squeeze %dma_start3A_965 : memref<1x1x50x32xf32, #tpu.memory_space<vmem>> -> memref<50x32xf32, #tpu.memory_space<vmem>>
        %dma_start3A_967 = arith.constant 0 : i32
        %dma_start3A_968 = tpu.memref_slice %arg5[%add3A_959, %dma_start3A_967] : memref<512x50xi32, #tpu.memory_space<vmem>> -> memref<1x50xi32, #tpu.memory_space<vmem>>
        %dma_start3A_969 = tpu.memref_squeeze %dma_start3A_968 : memref<1x50xi32, #tpu.memory_space<vmem>> -> memref<50xi32, #tpu.memory_space<vmem>>
        %dma_start3A_970 = arith.constant 0 : i32
        %dma_start3A_971 = arith.constant 0 : i32
        %dma_start3A_972 = tpu.memref_slice %arg3[%dma_start3A_970, %dma_start3A_971] : memref<1000000x32xf32, #tpu.memory_space<hbm>> -> memref<1000000x32xf32, #tpu.memory_space<hbm>>
        %dma_start3A_973 = tpu.memref_slice %arg7[%dma_start3A_962] : memref<2x!tpu.dma_semaphore, #tpu.memory_space<semaphore_mem>> -> memref<1x!tpu.dma_semaphore, #tpu.memory_space<semaphore_mem>>
        %dma_start3A_974 = tpu.memref_squeeze %dma_start3A_973 : memref<1x!tpu.dma_semaphore, #tpu.memory_space<semaphore_mem>> -> memref<!tpu.dma_semaphore, #tpu.memory_space<semaphore_mem>>
        tpu.enqueue_indirect_dma source(%dma_start3A_972 : memref<1000000x32xf32, #tpu.memory_space<hbm>>) target(%dma_start3A_966 : memref<50x32xf32, #tpu.memory_space<vmem>>) offsets(%dma_start3A_969 : memref<50xi32, #tpu.memory_space<vmem>>) semaphore(%dma_start3A_974 : memref<!tpu.dma_semaphore, #tpu.memory_space<semaphore_mem>>)
        %mul3A_975 = arith.constant 16 : i32
        %mul3A_976 = arith.muli %add3A_537, %mul3A_975 : i32
        %add3A_977 = arith.constant 9 : i32
        %add3A_978 = arith.addi %mul3A_976, %add3A_977 : i32
        %dma_start3A_979 = arith.constant 0 : i32
        %dma_start3A_980 = arith.constant 9 : i32
        %dma_start3A_981 = arith.constant 0 : i32
        %dma_start3A_982 = arith.constant 0 : i32
        %dma_start3A_983 = arith.constant 0 : i32
        %dma_start3A_984 = tpu.memref_slice %arg6[%dma_start3A_979, %dma_start3A_980, %dma_start3A_982, %dma_start3A_983] : memref<2x16x50x32xf32, #tpu.memory_space<vmem>> -> memref<1x1x50x32xf32, #tpu.memory_space<vmem>>
        %dma_start3A_985 = tpu.memref_squeeze %dma_start3A_984 : memref<1x1x50x32xf32, #tpu.memory_space<vmem>> -> memref<50x32xf32, #tpu.memory_space<vmem>>
        %dma_start3A_986 = arith.constant 0 : i32
        %dma_start3A_987 = tpu.memref_slice %arg5[%add3A_978, %dma_start3A_986] : memref<512x50xi32, #tpu.memory_space<vmem>> -> memref<1x50xi32, #tpu.memory_space<vmem>>
        %dma_start3A_988 = tpu.memref_squeeze %dma_start3A_987 : memref<1x50xi32, #tpu.memory_space<vmem>> -> memref<50xi32, #tpu.memory_space<vmem>>
        %dma_start3A_989 = arith.constant 0 : i32
        %dma_start3A_990 = arith.constant 0 : i32
        %dma_start3A_991 = tpu.memref_slice %arg3[%dma_start3A_989, %dma_start3A_990] : memref<1000000x32xf32, #tpu.memory_space<hbm>> -> memref<1000000x32xf32, #tpu.memory_space<hbm>>
        %dma_start3A_992 = tpu.memref_slice %arg7[%dma_start3A_981] : memref<2x!tpu.dma_semaphore, #tpu.memory_space<semaphore_mem>> -> memref<1x!tpu.dma_semaphore, #tpu.memory_space<semaphore_mem>>
        %dma_start3A_993 = tpu.memref_squeeze %dma_start3A_992 : memref<1x!tpu.dma_semaphore, #tpu.memory_space<semaphore_mem>> -> memref<!tpu.dma_semaphore, #tpu.memory_space<semaphore_mem>>
        tpu.enqueue_indirect_dma source(%dma_start3A_991 : memref<1000000x32xf32, #tpu.memory_space<hbm>>) target(%dma_start3A_985 : memref<50x32xf32, #tpu.memory_space<vmem>>) offsets(%dma_start3A_988 : memref<50xi32, #tpu.memory_space<vmem>>) semaphore(%dma_start3A_993 : memref<!tpu.dma_semaphore, #tpu.memory_space<semaphore_mem>>)
        %mul3A_994 = arith.constant 16 : i32
        %mul3A_995 = arith.muli %add3A_537, %mul3A_994 : i32
        %add3A_996 = arith.constant 10 : i32
        %add3A_997 = arith.addi %mul3A_995, %add3A_996 : i32
        %dma_start3A_998 = arith.constant 0 : i32
        %dma_start3A_999 = arith.constant 10 : i32
        %dma_start3A_1000 = arith.constant 0 : i32
        %dma_start3A_1001 = arith.constant 0 : i32
        %dma_start3A_1002 = arith.constant 0 : i32
        %dma_start3A_1003 = tpu.memref_slice %arg6[%dma_start3A_998, %dma_start3A_999, %dma_start3A_1001, %dma_start3A_1002] : memref<2x16x50x32xf32, #tpu.memory_space<vmem>> -> memref<1x1x50x32xf32, #tpu.memory_space<vmem>>
        %dma_start3A_1004 = tpu.memref_squeeze %dma_start3A_1003 : memref<1x1x50x32xf32, #tpu.memory_space<vmem>> -> memref<50x32xf32, #tpu.memory_space<vmem>>
        %dma_start3A_1005 = arith.constant 0 : i32
        %dma_start3A_1006 = tpu.memref_slice %arg5[%add3A_997, %dma_start3A_1005] : memref<512x50xi32, #tpu.memory_space<vmem>> -> memref<1x50xi32, #tpu.memory_space<vmem>>
        %dma_start3A_1007 = tpu.memref_squeeze %dma_start3A_1006 : memref<1x50xi32, #tpu.memory_space<vmem>> -> memref<50xi32, #tpu.memory_space<vmem>>
        %dma_start3A_1008 = arith.constant 0 : i32
        %dma_start3A_1009 = arith.constant 0 : i32
        %dma_start3A_1010 = tpu.memref_slice %arg3[%dma_start3A_1008, %dma_start3A_1009] : memref<1000000x32xf32, #tpu.memory_space<hbm>> -> memref<1000000x32xf32, #tpu.memory_space<hbm>>
        %dma_start3A_1011 = tpu.memref_slice %arg7[%dma_start3A_1000] : memref<2x!tpu.dma_semaphore, #tpu.memory_space<semaphore_mem>> -> memref<1x!tpu.dma_semaphore, #tpu.memory_space<semaphore_mem>>
        %dma_start3A_1012 = tpu.memref_squeeze %dma_start3A_1011 : memref<1x!tpu.dma_semaphore, #tpu.memory_space<semaphore_mem>> -> memref<!tpu.dma_semaphore, #tpu.memory_space<semaphore_mem>>
        tpu.enqueue_indirect_dma source(%dma_start3A_1010 : memref<1000000x32xf32, #tpu.memory_space<hbm>>) target(%dma_start3A_1004 : memref<50x32xf32, #tpu.memory_space<vmem>>) offsets(%dma_start3A_1007 : memref<50xi32, #tpu.memory_space<vmem>>) semaphore(%dma_start3A_1012 : memref<!tpu.dma_semaphore, #tpu.memory_space<semaphore_mem>>)
        %mul3A_1013 = arith.constant 16 : i32
        %mul3A_1014 = arith.muli %add3A_537, %mul3A_1013 : i32
        %add3A_1015 = arith.constant 11 : i32
        %add3A_1016 = arith.addi %mul3A_1014, %add3A_1015 : i32
        %dma_start3A_1017 = arith.constant 0 : i32
        %dma_start3A_1018 = arith.constant 11 : i32
        %dma_start3A_1019 = arith.constant 0 : i32
        %dma_start3A_1020 = arith.constant 0 : i32
        %dma_start3A_1021 = arith.constant 0 : i32
        %dma_start3A_1022 = tpu.memref_slice %arg6[%dma_start3A_1017, %dma_start3A_1018, %dma_start3A_1020, %dma_start3A_1021] : memref<2x16x50x32xf32, #tpu.memory_space<vmem>> -> memref<1x1x50x32xf32, #tpu.memory_space<vmem>>
        %dma_start3A_1023 = tpu.memref_squeeze %dma_start3A_1022 : memref<1x1x50x32xf32, #tpu.memory_space<vmem>> -> memref<50x32xf32, #tpu.memory_space<vmem>>
        %dma_start3A_1024 = arith.constant 0 : i32
        %dma_start3A_1025 = tpu.memref_slice %arg5[%add3A_1016, %dma_start3A_1024] : memref<512x50xi32, #tpu.memory_space<vmem>> -> memref<1x50xi32, #tpu.memory_space<vmem>>
        %dma_start3A_1026 = tpu.memref_squeeze %dma_start3A_1025 : memref<1x50xi32, #tpu.memory_space<vmem>> -> memref<50xi32, #tpu.memory_space<vmem>>
        %dma_start3A_1027 = arith.constant 0 : i32
        %dma_start3A_1028 = arith.constant 0 : i32
        %dma_start3A_1029 = tpu.memref_slice %arg3[%dma_start3A_1027, %dma_start3A_1028] : memref<1000000x32xf32, #tpu.memory_space<hbm>> -> memref<1000000x32xf32, #tpu.memory_space<hbm>>
        %dma_start3A_1030 = tpu.memref_slice %arg7[%dma_start3A_1019] : memref<2x!tpu.dma_semaphore, #tpu.memory_space<semaphore_mem>> -> memref<1x!tpu.dma_semaphore, #tpu.memory_space<semaphore_mem>>
        %dma_start3A_1031 = tpu.memref_squeeze %dma_start3A_1030 : memref<1x!tpu.dma_semaphore, #tpu.memory_space<semaphore_mem>> -> memref<!tpu.dma_semaphore, #tpu.memory_space<semaphore_mem>>
        tpu.enqueue_indirect_dma source(%dma_start3A_1029 : memref<1000000x32xf32, #tpu.memory_space<hbm>>) target(%dma_start3A_1023 : memref<50x32xf32, #tpu.memory_space<vmem>>) offsets(%dma_start3A_1026 : memref<50xi32, #tpu.memory_space<vmem>>) semaphore(%dma_start3A_1031 : memref<!tpu.dma_semaphore, #tpu.memory_space<semaphore_mem>>)
        %mul3A_1032 = arith.constant 16 : i32
        %mul3A_1033 = arith.muli %add3A_537, %mul3A_1032 : i32
        %add3A_1034 = arith.constant 12 : i32
        %add3A_1035 = arith.addi %mul3A_1033, %add3A_1034 : i32
        %dma_start3A_1036 = arith.constant 0 : i32
        %dma_start3A_1037 = arith.constant 12 : i32
        %dma_start3A_1038 = arith.constant 0 : i32
        %dma_start3A_1039 = arith.constant 0 : i32
        %dma_start3A_1040 = arith.constant 0 : i32
        %dma_start3A_1041 = tpu.memref_slice %arg6[%dma_start3A_1036, %dma_start3A_1037, %dma_start3A_1039, %dma_start3A_1040] : memref<2x16x50x32xf32, #tpu.memory_space<vmem>> -> memref<1x1x50x32xf32, #tpu.memory_space<vmem>>
        %dma_start3A_1042 = tpu.memref_squeeze %dma_start3A_1041 : memref<1x1x50x32xf32, #tpu.memory_space<vmem>> -> memref<50x32xf32, #tpu.memory_space<vmem>>
        %dma_start3A_1043 = arith.constant 0 : i32
        %dma_start3A_1044 = tpu.memref_slice %arg5[%add3A_1035, %dma_start3A_1043] : memref<512x50xi32, #tpu.memory_space<vmem>> -> memref<1x50xi32, #tpu.memory_space<vmem>>
        %dma_start3A_1045 = tpu.memref_squeeze %dma_start3A_1044 : memref<1x50xi32, #tpu.memory_space<vmem>> -> memref<50xi32, #tpu.memory_space<vmem>>
        %dma_start3A_1046 = arith.constant 0 : i32
        %dma_start3A_1047 = arith.constant 0 : i32
        %dma_start3A_1048 = tpu.memref_slice %arg3[%dma_start3A_1046, %dma_start3A_1047] : memref<1000000x32xf32, #tpu.memory_space<hbm>> -> memref<1000000x32xf32, #tpu.memory_space<hbm>>
        %dma_start3A_1049 = tpu.memref_slice %arg7[%dma_start3A_1038] : memref<2x!tpu.dma_semaphore, #tpu.memory_space<semaphore_mem>> -> memref<1x!tpu.dma_semaphore, #tpu.memory_space<semaphore_mem>>
        %dma_start3A_1050 = tpu.memref_squeeze %dma_start3A_1049 : memref<1x!tpu.dma_semaphore, #tpu.memory_space<semaphore_mem>> -> memref<!tpu.dma_semaphore, #tpu.memory_space<semaphore_mem>>
        tpu.enqueue_indirect_dma source(%dma_start3A_1048 : memref<1000000x32xf32, #tpu.memory_space<hbm>>) target(%dma_start3A_1042 : memref<50x32xf32, #tpu.memory_space<vmem>>) offsets(%dma_start3A_1045 : memref<50xi32, #tpu.memory_space<vmem>>) semaphore(%dma_start3A_1050 : memref<!tpu.dma_semaphore, #tpu.memory_space<semaphore_mem>>)
        %mul3A_1051 = arith.constant 16 : i32
        %mul3A_1052 = arith.muli %add3A_537, %mul3A_1051 : i32
        %add3A_1053 = arith.constant 13 : i32
        %add3A_1054 = arith.addi %mul3A_1052, %add3A_1053 : i32
        %dma_start3A_1055 = arith.constant 0 : i32
        %dma_start3A_1056 = arith.constant 13 : i32
        %dma_start3A_1057 = arith.constant 0 : i32
        %dma_start3A_1058 = arith.constant 0 : i32
        %dma_start3A_1059 = arith.constant 0 : i32
        %dma_start3A_1060 = tpu.memref_slice %arg6[%dma_start3A_1055, %dma_start3A_1056, %dma_start3A_1058, %dma_start3A_1059] : memref<2x16x50x32xf32, #tpu.memory_space<vmem>> -> memref<1x1x50x32xf32, #tpu.memory_space<vmem>>
        %dma_start3A_1061 = tpu.memref_squeeze %dma_start3A_1060 : memref<1x1x50x32xf32, #tpu.memory_space<vmem>> -> memref<50x32xf32, #tpu.memory_space<vmem>>
        %dma_start3A_1062 = arith.constant 0 : i32
        %dma_start3A_1063 = tpu.memref_slice %arg5[%add3A_1054, %dma_start3A_1062] : memref<512x50xi32, #tpu.memory_space<vmem>> -> memref<1x50xi32, #tpu.memory_space<vmem>>
        %dma_start3A_1064 = tpu.memref_squeeze %dma_start3A_1063 : memref<1x50xi32, #tpu.memory_space<vmem>> -> memref<50xi32, #tpu.memory_space<vmem>>
        %dma_start3A_1065 = arith.constant 0 : i32
        %dma_start3A_1066 = arith.constant 0 : i32
        %dma_start3A_1067 = tpu.memref_slice %arg3[%dma_start3A_1065, %dma_start3A_1066] : memref<1000000x32xf32, #tpu.memory_space<hbm>> -> memref<1000000x32xf32, #tpu.memory_space<hbm>>
        %dma_start3A_1068 = tpu.memref_slice %arg7[%dma_start3A_1057] : memref<2x!tpu.dma_semaphore, #tpu.memory_space<semaphore_mem>> -> memref<1x!tpu.dma_semaphore, #tpu.memory_space<semaphore_mem>>
        %dma_start3A_1069 = tpu.memref_squeeze %dma_start3A_1068 : memref<1x!tpu.dma_semaphore, #tpu.memory_space<semaphore_mem>> -> memref<!tpu.dma_semaphore, #tpu.memory_space<semaphore_mem>>
        tpu.enqueue_indirect_dma source(%dma_start3A_1067 : memref<1000000x32xf32, #tpu.memory_space<hbm>>) target(%dma_start3A_1061 : memref<50x32xf32, #tpu.memory_space<vmem>>) offsets(%dma_start3A_1064 : memref<50xi32, #tpu.memory_space<vmem>>) semaphore(%dma_start3A_1069 : memref<!tpu.dma_semaphore, #tpu.memory_space<semaphore_mem>>)
        %mul3A_1070 = arith.constant 16 : i32
        %mul3A_1071 = arith.muli %add3A_537, %mul3A_1070 : i32
        %add3A_1072 = arith.constant 14 : i32
        %add3A_1073 = arith.addi %mul3A_1071, %add3A_1072 : i32
        %dma_start3A_1074 = arith.constant 0 : i32
        %dma_start3A_1075 = arith.constant 14 : i32
        %dma_start3A_1076 = arith.constant 0 : i32
        %dma_start3A_1077 = arith.constant 0 : i32
        %dma_start3A_1078 = arith.constant 0 : i32
        %dma_start3A_1079 = tpu.memref_slice %arg6[%dma_start3A_1074, %dma_start3A_1075, %dma_start3A_1077, %dma_start3A_1078] : memref<2x16x50x32xf32, #tpu.memory_space<vmem>> -> memref<1x1x50x32xf32, #tpu.memory_space<vmem>>
        %dma_start3A_1080 = tpu.memref_squeeze %dma_start3A_1079 : memref<1x1x50x32xf32, #tpu.memory_space<vmem>> -> memref<50x32xf32, #tpu.memory_space<vmem>>
        %dma_start3A_1081 = arith.constant 0 : i32
        %dma_start3A_1082 = tpu.memref_slice %arg5[%add3A_1073, %dma_start3A_1081] : memref<512x50xi32, #tpu.memory_space<vmem>> -> memref<1x50xi32, #tpu.memory_space<vmem>>
        %dma_start3A_1083 = tpu.memref_squeeze %dma_start3A_1082 : memref<1x50xi32, #tpu.memory_space<vmem>> -> memref<50xi32, #tpu.memory_space<vmem>>
        %dma_start3A_1084 = arith.constant 0 : i32
        %dma_start3A_1085 = arith.constant 0 : i32
        %dma_start3A_1086 = tpu.memref_slice %arg3[%dma_start3A_1084, %dma_start3A_1085] : memref<1000000x32xf32, #tpu.memory_space<hbm>> -> memref<1000000x32xf32, #tpu.memory_space<hbm>>
        %dma_start3A_1087 = tpu.memref_slice %arg7[%dma_start3A_1076] : memref<2x!tpu.dma_semaphore, #tpu.memory_space<semaphore_mem>> -> memref<1x!tpu.dma_semaphore, #tpu.memory_space<semaphore_mem>>
        %dma_start3A_1088 = tpu.memref_squeeze %dma_start3A_1087 : memref<1x!tpu.dma_semaphore, #tpu.memory_space<semaphore_mem>> -> memref<!tpu.dma_semaphore, #tpu.memory_space<semaphore_mem>>
        tpu.enqueue_indirect_dma source(%dma_start3A_1086 : memref<1000000x32xf32, #tpu.memory_space<hbm>>) target(%dma_start3A_1080 : memref<50x32xf32, #tpu.memory_space<vmem>>) offsets(%dma_start3A_1083 : memref<50xi32, #tpu.memory_space<vmem>>) semaphore(%dma_start3A_1088 : memref<!tpu.dma_semaphore, #tpu.memory_space<semaphore_mem>>)
        %mul3A_1089 = arith.constant 16 : i32
        %mul3A_1090 = arith.muli %add3A_537, %mul3A_1089 : i32
        %add3A_1091 = arith.constant 15 : i32
        %add3A_1092 = arith.addi %mul3A_1090, %add3A_1091 : i32
        %dma_start3A_1093 = arith.constant 0 : i32
        %dma_start3A_1094 = arith.constant 15 : i32
        %dma_start3A_1095 = arith.constant 0 : i32
        %dma_start3A_1096 = arith.constant 0 : i32
        %dma_start3A_1097 = arith.constant 0 : i32
        %dma_start3A_1098 = tpu.memref_slice %arg6[%dma_start3A_1093, %dma_start3A_1094, %dma_start3A_1096, %dma_start3A_1097] : memref<2x16x50x32xf32, #tpu.memory_space<vmem>> -> memref<1x1x50x32xf32, #tpu.memory_space<vmem>>
        %dma_start3A_1099 = tpu.memref_squeeze %dma_start3A_1098 : memref<1x1x50x32xf32, #tpu.memory_space<vmem>> -> memref<50x32xf32, #tpu.memory_space<vmem>>
        %dma_start3A_1100 = arith.constant 0 : i32
        %dma_start3A_1101 = tpu.memref_slice %arg5[%add3A_1092, %dma_start3A_1100] : memref<512x50xi32, #tpu.memory_space<vmem>> -> memref<1x50xi32, #tpu.memory_space<vmem>>
        %dma_start3A_1102 = tpu.memref_squeeze %dma_start3A_1101 : memref<1x50xi32, #tpu.memory_space<vmem>> -> memref<50xi32, #tpu.memory_space<vmem>>
        %dma_start3A_1103 = arith.constant 0 : i32
        %dma_start3A_1104 = arith.constant 0 : i32
        %dma_start3A_1105 = tpu.memref_slice %arg3[%dma_start3A_1103, %dma_start3A_1104] : memref<1000000x32xf32, #tpu.memory_space<hbm>> -> memref<1000000x32xf32, #tpu.memory_space<hbm>>
        %dma_start3A_1106 = tpu.memref_slice %arg7[%dma_start3A_1095] : memref<2x!tpu.dma_semaphore, #tpu.memory_space<semaphore_mem>> -> memref<1x!tpu.dma_semaphore, #tpu.memory_space<semaphore_mem>>
        %dma_start3A_1107 = tpu.memref_squeeze %dma_start3A_1106 : memref<1x!tpu.dma_semaphore, #tpu.memory_space<semaphore_mem>> -> memref<!tpu.dma_semaphore, #tpu.memory_space<semaphore_mem>>
        tpu.enqueue_indirect_dma source(%dma_start3A_1105 : memref<1000000x32xf32, #tpu.memory_space<hbm>>) target(%dma_start3A_1099 : memref<50x32xf32, #tpu.memory_space<vmem>>) offsets(%dma_start3A_1102 : memref<50xi32, #tpu.memory_space<vmem>>) semaphore(%dma_start3A_1107 : memref<!tpu.dma_semaphore, #tpu.memory_space<semaphore_mem>>)
      } else {
      }
      %dma_wait3A_543 = arith.constant 0 : i32
      %dma_wait3A_544 = arith.constant 1 : i32
      %dma_wait3A_545 = arith.constant 0 : i32
      %dma_wait3A_546 = arith.constant 1 : i32
      %dma_wait3A_547 = arith.constant 0 : i32
      %dma_wait3A_548 = arith.constant 0 : i32
      %dma_wait3A_549 = tpu.memref_slice %arg6[%dma_wait3A_544, %dma_wait3A_545, %dma_wait3A_547, %dma_wait3A_548] : memref<2x16x50x32xf32, #tpu.memory_space<vmem>> -> memref<1x1x50x32xf32, #tpu.memory_space<vmem>>
      %dma_wait3A_550 = tpu.memref_squeeze %dma_wait3A_549 : memref<1x1x50x32xf32, #tpu.memory_space<vmem>> -> memref<50x32xf32, #tpu.memory_space<vmem>>
      %dma_wait3A_551 = arith.constant 0 : i32
      %dma_wait3A_552 = tpu.memref_slice %arg5[%dma_wait3A_543, %dma_wait3A_551] : memref<512x50xi32, #tpu.memory_space<vmem>> -> memref<1x50xi32, #tpu.memory_space<vmem>>
      %dma_wait3A_553 = tpu.memref_squeeze %dma_wait3A_552 : memref<1x50xi32, #tpu.memory_space<vmem>> -> memref<50xi32, #tpu.memory_space<vmem>>
      %dma_wait3A_554 = arith.constant 0 : i32
      %dma_wait3A_555 = arith.constant 0 : i32
      %dma_wait3A_556 = tpu.memref_slice %arg3[%dma_wait3A_554, %dma_wait3A_555] : memref<1000000x32xf32, #tpu.memory_space<hbm>> -> memref<1000000x32xf32, #tpu.memory_space<hbm>>
      %dma_wait3A_557 = tpu.memref_slice %arg7[%dma_wait3A_546] : memref<2x!tpu.dma_semaphore, #tpu.memory_space<semaphore_mem>> -> memref<1x!tpu.dma_semaphore, #tpu.memory_space<semaphore_mem>>
      %dma_wait3A_558 = tpu.memref_squeeze %dma_wait3A_557 : memref<1x!tpu.dma_semaphore, #tpu.memory_space<semaphore_mem>> -> memref<!tpu.dma_semaphore, #tpu.memory_space<semaphore_mem>>
      tpu.wait_indirect_dma semaphore(%dma_wait3A_558 : memref<!tpu.dma_semaphore, #tpu.memory_space<semaphore_mem>>) src(%dma_wait3A_556 : memref<1000000x32xf32, #tpu.memory_space<hbm>>) dst(%dma_wait3A_550 : memref<50x32xf32, #tpu.memory_space<vmem>>)
      %dma_wait3A_559 = arith.constant 0 : i32
      %dma_wait3A_560 = arith.constant 1 : i32
      %dma_wait3A_561 = arith.constant 1 : i32
      %dma_wait3A_562 = arith.constant 1 : i32
      %dma_wait3A_563 = arith.constant 0 : i32
      %dma_wait3A_564 = arith.constant 0 : i32
      %dma_wait3A_565 = tpu.memref_slice %arg6[%dma_wait3A_560, %dma_wait3A_561, %dma_wait3A_563, %dma_wait3A_564] : memref<2x16x50x32xf32, #tpu.memory_space<vmem>> -> memref<1x1x50x32xf32, #tpu.memory_space<vmem>>
      %dma_wait3A_566 = tpu.memref_squeeze %dma_wait3A_565 : memref<1x1x50x32xf32, #tpu.memory_space<vmem>> -> memref<50x32xf32, #tpu.memory_space<vmem>>
      %dma_wait3A_567 = arith.constant 0 : i32
      %dma_wait3A_568 = tpu.memref_slice %arg5[%dma_wait3A_559, %dma_wait3A_567] : memref<512x50xi32, #tpu.memory_space<vmem>> -> memref<1x50xi32, #tpu.memory_space<vmem>>
      %dma_wait3A_569 = tpu.memref_squeeze %dma_wait3A_568 : memref<1x50xi32, #tpu.memory_space<vmem>> -> memref<50xi32, #tpu.memory_space<vmem>>
      %dma_wait3A_570 = arith.constant 0 : i32
      %dma_wait3A_571 = arith.constant 0 : i32
      %dma_wait3A_572 = tpu.memref_slice %arg3[%dma_wait3A_570, %dma_wait3A_571] : memref<1000000x32xf32, #tpu.memory_space<hbm>> -> memref<1000000x32xf32, #tpu.memory_space<hbm>>
      %dma_wait3A_573 = tpu.memref_slice %arg7[%dma_wait3A_562] : memref<2x!tpu.dma_semaphore, #tpu.memory_space<semaphore_mem>> -> memref<1x!tpu.dma_semaphore, #tpu.memory_space<semaphore_mem>>
      %dma_wait3A_574 = tpu.memref_squeeze %dma_wait3A_573 : memref<1x!tpu.dma_semaphore, #tpu.memory_space<semaphore_mem>> -> memref<!tpu.dma_semaphore, #tpu.memory_space<semaphore_mem>>
      tpu.wait_indirect_dma semaphore(%dma_wait3A_574 : memref<!tpu.dma_semaphore, #tpu.memory_space<semaphore_mem>>) src(%dma_wait3A_572 : memref<1000000x32xf32, #tpu.memory_space<hbm>>) dst(%dma_wait3A_566 : memref<50x32xf32, #tpu.memory_space<vmem>>)
      %dma_wait3A_575 = arith.constant 0 : i32
      %dma_wait3A_576 = arith.constant 1 : i32
      %dma_wait3A_577 = arith.constant 2 : i32
      %dma_wait3A_578 = arith.constant 1 : i32
      %dma_wait3A_579 = arith.constant 0 : i32
      %dma_wait3A_580 = arith.constant 0 : i32
      %dma_wait3A_581 = tpu.memref_slice %arg6[%dma_wait3A_576, %dma_wait3A_577, %dma_wait3A_579, %dma_wait3A_580] : memref<2x16x50x32xf32, #tpu.memory_space<vmem>> -> memref<1x1x50x32xf32, #tpu.memory_space<vmem>>
      %dma_wait3A_582 = tpu.memref_squeeze %dma_wait3A_581 : memref<1x1x50x32xf32, #tpu.memory_space<vmem>> -> memref<50x32xf32, #tpu.memory_space<vmem>>
      %dma_wait3A_583 = arith.constant 0 : i32
      %dma_wait3A_584 = tpu.memref_slice %arg5[%dma_wait3A_575, %dma_wait3A_583] : memref<512x50xi32, #tpu.memory_space<vmem>> -> memref<1x50xi32, #tpu.memory_space<vmem>>
      %dma_wait3A_585 = tpu.memref_squeeze %dma_wait3A_584 : memref<1x50xi32, #tpu.memory_space<vmem>> -> memref<50xi32, #tpu.memory_space<vmem>>
      %dma_wait3A_586 = arith.constant 0 : i32
      %dma_wait3A_587 = arith.constant 0 : i32
      %dma_wait3A_588 = tpu.memref_slice %arg3[%dma_wait3A_586, %dma_wait3A_587] : memref<1000000x32xf32, #tpu.memory_space<hbm>> -> memref<1000000x32xf32, #tpu.memory_space<hbm>>
      %dma_wait3A_589 = tpu.memref_slice %arg7[%dma_wait3A_578] : memref<2x!tpu.dma_semaphore, #tpu.memory_space<semaphore_mem>> -> memref<1x!tpu.dma_semaphore, #tpu.memory_space<semaphore_mem>>
      %dma_wait3A_590 = tpu.memref_squeeze %dma_wait3A_589 : memref<1x!tpu.dma_semaphore, #tpu.memory_space<semaphore_mem>> -> memref<!tpu.dma_semaphore, #tpu.memory_space<semaphore_mem>>
      tpu.wait_indirect_dma semaphore(%dma_wait3A_590 : memref<!tpu.dma_semaphore, #tpu.memory_space<semaphore_mem>>) src(%dma_wait3A_588 : memref<1000000x32xf32, #tpu.memory_space<hbm>>) dst(%dma_wait3A_582 : memref<50x32xf32, #tpu.memory_space<vmem>>)
      %dma_wait3A_591 = arith.constant 0 : i32
      %dma_wait3A_592 = arith.constant 1 : i32
      %dma_wait3A_593 = arith.constant 3 : i32
      %dma_wait3A_594 = arith.constant 1 : i32
      %dma_wait3A_595 = arith.constant 0 : i32
      %dma_wait3A_596 = arith.constant 0 : i32
      %dma_wait3A_597 = tpu.memref_slice %arg6[%dma_wait3A_592, %dma_wait3A_593, %dma_wait3A_595, %dma_wait3A_596] : memref<2x16x50x32xf32, #tpu.memory_space<vmem>> -> memref<1x1x50x32xf32, #tpu.memory_space<vmem>>
      %dma_wait3A_598 = tpu.memref_squeeze %dma_wait3A_597 : memref<1x1x50x32xf32, #tpu.memory_space<vmem>> -> memref<50x32xf32, #tpu.memory_space<vmem>>
      %dma_wait3A_599 = arith.constant 0 : i32
      %dma_wait3A_600 = tpu.memref_slice %arg5[%dma_wait3A_591, %dma_wait3A_599] : memref<512x50xi32, #tpu.memory_space<vmem>> -> memref<1x50xi32, #tpu.memory_space<vmem>>
      %dma_wait3A_601 = tpu.memref_squeeze %dma_wait3A_600 : memref<1x50xi32, #tpu.memory_space<vmem>> -> memref<50xi32, #tpu.memory_space<vmem>>
      %dma_wait3A_602 = arith.constant 0 : i32
      %dma_wait3A_603 = arith.constant 0 : i32
      %dma_wait3A_604 = tpu.memref_slice %arg3[%dma_wait3A_602, %dma_wait3A_603] : memref<1000000x32xf32, #tpu.memory_space<hbm>> -> memref<1000000x32xf32, #tpu.memory_space<hbm>>
      %dma_wait3A_605 = tpu.memref_slice %arg7[%dma_wait3A_594] : memref<2x!tpu.dma_semaphore, #tpu.memory_space<semaphore_mem>> -> memref<1x!tpu.dma_semaphore, #tpu.memory_space<semaphore_mem>>
      %dma_wait3A_606 = tpu.memref_squeeze %dma_wait3A_605 : memref<1x!tpu.dma_semaphore, #tpu.memory_space<semaphore_mem>> -> memref<!tpu.dma_semaphore, #tpu.memory_space<semaphore_mem>>
      tpu.wait_indirect_dma semaphore(%dma_wait3A_606 : memref<!tpu.dma_semaphore, #tpu.memory_space<semaphore_mem>>) src(%dma_wait3A_604 : memref<1000000x32xf32, #tpu.memory_space<hbm>>) dst(%dma_wait3A_598 : memref<50x32xf32, #tpu.memory_space<vmem>>)
      %dma_wait3A_607 = arith.constant 0 : i32
      %dma_wait3A_608 = arith.constant 1 : i32
      %dma_wait3A_609 = arith.constant 4 : i32
      %dma_wait3A_610 = arith.constant 1 : i32
      %dma_wait3A_611 = arith.constant 0 : i32
      %dma_wait3A_612 = arith.constant 0 : i32
      %dma_wait3A_613 = tpu.memref_slice %arg6[%dma_wait3A_608, %dma_wait3A_609, %dma_wait3A_611, %dma_wait3A_612] : memref<2x16x50x32xf32, #tpu.memory_space<vmem>> -> memref<1x1x50x32xf32, #tpu.memory_space<vmem>>
      %dma_wait3A_614 = tpu.memref_squeeze %dma_wait3A_613 : memref<1x1x50x32xf32, #tpu.memory_space<vmem>> -> memref<50x32xf32, #tpu.memory_space<vmem>>
      %dma_wait3A_615 = arith.constant 0 : i32
      %dma_wait3A_616 = tpu.memref_slice %arg5[%dma_wait3A_607, %dma_wait3A_615] : memref<512x50xi32, #tpu.memory_space<vmem>> -> memref<1x50xi32, #tpu.memory_space<vmem>>
      %dma_wait3A_617 = tpu.memref_squeeze %dma_wait3A_616 : memref<1x50xi32, #tpu.memory_space<vmem>> -> memref<50xi32, #tpu.memory_space<vmem>>
      %dma_wait3A_618 = arith.constant 0 : i32
      %dma_wait3A_619 = arith.constant 0 : i32
      %dma_wait3A_620 = tpu.memref_slice %arg3[%dma_wait3A_618, %dma_wait3A_619] : memref<1000000x32xf32, #tpu.memory_space<hbm>> -> memref<1000000x32xf32, #tpu.memory_space<hbm>>
      %dma_wait3A_621 = tpu.memref_slice %arg7[%dma_wait3A_610] : memref<2x!tpu.dma_semaphore, #tpu.memory_space<semaphore_mem>> -> memref<1x!tpu.dma_semaphore, #tpu.memory_space<semaphore_mem>>
      %dma_wait3A_622 = tpu.memref_squeeze %dma_wait3A_621 : memref<1x!tpu.dma_semaphore, #tpu.memory_space<semaphore_mem>> -> memref<!tpu.dma_semaphore, #tpu.memory_space<semaphore_mem>>
      tpu.wait_indirect_dma semaphore(%dma_wait3A_622 : memref<!tpu.dma_semaphore, #tpu.memory_space<semaphore_mem>>) src(%dma_wait3A_620 : memref<1000000x32xf32, #tpu.memory_space<hbm>>) dst(%dma_wait3A_614 : memref<50x32xf32, #tpu.memory_space<vmem>>)
      %dma_wait3A_623 = arith.constant 0 : i32
      %dma_wait3A_624 = arith.constant 1 : i32
      %dma_wait3A_625 = arith.constant 5 : i32
      %dma_wait3A_626 = arith.constant 1 : i32
      %dma_wait3A_627 = arith.constant 0 : i32
      %dma_wait3A_628 = arith.constant 0 : i32
      %dma_wait3A_629 = tpu.memref_slice %arg6[%dma_wait3A_624, %dma_wait3A_625, %dma_wait3A_627, %dma_wait3A_628] : memref<2x16x50x32xf32, #tpu.memory_space<vmem>> -> memref<1x1x50x32xf32, #tpu.memory_space<vmem>>
      %dma_wait3A_630 = tpu.memref_squeeze %dma_wait3A_629 : memref<1x1x50x32xf32, #tpu.memory_space<vmem>> -> memref<50x32xf32, #tpu.memory_space<vmem>>
      %dma_wait3A_631 = arith.constant 0 : i32
      %dma_wait3A_632 = tpu.memref_slice %arg5[%dma_wait3A_623, %dma_wait3A_631] : memref<512x50xi32, #tpu.memory_space<vmem>> -> memref<1x50xi32, #tpu.memory_space<vmem>>
      %dma_wait3A_633 = tpu.memref_squeeze %dma_wait3A_632 : memref<1x50xi32, #tpu.memory_space<vmem>> -> memref<50xi32, #tpu.memory_space<vmem>>
      %dma_wait3A_634 = arith.constant 0 : i32
      %dma_wait3A_635 = arith.constant 0 : i32
      %dma_wait3A_636 = tpu.memref_slice %arg3[%dma_wait3A_634, %dma_wait3A_635] : memref<1000000x32xf32, #tpu.memory_space<hbm>> -> memref<1000000x32xf32, #tpu.memory_space<hbm>>
      %dma_wait3A_637 = tpu.memref_slice %arg7[%dma_wait3A_626] : memref<2x!tpu.dma_semaphore, #tpu.memory_space<semaphore_mem>> -> memref<1x!tpu.dma_semaphore, #tpu.memory_space<semaphore_mem>>
      %dma_wait3A_638 = tpu.memref_squeeze %dma_wait3A_637 : memref<1x!tpu.dma_semaphore, #tpu.memory_space<semaphore_mem>> -> memref<!tpu.dma_semaphore, #tpu.memory_space<semaphore_mem>>
      tpu.wait_indirect_dma semaphore(%dma_wait3A_638 : memref<!tpu.dma_semaphore, #tpu.memory_space<semaphore_mem>>) src(%dma_wait3A_636 : memref<1000000x32xf32, #tpu.memory_space<hbm>>) dst(%dma_wait3A_630 : memref<50x32xf32, #tpu.memory_space<vmem>>)
      %dma_wait3A_639 = arith.constant 0 : i32
      %dma_wait3A_640 = arith.constant 1 : i32
      %dma_wait3A_641 = arith.constant 6 : i32
      %dma_wait3A_642 = arith.constant 1 : i32
      %dma_wait3A_643 = arith.constant 0 : i32
      %dma_wait3A_644 = arith.constant 0 : i32
      %dma_wait3A_645 = tpu.memref_slice %arg6[%dma_wait3A_640, %dma_wait3A_641, %dma_wait3A_643, %dma_wait3A_644] : memref<2x16x50x32xf32, #tpu.memory_space<vmem>> -> memref<1x1x50x32xf32, #tpu.memory_space<vmem>>
      %dma_wait3A_646 = tpu.memref_squeeze %dma_wait3A_645 : memref<1x1x50x32xf32, #tpu.memory_space<vmem>> -> memref<50x32xf32, #tpu.memory_space<vmem>>
      %dma_wait3A_647 = arith.constant 0 : i32
      %dma_wait3A_648 = tpu.memref_slice %arg5[%dma_wait3A_639, %dma_wait3A_647] : memref<512x50xi32, #tpu.memory_space<vmem>> -> memref<1x50xi32, #tpu.memory_space<vmem>>
      %dma_wait3A_649 = tpu.memref_squeeze %dma_wait3A_648 : memref<1x50xi32, #tpu.memory_space<vmem>> -> memref<50xi32, #tpu.memory_space<vmem>>
      %dma_wait3A_650 = arith.constant 0 : i32
      %dma_wait3A_651 = arith.constant 0 : i32
      %dma_wait3A_652 = tpu.memref_slice %arg3[%dma_wait3A_650, %dma_wait3A_651] : memref<1000000x32xf32, #tpu.memory_space<hbm>> -> memref<1000000x32xf32, #tpu.memory_space<hbm>>
      %dma_wait3A_653 = tpu.memref_slice %arg7[%dma_wait3A_642] : memref<2x!tpu.dma_semaphore, #tpu.memory_space<semaphore_mem>> -> memref<1x!tpu.dma_semaphore, #tpu.memory_space<semaphore_mem>>
      %dma_wait3A_654 = tpu.memref_squeeze %dma_wait3A_653 : memref<1x!tpu.dma_semaphore, #tpu.memory_space<semaphore_mem>> -> memref<!tpu.dma_semaphore, #tpu.memory_space<semaphore_mem>>
      tpu.wait_indirect_dma semaphore(%dma_wait3A_654 : memref<!tpu.dma_semaphore, #tpu.memory_space<semaphore_mem>>) src(%dma_wait3A_652 : memref<1000000x32xf32, #tpu.memory_space<hbm>>) dst(%dma_wait3A_646 : memref<50x32xf32, #tpu.memory_space<vmem>>)
      %dma_wait3A_655 = arith.constant 0 : i32
      %dma_wait3A_656 = arith.constant 1 : i32
      %dma_wait3A_657 = arith.constant 7 : i32
      %dma_wait3A_658 = arith.constant 1 : i32
      %dma_wait3A_659 = arith.constant 0 : i32
      %dma_wait3A_660 = arith.constant 0 : i32
      %dma_wait3A_661 = tpu.memref_slice %arg6[%dma_wait3A_656, %dma_wait3A_657, %dma_wait3A_659, %dma_wait3A_660] : memref<2x16x50x32xf32, #tpu.memory_space<vmem>> -> memref<1x1x50x32xf32, #tpu.memory_space<vmem>>
      %dma_wait3A_662 = tpu.memref_squeeze %dma_wait3A_661 : memref<1x1x50x32xf32, #tpu.memory_space<vmem>> -> memref<50x32xf32, #tpu.memory_space<vmem>>
      %dma_wait3A_663 = arith.constant 0 : i32
      %dma_wait3A_664 = tpu.memref_slice %arg5[%dma_wait3A_655, %dma_wait3A_663] : memref<512x50xi32, #tpu.memory_space<vmem>> -> memref<1x50xi32, #tpu.memory_space<vmem>>
      %dma_wait3A_665 = tpu.memref_squeeze %dma_wait3A_664 : memref<1x50xi32, #tpu.memory_space<vmem>> -> memref<50xi32, #tpu.memory_space<vmem>>
      %dma_wait3A_666 = arith.constant 0 : i32
      %dma_wait3A_667 = arith.constant 0 : i32
      %dma_wait3A_668 = tpu.memref_slice %arg3[%dma_wait3A_666, %dma_wait3A_667] : memref<1000000x32xf32, #tpu.memory_space<hbm>> -> memref<1000000x32xf32, #tpu.memory_space<hbm>>
      %dma_wait3A_669 = tpu.memref_slice %arg7[%dma_wait3A_658] : memref<2x!tpu.dma_semaphore, #tpu.memory_space<semaphore_mem>> -> memref<1x!tpu.dma_semaphore, #tpu.memory_space<semaphore_mem>>
      %dma_wait3A_670 = tpu.memref_squeeze %dma_wait3A_669 : memref<1x!tpu.dma_semaphore, #tpu.memory_space<semaphore_mem>> -> memref<!tpu.dma_semaphore, #tpu.memory_space<semaphore_mem>>
      tpu.wait_indirect_dma semaphore(%dma_wait3A_670 : memref<!tpu.dma_semaphore, #tpu.memory_space<semaphore_mem>>) src(%dma_wait3A_668 : memref<1000000x32xf32, #tpu.memory_space<hbm>>) dst(%dma_wait3A_662 : memref<50x32xf32, #tpu.memory_space<vmem>>)
      %dma_wait3A_671 = arith.constant 0 : i32
      %dma_wait3A_672 = arith.constant 1 : i32
      %dma_wait3A_673 = arith.constant 8 : i32
      %dma_wait3A_674 = arith.constant 1 : i32
      %dma_wait3A_675 = arith.constant 0 : i32
      %dma_wait3A_676 = arith.constant 0 : i32
      %dma_wait3A_677 = tpu.memref_slice %arg6[%dma_wait3A_672, %dma_wait3A_673, %dma_wait3A_675, %dma_wait3A_676] : memref<2x16x50x32xf32, #tpu.memory_space<vmem>> -> memref<1x1x50x32xf32, #tpu.memory_space<vmem>>
      %dma_wait3A_678 = tpu.memref_squeeze %dma_wait3A_677 : memref<1x1x50x32xf32, #tpu.memory_space<vmem>> -> memref<50x32xf32, #tpu.memory_space<vmem>>
      %dma_wait3A_679 = arith.constant 0 : i32
      %dma_wait3A_680 = tpu.memref_slice %arg5[%dma_wait3A_671, %dma_wait3A_679] : memref<512x50xi32, #tpu.memory_space<vmem>> -> memref<1x50xi32, #tpu.memory_space<vmem>>
      %dma_wait3A_681 = tpu.memref_squeeze %dma_wait3A_680 : memref<1x50xi32, #tpu.memory_space<vmem>> -> memref<50xi32, #tpu.memory_space<vmem>>
      %dma_wait3A_682 = arith.constant 0 : i32
      %dma_wait3A_683 = arith.constant 0 : i32
      %dma_wait3A_684 = tpu.memref_slice %arg3[%dma_wait3A_682, %dma_wait3A_683] : memref<1000000x32xf32, #tpu.memory_space<hbm>> -> memref<1000000x32xf32, #tpu.memory_space<hbm>>
      %dma_wait3A_685 = tpu.memref_slice %arg7[%dma_wait3A_674] : memref<2x!tpu.dma_semaphore, #tpu.memory_space<semaphore_mem>> -> memref<1x!tpu.dma_semaphore, #tpu.memory_space<semaphore_mem>>
      %dma_wait3A_686 = tpu.memref_squeeze %dma_wait3A_685 : memref<1x!tpu.dma_semaphore, #tpu.memory_space<semaphore_mem>> -> memref<!tpu.dma_semaphore, #tpu.memory_space<semaphore_mem>>
      tpu.wait_indirect_dma semaphore(%dma_wait3A_686 : memref<!tpu.dma_semaphore, #tpu.memory_space<semaphore_mem>>) src(%dma_wait3A_684 : memref<1000000x32xf32, #tpu.memory_space<hbm>>) dst(%dma_wait3A_678 : memref<50x32xf32, #tpu.memory_space<vmem>>)
      %dma_wait3A_687 = arith.constant 0 : i32
      %dma_wait3A_688 = arith.constant 1 : i32
      %dma_wait3A_689 = arith.constant 9 : i32
      %dma_wait3A_690 = arith.constant 1 : i32
      %dma_wait3A_691 = arith.constant 0 : i32
      %dma_wait3A_692 = arith.constant 0 : i32
      %dma_wait3A_693 = tpu.memref_slice %arg6[%dma_wait3A_688, %dma_wait3A_689, %dma_wait3A_691, %dma_wait3A_692] : memref<2x16x50x32xf32, #tpu.memory_space<vmem>> -> memref<1x1x50x32xf32, #tpu.memory_space<vmem>>
      %dma_wait3A_694 = tpu.memref_squeeze %dma_wait3A_693 : memref<1x1x50x32xf32, #tpu.memory_space<vmem>> -> memref<50x32xf32, #tpu.memory_space<vmem>>
      %dma_wait3A_695 = arith.constant 0 : i32
      %dma_wait3A_696 = tpu.memref_slice %arg5[%dma_wait3A_687, %dma_wait3A_695] : memref<512x50xi32, #tpu.memory_space<vmem>> -> memref<1x50xi32, #tpu.memory_space<vmem>>
      %dma_wait3A_697 = tpu.memref_squeeze %dma_wait3A_696 : memref<1x50xi32, #tpu.memory_space<vmem>> -> memref<50xi32, #tpu.memory_space<vmem>>
      %dma_wait3A_698 = arith.constant 0 : i32
      %dma_wait3A_699 = arith.constant 0 : i32
      %dma_wait3A_700 = tpu.memref_slice %arg3[%dma_wait3A_698, %dma_wait3A_699] : memref<1000000x32xf32, #tpu.memory_space<hbm>> -> memref<1000000x32xf32, #tpu.memory_space<hbm>>
      %dma_wait3A_701 = tpu.memref_slice %arg7[%dma_wait3A_690] : memref<2x!tpu.dma_semaphore, #tpu.memory_space<semaphore_mem>> -> memref<1x!tpu.dma_semaphore, #tpu.memory_space<semaphore_mem>>
      %dma_wait3A_702 = tpu.memref_squeeze %dma_wait3A_701 : memref<1x!tpu.dma_semaphore, #tpu.memory_space<semaphore_mem>> -> memref<!tpu.dma_semaphore, #tpu.memory_space<semaphore_mem>>
      tpu.wait_indirect_dma semaphore(%dma_wait3A_702 : memref<!tpu.dma_semaphore, #tpu.memory_space<semaphore_mem>>) src(%dma_wait3A_700 : memref<1000000x32xf32, #tpu.memory_space<hbm>>) dst(%dma_wait3A_694 : memref<50x32xf32, #tpu.memory_space<vmem>>)
      %dma_wait3A_703 = arith.constant 0 : i32
      %dma_wait3A_704 = arith.constant 1 : i32
      %dma_wait3A_705 = arith.constant 10 : i32
      %dma_wait3A_706 = arith.constant 1 : i32
      %dma_wait3A_707 = arith.constant 0 : i32
      %dma_wait3A_708 = arith.constant 0 : i32
      %dma_wait3A_709 = tpu.memref_slice %arg6[%dma_wait3A_704, %dma_wait3A_705, %dma_wait3A_707, %dma_wait3A_708] : memref<2x16x50x32xf32, #tpu.memory_space<vmem>> -> memref<1x1x50x32xf32, #tpu.memory_space<vmem>>
      %dma_wait3A_710 = tpu.memref_squeeze %dma_wait3A_709 : memref<1x1x50x32xf32, #tpu.memory_space<vmem>> -> memref<50x32xf32, #tpu.memory_space<vmem>>
      %dma_wait3A_711 = arith.constant 0 : i32
      %dma_wait3A_712 = tpu.memref_slice %arg5[%dma_wait3A_703, %dma_wait3A_711] : memref<512x50xi32, #tpu.memory_space<vmem>> -> memref<1x50xi32, #tpu.memory_space<vmem>>
      %dma_wait3A_713 = tpu.memref_squeeze %dma_wait3A_712 : memref<1x50xi32, #tpu.memory_space<vmem>> -> memref<50xi32, #tpu.memory_space<vmem>>
      %dma_wait3A_714 = arith.constant 0 : i32
      %dma_wait3A_715 = arith.constant 0 : i32
      %dma_wait3A_716 = tpu.memref_slice %arg3[%dma_wait3A_714, %dma_wait3A_715] : memref<1000000x32xf32, #tpu.memory_space<hbm>> -> memref<1000000x32xf32, #tpu.memory_space<hbm>>
      %dma_wait3A_717 = tpu.memref_slice %arg7[%dma_wait3A_706] : memref<2x!tpu.dma_semaphore, #tpu.memory_space<semaphore_mem>> -> memref<1x!tpu.dma_semaphore, #tpu.memory_space<semaphore_mem>>
      %dma_wait3A_718 = tpu.memref_squeeze %dma_wait3A_717 : memref<1x!tpu.dma_semaphore, #tpu.memory_space<semaphore_mem>> -> memref<!tpu.dma_semaphore, #tpu.memory_space<semaphore_mem>>
      tpu.wait_indirect_dma semaphore(%dma_wait3A_718 : memref<!tpu.dma_semaphore, #tpu.memory_space<semaphore_mem>>) src(%dma_wait3A_716 : memref<1000000x32xf32, #tpu.memory_space<hbm>>) dst(%dma_wait3A_710 : memref<50x32xf32, #tpu.memory_space<vmem>>)
      %dma_wait3A_719 = arith.constant 0 : i32
      %dma_wait3A_720 = arith.constant 1 : i32
      %dma_wait3A_721 = arith.constant 11 : i32
      %dma_wait3A_722 = arith.constant 1 : i32
      %dma_wait3A_723 = arith.constant 0 : i32
      %dma_wait3A_724 = arith.constant 0 : i32
      %dma_wait3A_725 = tpu.memref_slice %arg6[%dma_wait3A_720, %dma_wait3A_721, %dma_wait3A_723, %dma_wait3A_724] : memref<2x16x50x32xf32, #tpu.memory_space<vmem>> -> memref<1x1x50x32xf32, #tpu.memory_space<vmem>>
      %dma_wait3A_726 = tpu.memref_squeeze %dma_wait3A_725 : memref<1x1x50x32xf32, #tpu.memory_space<vmem>> -> memref<50x32xf32, #tpu.memory_space<vmem>>
      %dma_wait3A_727 = arith.constant 0 : i32
      %dma_wait3A_728 = tpu.memref_slice %arg5[%dma_wait3A_719, %dma_wait3A_727] : memref<512x50xi32, #tpu.memory_space<vmem>> -> memref<1x50xi32, #tpu.memory_space<vmem>>
      %dma_wait3A_729 = tpu.memref_squeeze %dma_wait3A_728 : memref<1x50xi32, #tpu.memory_space<vmem>> -> memref<50xi32, #tpu.memory_space<vmem>>
      %dma_wait3A_730 = arith.constant 0 : i32
      %dma_wait3A_731 = arith.constant 0 : i32
      %dma_wait3A_732 = tpu.memref_slice %arg3[%dma_wait3A_730, %dma_wait3A_731] : memref<1000000x32xf32, #tpu.memory_space<hbm>> -> memref<1000000x32xf32, #tpu.memory_space<hbm>>
      %dma_wait3A_733 = tpu.memref_slice %arg7[%dma_wait3A_722] : memref<2x!tpu.dma_semaphore, #tpu.memory_space<semaphore_mem>> -> memref<1x!tpu.dma_semaphore, #tpu.memory_space<semaphore_mem>>
      %dma_wait3A_734 = tpu.memref_squeeze %dma_wait3A_733 : memref<1x!tpu.dma_semaphore, #tpu.memory_space<semaphore_mem>> -> memref<!tpu.dma_semaphore, #tpu.memory_space<semaphore_mem>>
      tpu.wait_indirect_dma semaphore(%dma_wait3A_734 : memref<!tpu.dma_semaphore, #tpu.memory_space<semaphore_mem>>) src(%dma_wait3A_732 : memref<1000000x32xf32, #tpu.memory_space<hbm>>) dst(%dma_wait3A_726 : memref<50x32xf32, #tpu.memory_space<vmem>>)
      %dma_wait3A_735 = arith.constant 0 : i32
      %dma_wait3A_736 = arith.constant 1 : i32
      %dma_wait3A_737 = arith.constant 12 : i32
      %dma_wait3A_738 = arith.constant 1 : i32
      %dma_wait3A_739 = arith.constant 0 : i32
      %dma_wait3A_740 = arith.constant 0 : i32
      %dma_wait3A_741 = tpu.memref_slice %arg6[%dma_wait3A_736, %dma_wait3A_737, %dma_wait3A_739, %dma_wait3A_740] : memref<2x16x50x32xf32, #tpu.memory_space<vmem>> -> memref<1x1x50x32xf32, #tpu.memory_space<vmem>>
      %dma_wait3A_742 = tpu.memref_squeeze %dma_wait3A_741 : memref<1x1x50x32xf32, #tpu.memory_space<vmem>> -> memref<50x32xf32, #tpu.memory_space<vmem>>
      %dma_wait3A_743 = arith.constant 0 : i32
      %dma_wait3A_744 = tpu.memref_slice %arg5[%dma_wait3A_735, %dma_wait3A_743] : memref<512x50xi32, #tpu.memory_space<vmem>> -> memref<1x50xi32, #tpu.memory_space<vmem>>
      %dma_wait3A_745 = tpu.memref_squeeze %dma_wait3A_744 : memref<1x50xi32, #tpu.memory_space<vmem>> -> memref<50xi32, #tpu.memory_space<vmem>>
      %dma_wait3A_746 = arith.constant 0 : i32
      %dma_wait3A_747 = arith.constant 0 : i32
      %dma_wait3A_748 = tpu.memref_slice %arg3[%dma_wait3A_746, %dma_wait3A_747] : memref<1000000x32xf32, #tpu.memory_space<hbm>> -> memref<1000000x32xf32, #tpu.memory_space<hbm>>
      %dma_wait3A_749 = tpu.memref_slice %arg7[%dma_wait3A_738] : memref<2x!tpu.dma_semaphore, #tpu.memory_space<semaphore_mem>> -> memref<1x!tpu.dma_semaphore, #tpu.memory_space<semaphore_mem>>
      %dma_wait3A_750 = tpu.memref_squeeze %dma_wait3A_749 : memref<1x!tpu.dma_semaphore, #tpu.memory_space<semaphore_mem>> -> memref<!tpu.dma_semaphore, #tpu.memory_space<semaphore_mem>>
      tpu.wait_indirect_dma semaphore(%dma_wait3A_750 : memref<!tpu.dma_semaphore, #tpu.memory_space<semaphore_mem>>) src(%dma_wait3A_748 : memref<1000000x32xf32, #tpu.memory_space<hbm>>) dst(%dma_wait3A_742 : memref<50x32xf32, #tpu.memory_space<vmem>>)
      %dma_wait3A_751 = arith.constant 0 : i32
      %dma_wait3A_752 = arith.constant 1 : i32
      %dma_wait3A_753 = arith.constant 13 : i32
      %dma_wait3A_754 = arith.constant 1 : i32
      %dma_wait3A_755 = arith.constant 0 : i32
      %dma_wait3A_756 = arith.constant 0 : i32
      %dma_wait3A_757 = tpu.memref_slice %arg6[%dma_wait3A_752, %dma_wait3A_753, %dma_wait3A_755, %dma_wait3A_756] : memref<2x16x50x32xf32, #tpu.memory_space<vmem>> -> memref<1x1x50x32xf32, #tpu.memory_space<vmem>>
      %dma_wait3A_758 = tpu.memref_squeeze %dma_wait3A_757 : memref<1x1x50x32xf32, #tpu.memory_space<vmem>> -> memref<50x32xf32, #tpu.memory_space<vmem>>
      %dma_wait3A_759 = arith.constant 0 : i32
      %dma_wait3A_760 = tpu.memref_slice %arg5[%dma_wait3A_751, %dma_wait3A_759] : memref<512x50xi32, #tpu.memory_space<vmem>> -> memref<1x50xi32, #tpu.memory_space<vmem>>
      %dma_wait3A_761 = tpu.memref_squeeze %dma_wait3A_760 : memref<1x50xi32, #tpu.memory_space<vmem>> -> memref<50xi32, #tpu.memory_space<vmem>>
      %dma_wait3A_762 = arith.constant 0 : i32
      %dma_wait3A_763 = arith.constant 0 : i32
      %dma_wait3A_764 = tpu.memref_slice %arg3[%dma_wait3A_762, %dma_wait3A_763] : memref<1000000x32xf32, #tpu.memory_space<hbm>> -> memref<1000000x32xf32, #tpu.memory_space<hbm>>
      %dma_wait3A_765 = tpu.memref_slice %arg7[%dma_wait3A_754] : memref<2x!tpu.dma_semaphore, #tpu.memory_space<semaphore_mem>> -> memref<1x!tpu.dma_semaphore, #tpu.memory_space<semaphore_mem>>
      %dma_wait3A_766 = tpu.memref_squeeze %dma_wait3A_765 : memref<1x!tpu.dma_semaphore, #tpu.memory_space<semaphore_mem>> -> memref<!tpu.dma_semaphore, #tpu.memory_space<semaphore_mem>>
      tpu.wait_indirect_dma semaphore(%dma_wait3A_766 : memref<!tpu.dma_semaphore, #tpu.memory_space<semaphore_mem>>) src(%dma_wait3A_764 : memref<1000000x32xf32, #tpu.memory_space<hbm>>) dst(%dma_wait3A_758 : memref<50x32xf32, #tpu.memory_space<vmem>>)
      %dma_wait3A_767 = arith.constant 0 : i32
      %dma_wait3A_768 = arith.constant 1 : i32
      %dma_wait3A_769 = arith.constant 14 : i32
      %dma_wait3A_770 = arith.constant 1 : i32
      %dma_wait3A_771 = arith.constant 0 : i32
      %dma_wait3A_772 = arith.constant 0 : i32
      %dma_wait3A_773 = tpu.memref_slice %arg6[%dma_wait3A_768, %dma_wait3A_769, %dma_wait3A_771, %dma_wait3A_772] : memref<2x16x50x32xf32, #tpu.memory_space<vmem>> -> memref<1x1x50x32xf32, #tpu.memory_space<vmem>>
      %dma_wait3A_774 = tpu.memref_squeeze %dma_wait3A_773 : memref<1x1x50x32xf32, #tpu.memory_space<vmem>> -> memref<50x32xf32, #tpu.memory_space<vmem>>
      %dma_wait3A_775 = arith.constant 0 : i32
      %dma_wait3A_776 = tpu.memref_slice %arg5[%dma_wait3A_767, %dma_wait3A_775] : memref<512x50xi32, #tpu.memory_space<vmem>> -> memref<1x50xi32, #tpu.memory_space<vmem>>
      %dma_wait3A_777 = tpu.memref_squeeze %dma_wait3A_776 : memref<1x50xi32, #tpu.memory_space<vmem>> -> memref<50xi32, #tpu.memory_space<vmem>>
      %dma_wait3A_778 = arith.constant 0 : i32
      %dma_wait3A_779 = arith.constant 0 : i32
      %dma_wait3A_780 = tpu.memref_slice %arg3[%dma_wait3A_778, %dma_wait3A_779] : memref<1000000x32xf32, #tpu.memory_space<hbm>> -> memref<1000000x32xf32, #tpu.memory_space<hbm>>
      %dma_wait3A_781 = tpu.memref_slice %arg7[%dma_wait3A_770] : memref<2x!tpu.dma_semaphore, #tpu.memory_space<semaphore_mem>> -> memref<1x!tpu.dma_semaphore, #tpu.memory_space<semaphore_mem>>
      %dma_wait3A_782 = tpu.memref_squeeze %dma_wait3A_781 : memref<1x!tpu.dma_semaphore, #tpu.memory_space<semaphore_mem>> -> memref<!tpu.dma_semaphore, #tpu.memory_space<semaphore_mem>>
      tpu.wait_indirect_dma semaphore(%dma_wait3A_782 : memref<!tpu.dma_semaphore, #tpu.memory_space<semaphore_mem>>) src(%dma_wait3A_780 : memref<1000000x32xf32, #tpu.memory_space<hbm>>) dst(%dma_wait3A_774 : memref<50x32xf32, #tpu.memory_space<vmem>>)
      %dma_wait3A_783 = arith.constant 0 : i32
      %dma_wait3A_784 = arith.constant 1 : i32
      %dma_wait3A_785 = arith.constant 15 : i32
      %dma_wait3A_786 = arith.constant 1 : i32
      %dma_wait3A_787 = arith.constant 0 : i32
      %dma_wait3A_788 = arith.constant 0 : i32
      %dma_wait3A_789 = tpu.memref_slice %arg6[%dma_wait3A_784, %dma_wait3A_785, %dma_wait3A_787, %dma_wait3A_788] : memref<2x16x50x32xf32, #tpu.memory_space<vmem>> -> memref<1x1x50x32xf32, #tpu.memory_space<vmem>>
      %dma_wait3A_790 = tpu.memref_squeeze %dma_wait3A_789 : memref<1x1x50x32xf32, #tpu.memory_space<vmem>> -> memref<50x32xf32, #tpu.memory_space<vmem>>
      %dma_wait3A_791 = arith.constant 0 : i32
      %dma_wait3A_792 = tpu.memref_slice %arg5[%dma_wait3A_783, %dma_wait3A_791] : memref<512x50xi32, #tpu.memory_space<vmem>> -> memref<1x50xi32, #tpu.memory_space<vmem>>
      %dma_wait3A_793 = tpu.memref_squeeze %dma_wait3A_792 : memref<1x50xi32, #tpu.memory_space<vmem>> -> memref<50xi32, #tpu.memory_space<vmem>>
      %dma_wait3A_794 = arith.constant 0 : i32
      %dma_wait3A_795 = arith.constant 0 : i32
      %dma_wait3A_796 = tpu.memref_slice %arg3[%dma_wait3A_794, %dma_wait3A_795] : memref<1000000x32xf32, #tpu.memory_space<hbm>> -> memref<1000000x32xf32, #tpu.memory_space<hbm>>
      %dma_wait3A_797 = tpu.memref_slice %arg7[%dma_wait3A_786] : memref<2x!tpu.dma_semaphore, #tpu.memory_space<semaphore_mem>> -> memref<1x!tpu.dma_semaphore, #tpu.memory_space<semaphore_mem>>
      %dma_wait3A_798 = tpu.memref_squeeze %dma_wait3A_797 : memref<1x!tpu.dma_semaphore, #tpu.memory_space<semaphore_mem>> -> memref<!tpu.dma_semaphore, #tpu.memory_space<semaphore_mem>>
      tpu.wait_indirect_dma semaphore(%dma_wait3A_798 : memref<!tpu.dma_semaphore, #tpu.memory_space<semaphore_mem>>) src(%dma_wait3A_796 : memref<1000000x32xf32, #tpu.memory_space<hbm>>) dst(%dma_wait3A_790 : memref<50x32xf32, #tpu.memory_space<vmem>>)
      %mul3A_799 = arith.constant 16 : i32
      %mul3A_800 = arith.muli %add3A_535, %mul3A_799 : i32
      %add3A_801 = arith.addi %mul3A_2, %mul3A_800 : i32
      %run_scoped3A_802 = arith.constant 1 : i32
      "tpu.region"() ({
        %run_scoped3A_804 = tpu.sem_alloc : memref<!tpu.dma_semaphore, #tpu.memory_space<semaphore_mem>>
        %dma_start3A_805 = arith.constant 0 : i32
        %dma_start3A_806 = arith.constant 0 : i32
        %dma_start3A_807 = arith.constant 0 : i32
        %dma_start3A_808 = tpu.memref_slice %arg6[%run_scoped3A_802, %dma_start3A_805, %dma_start3A_806, %dma_start3A_807] : memref<2x16x50x32xf32, #tpu.memory_space<vmem>> -> memref<1x16x50x32xf32, #tpu.memory_space<vmem>>
        %dma_start3A_809 = tpu.memref_squeeze %dma_start3A_808 : memref<1x16x50x32xf32, #tpu.memory_space<vmem>> -> memref<16x50x32xf32, #tpu.memory_space<vmem>>
        %dma_start3A_810 = arith.constant 0 : i32
        %dma_start3A_811 = arith.constant 0 : i32
        %dma_start3A_812 = tpu.memref_slice %arg4[%add3A_801, %dma_start3A_810, %dma_start3A_811] : memref<16384x50x32xf32, #tpu.memory_space<hbm>> -> memref<16x50x32xf32, #tpu.memory_space<hbm>>
        %dma_start3A_813 = arith.constant 0 : i32
        %dma_start3A_814 = arith.constant 0 : i32
        %dma_start3A_815 = tpu.memref_slice %arg4[%add3A_801, %dma_start3A_813, %dma_start3A_814] : memref<16384x50x32xf32, #tpu.memory_space<hbm>> -> memref<16x50x32xf32, #tpu.memory_space<hbm>>
        %dma_start3A_816 = arith.constant 0 : i32
        %dma_start3A_817 = arith.constant 0 : i32
        %dma_start3A_818 = arith.constant 0 : i32
        %dma_start3A_819 = tpu.memref_slice %arg6[%run_scoped3A_802, %dma_start3A_816, %dma_start3A_817, %dma_start3A_818] : memref<2x16x50x32xf32, #tpu.memory_space<vmem>> -> memref<1x16x50x32xf32, #tpu.memory_space<vmem>>
        %dma_start3A_820 = tpu.memref_squeeze %dma_start3A_819 : memref<1x16x50x32xf32, #tpu.memory_space<vmem>> -> memref<16x50x32xf32, #tpu.memory_space<vmem>>
        tpu.enqueue_dma source(%dma_start3A_820 : memref<16x50x32xf32, #tpu.memory_space<vmem>>) target(%dma_start3A_815 : memref<16x50x32xf32, #tpu.memory_space<hbm>>) target_semaphore(%run_scoped3A_804 : memref<!tpu.dma_semaphore, #tpu.memory_space<semaphore_mem>>)
        %dma_wait3A_821 = arith.constant 0 : i32
        %dma_wait3A_822 = arith.constant 0 : i32
        %dma_wait3A_823 = arith.constant 0 : i32
        %dma_wait3A_824 = tpu.memref_slice %arg6[%run_scoped3A_802, %dma_wait3A_821, %dma_wait3A_822, %dma_wait3A_823] : memref<2x16x50x32xf32, #tpu.memory_space<vmem>> -> memref<1x16x50x32xf32, #tpu.memory_space<vmem>>
        %dma_wait3A_825 = tpu.memref_squeeze %dma_wait3A_824 : memref<1x16x50x32xf32, #tpu.memory_space<vmem>> -> memref<16x50x32xf32, #tpu.memory_space<vmem>>
        %dma_wait3A_826 = arith.constant 0 : i32
        %dma_wait3A_827 = arith.constant 0 : i32
        %dma_wait3A_828 = tpu.memref_slice %arg4[%add3A_801, %dma_wait3A_826, %dma_wait3A_827] : memref<16384x50x32xf32, #tpu.memory_space<hbm>> -> memref<16x50x32xf32, #tpu.memory_space<hbm>>
        %dma_wait3A_829 = arith.constant 0 : i32
        %dma_wait3A_830 = arith.constant 0 : i32
        %dma_wait3A_831 = tpu.memref_slice %arg4[%add3A_801, %dma_wait3A_829, %dma_wait3A_830] : memref<16384x50x32xf32, #tpu.memory_space<hbm>> -> memref<16x50x32xf32, #tpu.memory_space<hbm>>
        %dma_wait3A_832 = arith.constant 0 : i32
        %dma_wait3A_833 = arith.constant 0 : i32
        %dma_wait3A_834 = arith.constant 0 : i32
        %dma_wait3A_835 = tpu.memref_slice %arg6[%run_scoped3A_802, %dma_wait3A_832, %dma_wait3A_833, %dma_wait3A_834] : memref<2x16x50x32xf32, #tpu.memory_space<vmem>> -> memref<1x16x50x32xf32, #tpu.memory_space<vmem>>
        %dma_wait3A_836 = tpu.memref_squeeze %dma_wait3A_835 : memref<1x16x50x32xf32, #tpu.memory_space<vmem>> -> memref<16x50x32xf32, #tpu.memory_space<vmem>>
        tpu.wait_dma2 semaphore(%run_scoped3A_804 : memref<!tpu.dma_semaphore, #tpu.memory_space<semaphore_mem>>) src(%dma_wait3A_836 : memref<16x50x32xf32, #tpu.memory_space<vmem>>) dst(%dma_wait3A_831 : memref<16x50x32xf32, #tpu.memory_space<hbm>>)
        tpu.yield
      }) : () -> ()
      %scan3A_803 = arith.constant 0 : i32
      scf.yield %scan3A_803 : i32
    }
    %scan3A_263 = arith.constant 16 : i32
    return
  }
}

</mosaic_0001>

<sc_bundles>
// kernel: _sc_gather.3.cloned.1.call-start
scs
__scs_entry_jumppad:
0x0: {  	(pc) =	sbr.rel $0x88, $3  }
0x1: {  	(tag) =	ssettag $0x0;
	lr =	simm.s32 $0x1  }
0x2: {  	[smem:$0x3F9F] =	sst lr;
	_ =	strace $0xD0000000  }
0x3: {  	_ = 	snop  }
0x4: {  	_ = 	snop  }
0x5: {  	_ = 	snop  }
0x6: {  	_ = 	snop  }
0x7: {  	_ = 	snop  }
__scs_overlays_trampoline_lowered:
0x8: {  	[smem:$0x3FAE] =	sst s0  }
0x9: {  	[smem:$0x3FAF] =	sst s1  }
0xa: {  	[smem:$0x3FB0] =	sst s2  }
0xb: {  	[smem:$0x3FB1] =	sst s3  }
0xc: {  	[smem:$0x3FB2] =	sst s4  }
0xd: {  	[smem:$0x3FB3] =	sst s5  }
0xe: {  	[smem:$0x3FB4] =	sst s6  }
0xf: {  	[smem:$0x3FB5] =	sst s7  }
0x10: {  	[smem:$0x3FB6] =	sst s8  }
0x11: {  	[smem:$0x3FB7] =	sst s9;
	s0 =	simm.s32 @!p0 $0x0  }
0x12: {  	s1 =	sld [smem:$0x3F9D];
	s0 =	simm.s32 @p0 $0x1  }
0x13: {  	[smem:$0x3FB8] =	sst s0;
	s0 =	simm.s32 @!p1 $0x0  }
0x14: {  	s2 =	sld [smem:$0x3F9C];
	s0 =	simm.s32 @p1 $0x1  }
0x15: {  	[smem:$0x3FB9] =	sst s0;
	s0 =	simm.s32 @!p2 $0x0  }
0x16: {  	s3 =	sld [smem:$0x3FDB];
	s0 =	simm.s32 @p2 $0x1  }
0x17: {  	s4 =	simm.s32 $0x1BF5;
	[smem:$0x3FBB] =	sst s0  }
0x18: {  	s0 =	sld [smem:$0x3F9E];
	_ =	swait.ge [sflag:s4], $0x0  }
0x19: {  	s7 =	sld [smem:$0x3F9F]  }
0x1a: {  	s8 =	sadd.s32 $0xFFFFE003, lr  }
0x1b: {  	s9 =	sadd.s32 $0xFFFFFEF7, lr;
	s5 =	simm.s32 $0xFFFFFFFF;
	p2 =	slt.u32 s8, $0xFFFFF086  }
0x1c: {  	p1 =	slt.u32 s9, $0xF7A;
	s5 =	simm.s32 @!p2 $0x0  }
0x1d: {  	s5 =	simm.s32 @p1 $0x1;
	p0 =	seq.s32 s7, s2  }
0x1e: {  	s7 =	smul.u32 @!p0 $0xF7A, s2;
	p2 =	seq.s32 @!p0 s5, $0x0  }
0x1f: {  	s9 =	smul.u32 $0xF7A, s1;
	s8 =	simm.s32 @!p0 $0x1BF5;
	p2 =	por !p2, p0  }
0x20: {  	[sflag:s8] =	ssyncset.s32 @!p0 $0xFFFFF086;
	s6 =	sadd.s32 @!p0 s3, s7;
	s7 =	simm.s32 @!p0 $0x108  }
0x21: {  	s3 =	sadd.s32 s3, s9;
	s6 =	sadd.s32 @!p0 $0x88, s6;
	s7 =	simm.s32 @p2 $0x1082  }
0x22: {  	[simem:s7], [sflag:s8] =	dma.local @!p0 [hbm:s6], $0xF7A  }
0x23: {  	s9 =	sor.u32 $0xD0000000, s2;
	s6 =	simm.s32 $0x108;
	_ =	swait.ge @!p0 [sflag:s8], $0x0  }
0x24: {  	s3 =	sadd.s32 $0x88, s3;
	s6 =	simm.s32 @!p1 $0x1082;
	[sflag:s4] =	ssyncset.s32 $0xFFFFF086  }
0x25: {  	[simem:s6], [sflag:s4] =	dma.local [hbm:s3], $0xF7A  }
0x26: {  	[smem:$0x3F9F] =	sst s1;
	(tag) =	ssettag s2;
	_ =	strace s9  }
0x27: {  	s1 =	sld [smem:$0x3FAF]  }
0x28: {  	s2 =	sld [smem:$0x3FB0]  }
0x29: {  	s4 =	sld [smem:$0x3FB2]  }
0x2a: {  	p0 =	seq.s32 s5, $0x0;
	s5 =	sld [smem:$0x3FB3]  }
0x2b: {  	s6 =	sld [smem:$0x3FB4]  }
0x2c: {  	s7 =	sld [smem:$0x3FB5]  }
0x2d: {  	s3 =	simm.s32 $0x108;
	s8 =	sld [smem:$0x3FB6]  }
0x2e: {  	s3 =	simm.s32 @!p0 $0x1082;
	s9 =	sld [smem:$0x3FB7]  }
0x2f: {  	lr =	sadd.s32 s0, s3;
	s0 =	sld [smem:$0x3FAE]  }
0x30: {  	s3 =	sld [smem:$0x3FB1]  }
0x31: {  	[smem:$0x3FBA] =	sst s10  }
0x32: {  	s10 =	sld [smem:$0x3FB8];
	_ =	sdelay $0x3  }
0x33: {  	p0 =	seq.s32 s10, $0x1;
	s10 =	sld [smem:$0x3FBA];
	_ =	sdelay $0x3  }
0x34: {  	[smem:$0x3FBA] =	sst s10  }
0x35: {  	s10 =	sld [smem:$0x3FB9];
	_ =	sdelay $0x3  }
0x36: {  	p1 =	seq.s32 s10, $0x1;
	s10 =	sld [smem:$0x3FBA];
	_ =	sdelay $0x3  }
0x37: {  	[smem:$0x3FBA] =	sst s10  }
0x38: {  	s10 =	sld [smem:$0x3FBB]  }
0x39: {  	_ = 	snop;
	(pc) =	sbr.ind lr, $3  }
0x3a: {  	_ = 	snop  }
0x3b: {  	_ = 	snop  }
0x3c: {  	p2 =	seq.s32 s10, $0x1;
	s10 =	sld [smem:$0x3FBA]  }
0x3d: {  	_ =	shalt  }
0x3e: {  	_ =	shalt  }
0x3f: {  	_ =	shalt  }
0x40: {  	_ =	shalt  }
0x41: {  	_ =	shalt  }
0x42: {  	_ =	shalt  }
0x43: {  	_ =	shalt  }
0x44: {  	_ =	shalt  }
0x45: {  	_ =	shalt  }
0x46: {  	_ =	shalt  }
0x47: {  	_ =	shalt  }
0x48: {  	_ =	shalt  }
0x49: {  	_ =	shalt  }
0x4a: {  	_ =	shalt  }
0x4b: {  	_ =	shalt  }
0x4c: {  	_ =	shalt  }
0x4d: {  	_ =	shalt  }
0x4e: {  	_ =	shalt  }
0x4f: {  	_ =	shalt  }
0x50: {  	_ =	shalt  }
0x51: {  	_ =	shalt  }
0x52: {  	_ =	shalt  }
0x53: {  	_ =	shalt  }
0x54: {  	_ =	shalt  }
0x55: {  	_ =	shalt  }
0x56: {  	_ =	shalt  }
0x57: {  	_ =	shalt  }
0x58: {  	_ =	shalt  }
0x59: {  	_ =	shalt  }
0x5a: {  	_ =	shalt  }
0x5b: {  	_ =	shalt  }
0x5c: {  	_ =	shalt  }
0x5d: {  	_ =	shalt  }
0x5e: {  	_ =	shalt  }
0x5f: {  	_ =	shalt  }
0x60: {  	_ =	shalt  }
0x61: {  	_ =	shalt  }
0x62: {  	_ =	shalt  }
0x63: {  	_ =	shalt  }
0x64: {  	_ =	shalt  }
0x65: {  	_ =	shalt  }
0x66: {  	_ =	shalt  }
0x67: {  	_ =	shalt  }
0x68: {  	_ =	shalt  }
0x69: {  	_ =	shalt  }
0x6a: {  	_ =	shalt  }
0x6b: {  	_ =	shalt  }
0x6c: {  	_ =	shalt  }
0x6d: {  	_ =	shalt  }
0x6e: {  	_ =	shalt  }
0x6f: {  	_ =	shalt  }
0x70: {  	_ =	shalt  }
0x71: {  	_ =	shalt  }
0x72: {  	_ =	shalt  }
0x73: {  	_ =	shalt  }
0x74: {  	_ =	shalt  }
0x75: {  	_ =	shalt  }
0x76: {  	_ =	shalt  }
0x77: {  	_ =	shalt  }
0x78: {  	_ =	shalt  }
0x79: {  	_ =	shalt  }
0x7a: {  	_ =	shalt  }
0x7b: {  	_ =	shalt  }
0x7c: {  	_ =	shalt  }
0x7d: {  	_ =	shalt  }
0x7e: {  	_ =	shalt  }
0x7f: {  	_ =	shalt  }
0x80: {  	_ =	shalt  }
0x81: {  	_ =	shalt  }
0x82: {  	_ =	shalt  }
0x83: {  	_ =	shalt  }
0x84: {  	_ =	shalt  }
0x85: {  	_ =	shalt  }
0x86: {  	_ =	shalt  }
0x87: {  	_ =	shalt  }
.Lfunc_end0:
.L_simem_size_0:
called_computation.1_lowered:
.L_overlay_start_0:
0x88: {  	s2 =	sld [smem:$0x3FD9]  }
0x89: {  	s3 =	sld [smem:$0x3FFE];
	_ =	sdelay $0x1  }
0x8a: {  	s1 =	srdreg.scid  }
0x8b: {  	s0 =	sand.u32 $0x1, s1  }
0x8c: {  	s17 =	sshll.u32 s0, $0xA;
	s2 =	sadd.s32 s3, s2  }
0x8d: {  	s2 =	sadd.s32 s2, s17  }
0x8e: {  	[smem:$0x3FC6] =	sst s2  }
0x8f: {  	_ = 	snop  }
0x90: {  	s2 =	sld [smem:$0x3FD0];
	(tm) =	ssettm $0x1  }
0x91: {  	s18 =	sld [smem:$0x3FFB];
	_ =	sdelay $0x3  }
0x92: {  	_ =	strace s18  }
0x93: {  	s3 =	sld [smem:$0x3FFC];
	_ =	sdelay $0x3  }
0x94: {  	_ =	strace s3  }
0x95: {  	s3 =	sld [smem:$0x3FFD];
	_ =	sdelay $0x3  }
0x96: {  	_ =	strace s3  }
0x97: {  	_ =	strace $0x8FFFFFFF  }
0x98: {  	s19 =	sld [smem:$0x3FDB];
	_ =	sdelay $0x1  }
0x99: {  	s4 =	simm.s32 $_scs_section_size  }
0x9a: {  	s5 =	simm.s32 $_size__tile_overlayer_lowered;
	s6 =	simm.s32 $_tile_overlayer_lowered  }
0x9b: {  	s22 =	simm.s32 $0x1BFF;
	s21 =	sshll.u32 s6, $0x1;
	s3 =	sadd.s32 s4, s19  }
0x9c: {  	s7 =	simm.s32 $0x0;
	s20 =	sshll.u32 s5, $0x1;
	s5 =	sadd.s32 s21, s3  }
0x9d: {  	[timem:s7], [sflag:s22] =	dma.local [hbm:s5], s20  }
0x9e: {  	_ =	swait.ge [sflag:s22], s20  }
0x9f: {  	s4 =	ssub.s32 $0x0, s20;
	[sflag:s22] =	ssyncset.done $0x0  }
0xa0: {  	[sflag:s22] =	ssyncadd.s32 s4;
	_ =	sdelay $0x1  }
0xa1: {  	s23 =	simm.s32 $0x1B8B  }
0xa2: {  	_ =	swait.ge [sflag:s23], $0x1  }
0xa3: {  	[sflag:s23] =	ssyncset.done $0x0  }
0xa4: {  	s25 =	simm.s32 $0x1B8E;
	s24 =	sld [smem:$0x3FFE];
	[sflag:s23] =	ssyncadd.s32 $0xFFFFFFFF  }
0xa5: {  	s26 =	simm.s32 $execute0_lowered;
	[smem:$0x3FD2] =	sst s25  }
0xa6: {  	s5 =	sshll.u32 s26, $0x1;
	_ =	strace $0x80000046;
	[dreg:$0x1] =	wrdreg $0xFFFFFFFF  }
0xa7: {  	s28 =	simm.s32 $_size_execute0_lowered;
	s3 =	sadd.s32 s3, s5;
	[dreg:$0x0] =	wrdreg $0x0  }
0xa8: {  	s5 =	sshll.u32 s28, $0x1;
	[dreg:$0x2] =	wrdreg s3  }
0xa9: {  	[dreg:$0x3] =	wrdreg s5  }
0xaa: {  	[dreg:$0x4] =	wrdreg $0xC0  }
0xab: {  	_ =	task [dreg:s7], $0x5FFFF  }
0xac: {  	[dreg:$0x1] =	wrdreg $0xFFFFFFFF  }
0xad: {  	[dreg:$0x0] =	wrdreg $0x60  }
0xae: {  	[dreg:$0x2] =	wrdreg s24  }
0xaf: {  	[dreg:$0x3] =	wrdreg s2  }
0xb0: {  	[dreg:$0x4] =	wrdreg $0x9  }
0xb1: {  	_ =	task.clear_ibuf [dreg:s7], $0x5FFFF;
	_ =	strace $0x90000046  }
0xb2: {  	s29 =	simm.s32 $0x9;
	_ =	strace $0x80000048  }
0xb3: {  	_ =	swait.ge [sflag:s29], $0x1  }
0xb4: {  	[sflag:s29] =	ssyncadd.s32 $0xFFFFFFFF  }
0xb5: {  	_ =	strace $0x90000048  }
0xb6: {  	_ =	sfence  }
0xb7: {  	s30 =	sld [smem:$0x0];
	_ =	sdelay $0x2  }
0xb8: {  	s31 =	sshll.u32 s1, $0xD;
	s1 =	sshrl.u32 s1, $0x2  }
0xb9: {  	s3 =	sand.u32 $0x4000, s31;
	s1 =	sadd.s32 s1, s30  }
0xba: {  	s0 =	sor.u32 s3, s0;
	s1 =	sshll.u32 s1, $0x11  }
0xbb: {  	s0 =	sor.u32 s1, s0  }
0xbc: {  	s0 =	sadd.s32 $0x8F2B, s0  }
0xbd: {  	[sflag:s0] =	ssyncadd.remote.s32 $0x1  }
0xbe: {  	_ =	sfence.sel $0xFFFF  }
0xbf: {  	[dreg:$0x0] =	wrdreg $0xFFFFFFFF;
	(pc) =	sbr.abs _section_cstart, $3  }
0xc0: {  	[dreg:$0x1] =	wrdreg $0xFFFFFFFF  }
0xc1: {  	_ =	task.clear_ibuf [dreg:s7], $0x2FFFF;
	_ =	strace $0x9FFFFFFF  }
0xc2: {  	(tm) =	ssettm $0x7FFFFFFF  }
0xc3: {  	_ =	shalt  }
tec
execute0_lowered:
.L_overlay_start_1:
0x0: {  	(tag) =	ssettag $0x1  }
0x1: {  	s0 =	rddreg [dreg:$0x0]  }
0x2: {  	s5 =	rddreg [dreg:$0x1];
	s2 =	simm.s32 $0x0  }
0x3: {  	s16 =	simm.s32 $0xDA40;
	[smem:$0x7FF] =	sst s2  }
0x4: {  	s17 =	simm.s32 $0xE080;
	_ =	strace $0x80000047;
	[dreg:$0x3] =	wrdreg s16  }
0x5: {  	s18 =	simm.s32 $0xE6C0;
	[dreg:$0x4] =	wrdreg s17  }
0x6: {  	s1 =	srdreg.scid;
	s19 =	simm.s32 $0xED00;
	[dreg:$0x5] =	wrdreg s18  }
0x7: {  	s7 =	stileid.u32;
	s20 =	simm.s32 $0xF340;
	[dreg:$0x6] =	wrdreg s19  }
0x8: {  	s8 =	simm.s32 $0x32;
	s21 =	simm.s32 $0xF980;
	[dreg:$0x7] =	wrdreg s20  }
0x9: {  	s9 =	simm.s32 $0x7000;
	s22 =	simm.s32 $0xFFC0;
	[dreg:$0x8] =	wrdreg s21  }
0xa: {  	s23 =	simm.s32 $0x10600;
	s24 =	simm.s32 $0x10C40;
	[dreg:$0x9] =	wrdreg s22  }
0xb: {  	s25 =	simm.s32 $0x11280;
	s26 =	simm.s32 $0x118C0;
	[dreg:$0xa] =	wrdreg s23  }
0xc: {  	s28 =	simm.s32 $0x11F00;
	s29 =	simm.s32 $0x12540;
	[dreg:$0xb] =	wrdreg s24  }
0xd: {  	s30 =	simm.s32 $0x12B80;
	s31 =	simm.s32 $0x131C0;
	[dreg:$0xc] =	wrdreg s25  }
0xe: {  	s12 =	simm.s32 $0xC140;
	s13 =	simm.s32 $0x310;
	[dreg:$0xd] =	wrdreg s26  }
0xf: {  	s1 =	sand.u32 $0x1, s1;
	s3 =	sshll.u32 s7, $0x1;
	[dreg:$0xe] =	wrdreg s28  }
0x10: {  	s7 =	smul.u32 $0x32000, s7;
	s3 =	sor.u32 s1, s3;
	[dreg:$0xf] =	wrdreg s29  }
0x11: {  	s6 =	ssub.s32 $0x2, s1;
	s1 =	smul.u32 $0x19000, s1;
	[dreg:$0x10] =	wrdreg s30  }
0x12: {  	[dreg:$0x11] =	wrdreg s31;
	s16 =	simm.s32 $0xCDC0;
	s17 =	simm.s32 $0xD400  }
0x13: {  	s18 =	simm.s32 $0x1;
	s19 =	simm.s32 $0x2;
	s3 =	smul.u32 $0xE00, s3  }
0x14: {  	s20 =	simm.s32 $0x0;
	s14 =	sshrl.u32 s6, $0x1;
	s15 =	sadd.s32 s7, s5  }
0x15: {  	s7 =	simm.s32 $0x3;
	s4 =	sadd.s32 s3, s0;
	s3 =	sadd.s32 $0xF42E00, s0  }
0x16: {  	s0 =	ssub.s32 s6, s14;
	s6 =	sadd.s32 s1, s15;
	s14 =	simm.s32 $0xC780  }
0x17: {  	s15 =	simm.s32 $0x348;
	s4 =	sadd.s32 $0xA00, s4;
	s5 =	smax.u32 s0, $0x1  }
.LBB2_1:
0x18: {  	[tilespmem:s2], [sflag:$0x3] =	stream.linear.gather [hbm4b:s4+s2], $0x7000, $0x38;
	[tilespmem:$0x13800] =	vst v63  }
0x19: {  	_ =	swait.ge [sflag:s7], $0x7000  }
0x1a: {  	[sflag:s7] =	ssyncset.done $0x0  }
0x1b: {  	[sflag:s7] =	ssyncadd.s32 $0xFFFF9000  }
0x1c: {  	[tilespmem:s9], [sflag:$0x1] =	stream.indirect.gather [hbm4b:s3+s8], $0x20, s2, s8, $0xb8;
	[tilespmem:$0x13800] =	vst v63  }
0x1d: {  	s0 =	simm.s32 $0x38;
	s1 =	simm.s32 $0x7640  }
0x1e: {  	[tilespmem:s1], [sflag:$0x1] =	stream.indirect.gather [hbm4b:s3+s8], $0x20, s0, s8, $0xb8;
	[tilespmem:$0x13800] =	vst v63  }
0x1f: {  	s28 =	simm.s32 $0x70;
	s29 =	simm.s32 $0x7C80  }
0x20: {  	[tilespmem:s29], [sflag:$0x1] =	stream.indirect.gather [hbm4b:s3+s8], $0x20, s28, s8, $0xb8;
	[tilespmem:$0x13800] =	vst v63  }
0x21: {  	s30 =	simm.s32 $0xA8;
	s31 =	simm.s32 $0x82C0  }
0x22: {  	[tilespmem:s31], [sflag:$0x1] =	stream.indirect.gather [hbm4b:s3+s8], $0x20, s30, s8, $0xb8;
	[tilespmem:$0x13800] =	vst v63  }
0x23: {  	s10 =	simm.s32 $0xE0;
	s11 =	simm.s32 $0x8900  }
0x24: {  	[tilespmem:s11], [sflag:$0x1] =	stream.indirect.gather [hbm4b:s3+s8], $0x20, s10, s8, $0xb8;
	[tilespmem:$0x13800] =	vst v63  }
0x25: {  	s21 =	simm.s32 $0x118;
	s22 =	simm.s32 $0x8F40  }
0x26: {  	[tilespmem:s22], [sflag:$0x1] =	stream.indirect.gather [hbm4b:s3+s8], $0x20, s21, s8, $0xb8;
	[tilespmem:$0x13800] =	vst v63  }
0x27: {  	s23 =	simm.s32 $0x150;
	s24 =	simm.s32 $0x9580  }
0x28: {  	[tilespmem:s24], [sflag:$0x1] =	stream.indirect.gather [hbm4b:s3+s8], $0x20, s23, s8, $0xb8;
	[tilespmem:$0x13800] =	vst v63  }
0x29: {  	s25 =	simm.s32 $0x188;
	s26 =	simm.s32 $0x9BC0  }
0x2a: {  	[tilespmem:s26], [sflag:$0x1] =	stream.indirect.gather [hbm4b:s3+s8], $0x20, s25, s8, $0xb8;
	[tilespmem:$0x13800] =	vst v63  }
0x2b: {  	s28 =	simm.s32 $0x1C0;
	s29 =	simm.s32 $0xA200  }
0x2c: {  	[tilespmem:s29], [sflag:$0x1] =	stream.indirect.gather [hbm4b:s3+s8], $0x20, s28, s8, $0xb8;
	[tilespmem:$0x13800] =	vst v63  }
0x2d: {  	s30 =	simm.s32 $0x1F8;
	s31 =	simm.s32 $0xA840  }
0x2e: {  	[tilespmem:s31], [sflag:$0x1] =	stream.indirect.gather [hbm4b:s3+s8], $0x20, s30, s8, $0xb8;
	[tilespmem:$0x13800] =	vst v63  }
0x2f: {  	s10 =	simm.s32 $0x230;
	s11 =	simm.s32 $0xAE80  }
0x30: {  	[tilespmem:s11], [sflag:$0x1] =	stream.indirect.gather [hbm4b:s3+s8], $0x20, s10, s8, $0xb8;
	[tilespmem:$0x13800] =	vst v63  }
0x31: {  	s21 =	simm.s32 $0x268;
	s22 =	simm.s32 $0xB4C0  }
0x32: {  	[tilespmem:s22], [sflag:$0x1] =	stream.indirect.gather [hbm4b:s3+s8], $0x20, s21, s8, $0xb8;
	[tilespmem:$0x13800] =	vst v63  }
0x33: {  	s23 =	simm.s32 $0x2A0;
	s24 =	simm.s32 $0xBB00  }
0x34: {  	[tilespmem:s24], [sflag:$0x1] =	stream.indirect.gather [hbm4b:s3+s8], $0x20, s23, s8, $0xb8;
	[tilespmem:$0x13800] =	vst v63  }
0x35: {  	s25 =	simm.s32 $0x2D8  }
0x36: {  	[tilespmem:s12], [sflag:$0x1] =	stream.indirect.gather [hbm4b:s3+s8], $0x20, s25, s8, $0xb8;
	[tilespmem:$0x13800] =	vst v63  }
0x37: {  	_ = 	snop  }
0x38: {  	[tilespmem:s14], [sflag:$0x1] =	stream.indirect.gather [hbm4b:s3+s8], $0x20, s13, s8, $0xb8;
	[tilespmem:$0x13800] =	vst v63  }
0x39: {  	_ = 	snop  }
0x3a: {  	[tilespmem:s16], [sflag:$0x1] =	stream.indirect.gather [hbm4b:s3+s8], $0x20, s15, s8, $0xb8;
	[tilespmem:$0x13800] =	vst v63  }
0x3b: {  	s22 =	simm.s32 $0x380  }
0x3c: {  	[tilespmem:s17], [sflag:$0x2] =	stream.indirect.gather [hbm4b:s3+s8], $0x20, s22, s8, $0xb8;
	[tilespmem:$0x13800] =	vst v63  }
0x3d: {  	s26 =	simm.s32 $0x3B8;
	s21 =	rddreg [dreg:$0x3]  }
0x3e: {  	[tilespmem:s21], [sflag:$0x2] =	stream.indirect.gather [hbm4b:s3+s8], $0x20, s26, s8, $0xb8;
	[tilespmem:$0x13800] =	vst v63  }
0x3f: {  	s28 =	simm.s32 $0x3F0;
	s23 =	rddreg [dreg:$0x4]  }
0x40: {  	[tilespmem:s23], [sflag:$0x2] =	stream.indirect.gather [hbm4b:s3+s8], $0x20, s28, s8, $0xb8;
	[tilespmem:$0x13800] =	vst v63  }
0x41: {  	s29 =	rddreg [dreg:$0x5];
	s30 =	simm.s32 $0x428  }
0x42: {  	[tilespmem:s29], [sflag:$0x2] =	stream.indirect.gather [hbm4b:s3+s8], $0x20, s30, s8, $0xb8;
	[tilespmem:$0x13800] =	vst v63  }
0x43: {  	s0 =	simm.s32 $0x460;
	s31 =	rddreg [dreg:$0x6]  }
0x44: {  	[tilespmem:s31], [sflag:$0x2] =	stream.indirect.gather [hbm4b:s3+s8], $0x20, s0, s8, $0xb8;
	[tilespmem:$0x13800] =	vst v63  }
0x45: {  	s1 =	rddreg [dreg:$0x7];
	s10 =	simm.s32 $0x498  }
0x46: {  	[tilespmem:s1], [sflag:$0x2] =	stream.indirect.gather [hbm4b:s3+s8], $0x20, s10, s8, $0xb8;
	[tilespmem:$0x13800] =	vst v63  }
0x47: {  	s11 =	rddreg [dreg:$0x8];
	s22 =	simm.s32 $0x4D0  }
0x48: {  	[tilespmem:s11], [sflag:$0x2] =	stream.indirect.gather [hbm4b:s3+s8], $0x20, s22, s8, $0xb8;
	[tilespmem:$0x13800] =	vst v63  }
0x49: {  	s24 =	rddreg [dreg:$0x9];
	s25 =	simm.s32 $0x508  }
0x4a: {  	[tilespmem:s24], [sflag:$0x2] =	stream.indirect.gather [hbm4b:s3+s8], $0x20, s25, s8, $0xb8;
	[tilespmem:$0x13800] =	vst v63  }
0x4b: {  	s26 =	rddreg [dreg:$0xa];
	s28 =	simm.s32 $0x540  }
0x4c: {  	[tilespmem:s26], [sflag:$0x2] =	stream.indirect.gather [hbm4b:s3+s8], $0x20, s28, s8, $0xb8;
	[tilespmem:$0x13800] =	vst v63  }
0x4d: {  	s29 =	rddreg [dreg:$0xb];
	s30 =	simm.s32 $0x578  }
0x4e: {  	[tilespmem:s29], [sflag:$0x2] =	stream.indirect.gather [hbm4b:s3+s8], $0x20, s30, s8, $0xb8;
	[tilespmem:$0x13800] =	vst v63  }
0x4f: {  	s31 =	rddreg [dreg:$0xc];
	s0 =	simm.s32 $0x5B0  }
0x50: {  	[tilespmem:s31], [sflag:$0x2] =	stream.indirect.gather [hbm4b:s3+s8], $0x20, s0, s8, $0xb8;
	[tilespmem:$0x13800] =	vst v63  }
0x51: {  	s1 =	rddreg [dreg:$0xd];
	s10 =	simm.s32 $0x5E8  }
0x52: {  	[tilespmem:s1], [sflag:$0x2] =	stream.indirect.gather [hbm4b:s3+s8], $0x20, s10, s8, $0xb8;
	[tilespmem:$0x13800] =	vst v63  }
0x53: {  	s11 =	rddreg [dreg:$0xe];
	s22 =	simm.s32 $0x620  }
0x54: {  	[tilespmem:s11], [sflag:$0x2] =	stream.indirect.gather [hbm4b:s3+s8], $0x20, s22, s8, $0xb8;
	[tilespmem:$0x13800] =	vst v63  }
0x55: {  	s24 =	rddreg [dreg:$0xf];
	s25 =	simm.s32 $0x658  }
0x56: {  	[tilespmem:s24], [sflag:$0x2] =	stream.indirect.gather [hbm4b:s3+s8], $0x20, s25, s8, $0xb8;
	[tilespmem:$0x13800] =	vst v63  }
0x57: {  	s26 =	rddreg [dreg:$0x10];
	s28 =	simm.s32 $0x690  }
0x58: {  	[tilespmem:s26], [sflag:$0x2] =	stream.indirect.gather [hbm4b:s3+s8], $0x20, s28, s8, $0xb8;
	[tilespmem:$0x13800] =	vst v63  }
0x59: {  	s29 =	rddreg [dreg:$0x11];
	s30 =	simm.s32 $0x6C8  }
0x5a: {  	[tilespmem:s29], [sflag:$0x2] =	stream.indirect.gather [hbm4b:s3+s8], $0x20, s30, s8, $0xb8;
	[tilespmem:$0x13800] =	vst v63  }
0x5b: {  	_ =	swait.ge [sflag:s18], $0x640  }
0x5c: {  	[sflag:s18] =	ssyncset.done $0x0  }
0x5d: {  	[sflag:s18] =	ssyncadd.s32 $0xFFFFF9C0  }
0x5e: {  	_ =	swait.ge [sflag:s18], $0x640  }
0x5f: {  	[sflag:s18] =	ssyncset.done $0x0  }
0x60: {  	[sflag:s18] =	ssyncadd.s32 $0xFFFFF9C0  }
0x61: {  	_ =	swait.ge [sflag:s18], $0x640  }
0x62: {  	[sflag:s18] =	ssyncset.done $0x0  }
0x63: {  	[sflag:s18] =	ssyncadd.s32 $0xFFFFF9C0  }
0x64: {  	_ =	swait.ge [sflag:s18], $0x640  }
0x65: {  	[sflag:s18] =	ssyncset.done $0x0  }
0x66: {  	[sflag:s18] =	ssyncadd.s32 $0xFFFFF9C0  }
0x67: {  	_ =	swait.ge [sflag:s18], $0x640  }
0x68: {  	[sflag:s18] =	ssyncset.done $0x0  }
0x69: {  	[sflag:s18] =	ssyncadd.s32 $0xFFFFF9C0  }
0x6a: {  	_ =	swait.ge [sflag:s18], $0x640  }
0x6b: {  	[sflag:s18] =	ssyncset.done $0x0  }
0x6c: {  	[sflag:s18] =	ssyncadd.s32 $0xFFFFF9C0  }
0x6d: {  	_ =	swait.ge [sflag:s18], $0x640  }
0x6e: {  	[sflag:s18] =	ssyncset.done $0x0  }
0x6f: {  	[sflag:s18] =	ssyncadd.s32 $0xFFFFF9C0  }
0x70: {  	_ =	swait.ge [sflag:s18], $0x640  }
0x71: {  	[sflag:s18] =	ssyncset.done $0x0  }
0x72: {  	[sflag:s18] =	ssyncadd.s32 $0xFFFFF9C0  }
0x73: {  	_ =	swait.ge [sflag:s18], $0x640  }
0x74: {  	[sflag:s18] =	ssyncset.done $0x0  }
0x75: {  	[sflag:s18] =	ssyncadd.s32 $0xFFFFF9C0  }
0x76: {  	_ =	swait.ge [sflag:s18], $0x640  }
0x77: {  	[sflag:s18] =	ssyncset.done $0x0  }
0x78: {  	[sflag:s18] =	ssyncadd.s32 $0xFFFFF9C0  }
0x79: {  	_ =	swait.ge [sflag:s18], $0x640  }
0x7a: {  	[sflag:s18] =	ssyncset.done $0x0  }
0x7b: {  	[sflag:s18] =	ssyncadd.s32 $0xFFFFF9C0  }
0x7c: {  	_ =	swait.ge [sflag:s18], $0x640  }
0x7d: {  	[sflag:s18] =	ssyncset.done $0x0  }
0x7e: {  	[sflag:s18] =	ssyncadd.s32 $0xFFFFF9C0  }
0x7f: {  	_ =	swait.ge [sflag:s18], $0x640  }
0x80: {  	[sflag:s18] =	ssyncset.done $0x0  }
0x81: {  	[sflag:s18] =	ssyncadd.s32 $0xFFFFF9C0  }
0x82: {  	_ =	swait.ge [sflag:s18], $0x640  }
0x83: {  	[sflag:s18] =	ssyncset.done $0x0  }
0x84: {  	[sflag:s18] =	ssyncadd.s32 $0xFFFFF9C0  }
0x85: {  	_ =	swait.ge [sflag:s18], $0x640  }
0x86: {  	[sflag:s18] =	ssyncset.done $0x0  }
0x87: {  	[sflag:s18] =	ssyncadd.s32 $0xFFFFF9C0  }
0x88: {  	_ =	swait.ge [sflag:s18], $0x640  }
0x89: {  	[sflag:s18] =	ssyncset.done $0x0  }
0x8a: {  	[sflag:s18] =	ssyncadd.s32 $0xFFFFF9C0  }
0x8b: {  	[hbm4b:s6+s2] =	stream.linear.scatter [tilespmem:s9], [sflag:$0x3], $0x6400, $0x38;
	[tilespmem:$0x13800] =	vst v63  }
0x8c: {  	p0 =	por $0x0, $0x0;
	_ =	swait.ge [sflag:s7], $0x6400  }
0x8d: {  	s21 =	simm.s32 @!p0 $0x7000;
	[sflag:s7] =	ssyncset.done $0x0  }
0x8e: {  	s23 =	simm.s32 @!p0 $0x32;
	s22 =	simm.s32 @!p0 $0x700;
	[sflag:s7] =	ssyncadd.s32 $0xFFFF9C00  }
0x8f: {  	[tilespmem:s21], [sflag:$0x1] =	stream.indirect.gather @!p0 [hbm4b:s3+s23], $0x20, s22, s23, $0xb8;
	[tilespmem:$0x13800] =	vst v63  }
0x90: {  	s21 =	simm.s32 @!p0 $0x738;
	s22 =	simm.s32 @!p0 $0x7640  }
0x91: {  	[tilespmem:s22], [sflag:$0x1] =	stream.indirect.gather @!p0 [hbm4b:s3+s23], $0x20, s21, s23, $0xb8;
	[tilespmem:$0x13800] =	vst v63  }
0x92: {  	s21 =	simm.s32 @!p0 $0x770;
	s22 =	simm.s32 @!p0 $0x7C80  }
0x93: {  	[tilespmem:s22], [sflag:$0x1] =	stream.indirect.gather @!p0 [hbm4b:s3+s23], $0x20, s21, s23, $0xb8;
	[tilespmem:$0x13800] =	vst v63  }
0x94: {  	s21 =	simm.s32 @!p0 $0x7A8;
	s22 =	simm.s32 @!p0 $0x82C0  }
0x95: {  	[tilespmem:s22], [sflag:$0x1] =	stream.indirect.gather @!p0 [hbm4b:s3+s23], $0x20, s21, s23, $0xb8;
	[tilespmem:$0x13800] =	vst v63  }
0x96: {  	s21 =	simm.s32 @!p0 $0x7E0;
	s22 =	simm.s32 @!p0 $0x8900  }
0x97: {  	[tilespmem:s22], [sflag:$0x1] =	stream.indirect.gather @!p0 [hbm4b:s3+s23], $0x20, s21, s23, $0xb8;
	[tilespmem:$0x13800] =	vst v63  }
0x98: {  	s21 =	simm.s32 @!p0 $0x818;
	s22 =	simm.s32 @!p0 $0x8F40  }
0x99: {  	[tilespmem:s22], [sflag:$0x1] =	stream.indirect.gather @!p0 [hbm4b:s3+s23], $0x20, s21, s23, $0xb8;
	[tilespmem:$0x13800] =	vst v63  }
0x9a: {  	s21 =	simm.s32 @!p0 $0x850;
	s22 =	simm.s32 @!p0 $0x9580  }
0x9b: {  	[tilespmem:s22], [sflag:$0x1] =	stream.indirect.gather @!p0 [hbm4b:s3+s23], $0x20, s21, s23, $0xb8;
	[tilespmem:$0x13800] =	vst v63  }
0x9c: {  	s21 =	simm.s32 @!p0 $0x888;
	s22 =	simm.s32 @!p0 $0x9BC0  }
0x9d: {  	[tilespmem:s22], [sflag:$0x1] =	stream.indirect.gather @!p0 [hbm4b:s3+s23], $0x20, s21, s23, $0xb8;
	[tilespmem:$0x13800] =	vst v63  }
0x9e: {  	s21 =	simm.s32 @!p0 $0x8C0;
	s22 =	simm.s32 @!p0 $0xA200  }
0x9f: {  	[tilespmem:s22], [sflag:$0x1] =	stream.indirect.gather @!p0 [hbm4b:s3+s23], $0x20, s21, s23, $0xb8;
	[tilespmem:$0x13800] =	vst v63  }
0xa0: {  	s21 =	simm.s32 @!p0 $0x8F8;
	s22 =	simm.s32 @!p0 $0xA840  }
0xa1: {  	[tilespmem:s22], [sflag:$0x1] =	stream.indirect.gather @!p0 [hbm4b:s3+s23], $0x20, s21, s23, $0xb8;
	[tilespmem:$0x13800] =	vst v63  }
0xa2: {  	s21 =	simm.s32 @!p0 $0x930;
	s22 =	simm.s32 @!p0 $0xAE80  }
0xa3: {  	[tilespmem:s22], [sflag:$0x1] =	stream.indirect.gather @!p0 [hbm4b:s3+s23], $0x20, s21, s23, $0xb8;
	[tilespmem:$0x13800] =	vst v63  }
0xa4: {  	s21 =	simm.s32 @!p0 $0x968;
	s22 =	simm.s32 @!p0 $0xB4C0  }
0xa5: {  	[tilespmem:s22], [sflag:$0x1] =	stream.indirect.gather @!p0 [hbm4b:s3+s23], $0x20, s21, s23, $0xb8;
	[tilespmem:$0x13800] =	vst v63  }
0xa6: {  	s21 =	simm.s32 @!p0 $0x9A0;
	s22 =	simm.s32 @!p0 $0xBB00  }
0xa7: {  	[tilespmem:s22], [sflag:$0x1] =	stream.indirect.gather @!p0 [hbm4b:s3+s23], $0x20, s21, s23, $0xb8;
	[tilespmem:$0x13800] =	vst v63  }
0xa8: {  	s21 =	simm.s32 @!p0 $0x9D8;
	s22 =	simm.s32 @!p0 $0xC140  }
0xa9: {  	[tilespmem:s22], [sflag:$0x1] =	stream.indirect.gather @!p0 [hbm4b:s3+s23], $0x20, s21, s23, $0xb8;
	[tilespmem:$0x13800] =	vst v63  }
0xaa: {  	s21 =	simm.s32 @!p0 $0xA10;
	s22 =	simm.s32 @!p0 $0xC780  }
0xab: {  	[tilespmem:s22], [sflag:$0x1] =	stream.indirect.gather @!p0 [hbm4b:s3+s23], $0x20, s21, s23, $0xb8;
	[tilespmem:$0x13800] =	vst v63  }
0xac: {  	s21 =	simm.s32 @!p0 $0xA48;
	s22 =	simm.s32 @!p0 $0xCDC0  }
0xad: {  	[tilespmem:s22], [sflag:$0x1] =	stream.indirect.gather @!p0 [hbm4b:s3+s23], $0x20, s21, s23, $0xb8;
	[tilespmem:$0x13800] =	vst v63  }
0xae: {  	_ =	swait.ge [sflag:s19], $0x640  }
0xaf: {  	[sflag:s19] =	ssyncset.done $0x0  }
0xb0: {  	[sflag:s19] =	ssyncadd.s32 $0xFFFFF9C0  }
0xb1: {  	_ =	swait.ge [sflag:s19], $0x640  }
0xb2: {  	[sflag:s19] =	ssyncset.done $0x0  }
0xb3: {  	[sflag:s19] =	ssyncadd.s32 $0xFFFFF9C0  }
0xb4: {  	_ =	swait.ge [sflag:s19], $0x640  }
0xb5: {  	[sflag:s19] =	ssyncset.done $0x0  }
0xb6: {  	[sflag:s19] =	ssyncadd.s32 $0xFFFFF9C0  }
0xb7: {  	_ =	swait.ge [sflag:s19], $0x640  }
0xb8: {  	[sflag:s19] =	ssyncset.done $0x0  }
0xb9: {  	[sflag:s19] =	ssyncadd.s32 $0xFFFFF9C0  }
0xba: {  	_ =	swait.ge [sflag:s19], $0x640  }
0xbb: {  	[sflag:s19] =	ssyncset.done $0x0  }
0xbc: {  	[sflag:s19] =	ssyncadd.s32 $0xFFFFF9C0  }
0xbd: {  	_ =	swait.ge [sflag:s19], $0x640  }
0xbe: {  	[sflag:s19] =	ssyncset.done $0x0  }
0xbf: {  	[sflag:s19] =	ssyncadd.s32 $0xFFFFF9C0  }
0xc0: {  	_ =	swait.ge [sflag:s19], $0x640  }
0xc1: {  	[sflag:s19] =	ssyncset.done $0x0  }
0xc2: {  	[sflag:s19] =	ssyncadd.s32 $0xFFFFF9C0  }
0xc3: {  	_ =	swait.ge [sflag:s19], $0x640  }
0xc4: {  	[sflag:s19] =	ssyncset.done $0x0  }
0xc5: {  	[sflag:s19] =	ssyncadd.s32 $0xFFFFF9C0  }
0xc6: {  	_ =	swait.ge [sflag:s19], $0x640  }
0xc7: {  	[sflag:s19] =	ssyncset.done $0x0  }
0xc8: {  	[sflag:s19] =	ssyncadd.s32 $0xFFFFF9C0  }
0xc9: {  	_ =	swait.ge [sflag:s19], $0x640  }
0xca: {  	[sflag:s19] =	ssyncset.done $0x0  }
0xcb: {  	[sflag:s19] =	ssyncadd.s32 $0xFFFFF9C0  }
0xcc: {  	_ =	swait.ge [sflag:s19], $0x640  }
0xcd: {  	[sflag:s19] =	ssyncset.done $0x0  }
0xce: {  	[sflag:s19] =	ssyncadd.s32 $0xFFFFF9C0  }
0xcf: {  	_ =	swait.ge [sflag:s19], $0x640  }
0xd0: {  	[sflag:s19] =	ssyncset.done $0x0  }
0xd1: {  	[sflag:s19] =	ssyncadd.s32 $0xFFFFF9C0  }
0xd2: {  	_ =	swait.ge [sflag:s19], $0x640  }
0xd3: {  	[sflag:s19] =	ssyncset.done $0x0  }
0xd4: {  	[sflag:s19] =	ssyncadd.s32 $0xFFFFF9C0  }
0xd5: {  	_ =	swait.ge [sflag:s19], $0x640  }
0xd6: {  	[sflag:s19] =	ssyncset.done $0x0  }
0xd7: {  	[sflag:s19] =	ssyncadd.s32 $0xFFFFF9C0  }
0xd8: {  	_ =	swait.ge [sflag:s19], $0x640  }
0xd9: {  	[sflag:s19] =	ssyncset.done $0x0  }
0xda: {  	[sflag:s19] =	ssyncadd.s32 $0xFFFFF9C0  }
0xdb: {  	_ =	swait.ge [sflag:s19], $0x640  }
0xdc: {  	[sflag:s19] =	ssyncset.done $0x0  }
0xdd: {  	s31 =	sadd.s32 $0xC80, s6;
	s25 =	simm.s32 $0x700;
	[sflag:s19] =	ssyncadd.s32 $0xFFFFF9C0  }
0xde: {  	[hbm4b:s31+s2] =	stream.linear.scatter [tilespmem:s17], [sflag:$0x3], $0x6400, $0x38;
	[tilespmem:$0x13800] =	vst v63  }
0xdf: {  	s22 =	simm.s32 $0x1C00;
	s23 =	simm.s32 $0x3800;
	_ =	swait.ge [sflag:s7], $0x6400  }
0xe0: {  	s21 =	sadd.s32 $0x1900, s6;
	s26 =	rddreg [dreg:$0x3];
	[sflag:s7] =	ssyncset.done $0x0  }
.LBB2_2:
0xe1: {  	s28 =	sadd.s32 $0x380, s25;
	[sflag:s7] =	ssyncadd.s32 $0xFFFF9C00  }
0xe2: {  	[tilespmem:s17], [sflag:$0x2] =	stream.indirect.gather [hbm4b:s3+s8], $0x20, s28, s8, $0xb8;
	[tilespmem:$0x13800] =	vst v63  }
0xe3: {  	s1 =	sadd.s32 $0x3B8, s25  }
0xe4: {  	[tilespmem:s26], [sflag:$0x2] =	stream.indirect.gather [hbm4b:s3+s8], $0x20, s1, s8, $0xb8;
	[tilespmem:$0x13800] =	vst v63  }
0xe5: {  	s29 =	rddreg [dreg:$0x4];
	s10 =	sadd.s32 $0x3F0, s25  }
0xe6: {  	[tilespmem:s29], [sflag:$0x2] =	stream.indirect.gather [hbm4b:s3+s8], $0x20, s10, s8, $0xb8;
	[tilespmem:$0x13800] =	vst v63  }
0xe7: {  	s11 =	rddreg [dreg:$0x5];
	s30 =	sadd.s32 $0x428, s25  }
0xe8: {  	[tilespmem:s11], [sflag:$0x2] =	stream.indirect.gather [hbm4b:s3+s8], $0x20, s30, s8, $0xb8;
	[tilespmem:$0x13800] =	vst v63  }
0xe9: {  	s31 =	rddreg [dreg:$0x6];
	s0 =	sadd.s32 $0x460, s25  }
0xea: {  	[tilespmem:s31], [sflag:$0x2] =	stream.indirect.gather [hbm4b:s3+s8], $0x20, s0, s8, $0xb8;
	[tilespmem:$0x13800] =	vst v63  }
0xeb: {  	s1 =	rddreg [dreg:$0x7];
	s10 =	sadd.s32 $0x498, s25  }
0xec: {  	[tilespmem:s1], [sflag:$0x2] =	stream.indirect.gather [hbm4b:s3+s8], $0x20, s10, s8, $0xb8;
	[tilespmem:$0x13800] =	vst v63  }
0xed: {  	s11 =	rddreg [dreg:$0x8];
	s30 =	sadd.s32 $0x4D0, s25  }
0xee: {  	[tilespmem:s11], [sflag:$0x2] =	stream.indirect.gather [hbm4b:s3+s8], $0x20, s30, s8, $0xb8;
	[tilespmem:$0x13800] =	vst v63  }
0xef: {  	s31 =	rddreg [dreg:$0x9];
	s0 =	sadd.s32 $0x508, s25  }
0xf0: {  	[tilespmem:s31], [sflag:$0x2] =	stream.indirect.gather [hbm4b:s3+s8], $0x20, s0, s8, $0xb8;
	[tilespmem:$0x13800] =	vst v63  }
0xf1: {  	s1 =	rddreg [dreg:$0xa];
	s10 =	sadd.s32 $0x540, s25  }
0xf2: {  	[tilespmem:s1], [sflag:$0x2] =	stream.indirect.gather [hbm4b:s3+s8], $0x20, s10, s8, $0xb8;
	[tilespmem:$0x13800] =	vst v63  }
0xf3: {  	s11 =	rddreg [dreg:$0xb];
	s30 =	sadd.s32 $0x578, s25  }
0xf4: {  	[tilespmem:s11], [sflag:$0x2] =	stream.indirect.gather [hbm4b:s3+s8], $0x20, s30, s8, $0xb8;
	[tilespmem:$0x13800] =	vst v63  }
0xf5: {  	s31 =	rddreg [dreg:$0xc];
	s0 =	sadd.s32 $0x5B0, s25  }
0xf6: {  	[tilespmem:s31], [sflag:$0x2] =	stream.indirect.gather [hbm4b:s3+s8], $0x20, s0, s8, $0xb8;
	[tilespmem:$0x13800] =	vst v63  }
0xf7: {  	s1 =	rddreg [dreg:$0xd];
	s10 =	sadd.s32 $0x5E8, s25  }
0xf8: {  	[tilespmem:s1], [sflag:$0x2] =	stream.indirect.gather [hbm4b:s3+s8], $0x20, s10, s8, $0xb8;
	[tilespmem:$0x13800] =	vst v63  }
0xf9: {  	s11 =	rddreg [dreg:$0xe];
	s30 =	sadd.s32 $0x620, s25  }
0xfa: {  	[tilespmem:s11], [sflag:$0x2] =	stream.indirect.gather [hbm4b:s3+s8], $0x20, s30, s8, $0xb8;
	[tilespmem:$0x13800] =	vst v63  }
0xfb: {  	s31 =	rddreg [dreg:$0xf];
	s0 =	sadd.s32 $0x658, s25  }
0xfc: {  	[tilespmem:s31], [sflag:$0x2] =	stream.indirect.gather [hbm4b:s3+s8], $0x20, s0, s8, $0xb8;
	[tilespmem:$0x13800] =	vst v63  }
0xfd: {  	s1 =	rddreg [dreg:$0x10];
	s10 =	sadd.s32 $0x690, s25  }
0xfe: {  	[tilespmem:s1], [sflag:$0x2] =	stream.indirect.gather [hbm4b:s3+s8], $0x20, s10, s8, $0xb8;
	[tilespmem:$0x13800] =	vst v63  }
0xff: {  	s11 =	rddreg [dreg:$0x11];
	s30 =	sadd.s32 $0x6C8, s25  }
0x100: {  	[tilespmem:s11], [sflag:$0x2] =	stream.indirect.gather [hbm4b:s3+s8], $0x20, s30, s8, $0xb8;
	[tilespmem:$0x13800] =	vst v63  }
0x101: {  	_ =	swait.ge [sflag:s18], $0x640  }
0x102: {  	[sflag:s18] =	ssyncset.done $0x0  }
0x103: {  	[sflag:s18] =	ssyncadd.s32 $0xFFFFF9C0  }
0x104: {  	_ =	swait.ge [sflag:s18], $0x640  }
0x105: {  	[sflag:s18] =	ssyncset.done $0x0  }
0x106: {  	[sflag:s18] =	ssyncadd.s32 $0xFFFFF9C0  }
0x107: {  	_ =	swait.ge [sflag:s18], $0x640  }
0x108: {  	[sflag:s18] =	ssyncset.done $0x0  }
0x109: {  	[sflag:s18] =	ssyncadd.s32 $0xFFFFF9C0  }
0x10a: {  	_ =	swait.ge [sflag:s18], $0x640  }
0x10b: {  	[sflag:s18] =	ssyncset.done $0x0  }
0x10c: {  	[sflag:s18] =	ssyncadd.s32 $0xFFFFF9C0  }
0x10d: {  	_ =	swait.ge [sflag:s18], $0x640  }
0x10e: {  	[sflag:s18] =	ssyncset.done $0x0  }
0x10f: {  	[sflag:s18] =	ssyncadd.s32 $0xFFFFF9C0  }
0x110: {  	_ =	swait.ge [sflag:s18], $0x640  }
0x111: {  	[sflag:s18] =	ssyncset.done $0x0  }
0x112: {  	[sflag:s18] =	ssyncadd.s32 $0xFFFFF9C0  }
0x113: {  	_ =	swait.ge [sflag:s18], $0x640  }
0x114: {  	[sflag:s18] =	ssyncset.done $0x0  }
0x115: {  	[sflag:s18] =	ssyncadd.s32 $0xFFFFF9C0  }
0x116: {  	_ =	swait.ge [sflag:s18], $0x640  }
0x117: {  	[sflag:s18] =	ssyncset.done $0x0  }
0x118: {  	[sflag:s18] =	ssyncadd.s32 $0xFFFFF9C0  }
0x119: {  	_ =	swait.ge [sflag:s18], $0x640  }
0x11a: {  	[sflag:s18] =	ssyncset.done $0x0  }
0x11b: {  	[sflag:s18] =	ssyncadd.s32 $0xFFFFF9C0  }
0x11c: {  	_ =	swait.ge [sflag:s18], $0x640  }
0x11d: {  	[sflag:s18] =	ssyncset.done $0x0  }
0x11e: {  	[sflag:s18] =	ssyncadd.s32 $0xFFFFF9C0  }
0x11f: {  	_ =	swait.ge [sflag:s18], $0x640  }
0x120: {  	[sflag:s18] =	ssyncset.done $0x0  }
0x121: {  	[sflag:s18] =	ssyncadd.s32 $0xFFFFF9C0  }
0x122: {  	_ =	swait.ge [sflag:s18], $0x640  }
0x123: {  	[sflag:s18] =	ssyncset.done $0x0  }
0x124: {  	[sflag:s18] =	ssyncadd.s32 $0xFFFFF9C0  }
0x125: {  	_ =	swait.ge [sflag:s18], $0x640  }
0x126: {  	[sflag:s18] =	ssyncset.done $0x0  }
0x127: {  	[sflag:s18] =	ssyncadd.s32 $0xFFFFF9C0  }
0x128: {  	_ =	swait.ge [sflag:s18], $0x640  }
0x129: {  	[sflag:s18] =	ssyncset.done $0x0  }
0x12a: {  	[sflag:s18] =	ssyncadd.s32 $0xFFFFF9C0  }
0x12b: {  	_ =	swait.ge [sflag:s18], $0x640  }
0x12c: {  	[sflag:s18] =	ssyncset.done $0x0  }
0x12d: {  	[sflag:s18] =	ssyncadd.s32 $0xFFFFF9C0  }
0x12e: {  	_ =	swait.ge [sflag:s18], $0x640  }
0x12f: {  	[sflag:s18] =	ssyncset.done $0x0  }
0x130: {  	p1 =	seq.s32 s22, $0x1A400;
	[sflag:s18] =	ssyncadd.s32 $0xFFFFF9C0  }
0x131: {  	[hbm4b:s21+s2] =	stream.linear.scatter [tilespmem:s9], [sflag:$0x3], $0x6400, $0x38;
	[tilespmem:$0x13800] =	vst v63  }
0x132: {  	s22 =	sshra.s32 @!p1 s22, $0x2;
	_ =	swait.ge [sflag:s7], $0x6400  }
0x133: {  	s28 =	sadd.s32 @!p1 $0x700, s22;
	[sflag:s7] =	ssyncset.done $0x0  }
0x134: {  	s26 =	simm.s32 @!p1 $0x7000;
	s25 =	simm.s32 @!p1 $0x32;
	[sflag:s7] =	ssyncadd.s32 $0xFFFF9C00  }
0x135: {  	[tilespmem:s26], [sflag:$0x1] =	stream.indirect.gather @!p1 [hbm4b:s3+s25], $0x20, s28, s25, $0xb8;
	[tilespmem:$0x13800] =	vst v63  }
0x136: {  	s26 =	sadd.s32 @!p1 $0x738, s22;
	s28 =	simm.s32 @!p1 $0x7640  }
0x137: {  	[tilespmem:s28], [sflag:$0x1] =	stream.indirect.gather @!p1 [hbm4b:s3+s25], $0x20, s26, s25, $0xb8;
	[tilespmem:$0x13800] =	vst v63  }
0x138: {  	s29 =	sadd.s32 @!p1 $0x770, s22;
	s26 =	simm.s32 @!p1 $0x7C80  }
0x139: {  	[tilespmem:s26], [sflag:$0x1] =	stream.indirect.gather @!p1 [hbm4b:s3+s25], $0x20, s29, s25, $0xb8;
	[tilespmem:$0x13800] =	vst v63  }
0x13a: {  	s28 =	sadd.s32 @!p1 $0x7A8, s22;
	s26 =	simm.s32 @!p1 $0x82C0  }
0x13b: {  	[tilespmem:s26], [sflag:$0x1] =	stream.indirect.gather @!p1 [hbm4b:s3+s25], $0x20, s28, s25, $0xb8;
	[tilespmem:$0x13800] =	vst v63  }
0x13c: {  	s30 =	sadd.s32 @!p1 $0x7E0, s22;
	s26 =	simm.s32 @!p1 $0x8900  }
0x13d: {  	[tilespmem:s26], [sflag:$0x1] =	stream.indirect.gather @!p1 [hbm4b:s3+s25], $0x20, s30, s25, $0xb8;
	[tilespmem:$0x13800] =	vst v63  }
0x13e: {  	s29 =	sadd.s32 @!p1 $0x818, s22;
	s26 =	simm.s32 @!p1 $0x8F40  }
0x13f: {  	[tilespmem:s26], [sflag:$0x1] =	stream.indirect.gather @!p1 [hbm4b:s3+s25], $0x20, s29, s25, $0xb8;
	[tilespmem:$0x13800] =	vst v63  }
0x140: {  	s31 =	sadd.s32 @!p1 $0x850, s22;
	s26 =	simm.s32 @!p1 $0x9580  }
0x141: {  	[tilespmem:s26], [sflag:$0x1] =	stream.indirect.gather @!p1 [hbm4b:s3+s25], $0x20, s31, s25, $0xb8;
	[tilespmem:$0x13800] =	vst v63  }
0x142: {  	s28 =	sadd.s32 @!p1 $0x888, s22;
	s26 =	simm.s32 @!p1 $0x9BC0  }
0x143: {  	[tilespmem:s26], [sflag:$0x1] =	stream.indirect.gather @!p1 [hbm4b:s3+s25], $0x20, s28, s25, $0xb8;
	[tilespmem:$0x13800] =	vst v63  }
0x144: {  	s1 =	sadd.s32 @!p1 $0x8C0, s22;
	s26 =	simm.s32 @!p1 $0xA200  }
0x145: {  	[tilespmem:s26], [sflag:$0x1] =	stream.indirect.gather @!p1 [hbm4b:s3+s25], $0x20, s1, s25, $0xb8;
	[tilespmem:$0x13800] =	vst v63  }
0x146: {  	s30 =	sadd.s32 @!p1 $0x8F8, s22;
	s1 =	simm.s32 @!p1 $0xA840  }
0x147: {  	[tilespmem:s1], [sflag:$0x1] =	stream.indirect.gather @!p1 [hbm4b:s3+s25], $0x20, s30, s25, $0xb8;
	[tilespmem:$0x13800] =	vst v63  }
0x148: {  	s0 =	sadd.s32 @!p1 $0x930, s22;
	s1 =	simm.s32 @!p1 $0xAE80  }
0x149: {  	[tilespmem:s1], [sflag:$0x1] =	stream.indirect.gather @!p1 [hbm4b:s3+s25], $0x20, s0, s25, $0xb8;
	[tilespmem:$0x13800] =	vst v63  }
0x14a: {  	s29 =	sadd.s32 @!p1 $0x968, s22;
	s0 =	simm.s32 @!p1 $0xB4C0  }
0x14b: {  	[tilespmem:s0], [sflag:$0x1] =	stream.indirect.gather @!p1 [hbm4b:s3+s25], $0x20, s29, s25, $0xb8;
	[tilespmem:$0x13800] =	vst v63  }
0x14c: {  	s10 =	sadd.s32 @!p1 $0x9A0, s22;
	s0 =	simm.s32 @!p1 $0xBB00  }
0x14d: {  	[tilespmem:s0], [sflag:$0x1] =	stream.indirect.gather @!p1 [hbm4b:s3+s25], $0x20, s10, s25, $0xb8;
	[tilespmem:$0x13800] =	vst v63  }
0x14e: {  	s31 =	sadd.s32 @!p1 $0x9D8, s22;
	s0 =	simm.s32 @!p1 $0xC140  }
0x14f: {  	[tilespmem:s0], [sflag:$0x1] =	stream.indirect.gather @!p1 [hbm4b:s3+s25], $0x20, s31, s25, $0xb8;
	[tilespmem:$0x13800] =	vst v63  }
0x150: {  	s11 =	sadd.s32 @!p1 $0xA10, s22;
	s0 =	simm.s32 @!p1 $0xC780  }
0x151: {  	[tilespmem:s0], [sflag:$0x1] =	stream.indirect.gather @!p1 [hbm4b:s3+s25], $0x20, s11, s25, $0xb8;
	[tilespmem:$0x13800] =	vst v63  }
0x152: {  	s28 =	sadd.s32 @!p1 $0xA48, s22;
	s0 =	simm.s32 @!p1 $0xCDC0  }
0x153: {  	[tilespmem:s0], [sflag:$0x1] =	stream.indirect.gather @!p1 [hbm4b:s3+s25], $0x20, s28, s25, $0xb8;
	[tilespmem:$0x13800] =	vst v63  }
0x154: {  	_ =	swait.ge [sflag:s19], $0x640  }
0x155: {  	[sflag:s19] =	ssyncset.done $0x0  }
0x156: {  	[sflag:s19] =	ssyncadd.s32 $0xFFFFF9C0  }
0x157: {  	_ =	swait.ge [sflag:s19], $0x640  }
0x158: {  	[sflag:s19] =	ssyncset.done $0x0  }
0x159: {  	[sflag:s19] =	ssyncadd.s32 $0xFFFFF9C0  }
0x15a: {  	_ =	swait.ge [sflag:s19], $0x640  }
0x15b: {  	[sflag:s19] =	ssyncset.done $0x0  }
0x15c: {  	[sflag:s19] =	ssyncadd.s32 $0xFFFFF9C0  }
0x15d: {  	_ =	swait.ge [sflag:s19], $0x640  }
0x15e: {  	[sflag:s19] =	ssyncset.done $0x0  }
0x15f: {  	[sflag:s19] =	ssyncadd.s32 $0xFFFFF9C0  }
0x160: {  	_ =	swait.ge [sflag:s19], $0x640  }
0x161: {  	[sflag:s19] =	ssyncset.done $0x0  }
0x162: {  	[sflag:s19] =	ssyncadd.s32 $0xFFFFF9C0  }
0x163: {  	_ =	swait.ge [sflag:s19], $0x640  }
0x164: {  	[sflag:s19] =	ssyncset.done $0x0  }
0x165: {  	[sflag:s19] =	ssyncadd.s32 $0xFFFFF9C0  }
0x166: {  	_ =	swait.ge [sflag:s19], $0x640  }
0x167: {  	[sflag:s19] =	ssyncset.done $0x0  }
0x168: {  	[sflag:s19] =	ssyncadd.s32 $0xFFFFF9C0  }
0x169: {  	_ =	swait.ge [sflag:s19], $0x640  }
0x16a: {  	[sflag:s19] =	ssyncset.done $0x0  }
0x16b: {  	[sflag:s19] =	ssyncadd.s32 $0xFFFFF9C0  }
0x16c: {  	_ =	swait.ge [sflag:s19], $0x640  }
0x16d: {  	[sflag:s19] =	ssyncset.done $0x0  }
0x16e: {  	[sflag:s19] =	ssyncadd.s32 $0xFFFFF9C0  }
0x16f: {  	_ =	swait.ge [sflag:s19], $0x640  }
0x170: {  	[sflag:s19] =	ssyncset.done $0x0  }
0x171: {  	[sflag:s19] =	ssyncadd.s32 $0xFFFFF9C0  }
0x172: {  	_ =	swait.ge [sflag:s19], $0x640  }
0x173: {  	[sflag:s19] =	ssyncset.done $0x0  }
0x174: {  	[sflag:s19] =	ssyncadd.s32 $0xFFFFF9C0  }
0x175: {  	_ =	swait.ge [sflag:s19], $0x640  }
0x176: {  	[sflag:s19] =	ssyncset.done $0x0  }
0x177: {  	[sflag:s19] =	ssyncadd.s32 $0xFFFFF9C0  }
0x178: {  	_ =	swait.ge [sflag:s19], $0x640  }
0x179: {  	[sflag:s19] =	ssyncset.done $0x0  }
0x17a: {  	[sflag:s19] =	ssyncadd.s32 $0xFFFFF9C0  }
0x17b: {  	_ =	swait.ge [sflag:s19], $0x640  }
0x17c: {  	[sflag:s19] =	ssyncset.done $0x0  }
0x17d: {  	[sflag:s19] =	ssyncadd.s32 $0xFFFFF9C0  }
0x17e: {  	_ =	swait.ge [sflag:s19], $0x640  }
0x17f: {  	[sflag:s19] =	ssyncset.done $0x0  }
0x180: {  	s24 =	smov.u32 s23;
	s23 =	sadd.s32 $0x1C00, s23;
	[sflag:s19] =	ssyncadd.s32 $0xFFFFF9C0  }
0x181: {  	p0 =	sne.s32 s23, $0x1C000;
	_ =	swait.ge [sflag:s19], $0x640  }
.Ltmp0:
0x182: {  	[sflag:s19] =	ssyncset.done $0x0;
	(pc) =	sbr.rel @p0 .LBB2_2-.Ltmp0, $4  }
0x183: {  	s31 =	sadd.s32 $0xC80, s21;
	[sflag:s19] =	ssyncadd.s32 $0xFFFFF9C0  }
0x184: {  	[hbm4b:s31+s2] =	stream.linear.scatter [tilespmem:s17], [sflag:$0x3], $0x6400, $0x38;
	[tilespmem:$0x13800] =	vst v63  }
0x185: {  	s22 =	smov.u32 s24;
	s21 =	sadd.s32 $0x1900, s21;
	_ =	swait.ge [sflag:s7], $0x6400  }
0x186: {  	s25 =	sshra.s32 s22, $0x2;
	s26 =	rddreg [dreg:$0x3];
	[sflag:s7] =	ssyncset.done $0x0  }
0x187: {  	s0 =	sadd.s32 $0x380, s25;
	[sflag:s7] =	ssyncadd.s32 $0xFFFF9C00  }
0x188: {  	[tilespmem:s17], [sflag:$0x2] =	stream.indirect.gather [hbm4b:s3+s8], $0x20, s0, s8, $0xb8;
	[tilespmem:$0x13800] =	vst v63  }
0x189: {  	s28 =	sadd.s32 $0x3B8, s25  }
0x18a: {  	[tilespmem:s26], [sflag:$0x2] =	stream.indirect.gather [hbm4b:s3+s8], $0x20, s28, s8, $0xb8;
	[tilespmem:$0x13800] =	vst v63  }
0x18b: {  	s1 =	rddreg [dreg:$0x4];
	s29 =	sadd.s32 $0x3F0, s25  }
0x18c: {  	[tilespmem:s1], [sflag:$0x2] =	stream.indirect.gather [hbm4b:s3+s8], $0x20, s29, s8, $0xb8;
	[tilespmem:$0x13800] =	vst v63  }
0x18d: {  	s10 =	rddreg [dreg:$0x5];
	s30 =	sadd.s32 $0x428, s25  }
0x18e: {  	[tilespmem:s10], [sflag:$0x2] =	stream.indirect.gather [hbm4b:s3+s8], $0x20, s30, s8, $0xb8;
	[tilespmem:$0x13800] =	vst v63  }
0x18f: {  	s31 =	rddreg [dreg:$0x6];
	s11 =	sadd.s32 $0x460, s25  }
0x190: {  	[tilespmem:s31], [sflag:$0x2] =	stream.indirect.gather [hbm4b:s3+s8], $0x20, s11, s8, $0xb8;
	[tilespmem:$0x13800] =	vst v63  }
0x191: {  	s23 =	rddreg [dreg:$0x7];
	s24 =	sadd.s32 $0x498, s25  }
0x192: {  	[tilespmem:s23], [sflag:$0x2] =	stream.indirect.gather [hbm4b:s3+s8], $0x20, s24, s8, $0xb8;
	[tilespmem:$0x13800] =	vst v63  }
0x193: {  	s26 =	rddreg [dreg:$0x8];
	s28 =	sadd.s32 $0x4D0, s25  }
0x194: {  	[tilespmem:s26], [sflag:$0x2] =	stream.indirect.gather [hbm4b:s3+s8], $0x20, s28, s8, $0xb8;
	[tilespmem:$0x13800] =	vst v63  }
0x195: {  	s29 =	rddreg [dreg:$0x9];
	s30 =	sadd.s32 $0x508, s25  }
0x196: {  	[tilespmem:s29], [sflag:$0x2] =	stream.indirect.gather [hbm4b:s3+s8], $0x20, s30, s8, $0xb8;
	[tilespmem:$0x13800] =	vst v63  }
0x197: {  	s31 =	rddreg [dreg:$0xa];
	s11 =	sadd.s32 $0x540, s25  }
0x198: {  	[tilespmem:s31], [sflag:$0x2] =	stream.indirect.gather [hbm4b:s3+s8], $0x20, s11, s8, $0xb8;
	[tilespmem:$0x13800] =	vst v63  }
0x199: {  	s23 =	rddreg [dreg:$0xb];
	s24 =	sadd.s32 $0x578, s25  }
0x19a: {  	[tilespmem:s23], [sflag:$0x2] =	stream.indirect.gather [hbm4b:s3+s8], $0x20, s24, s8, $0xb8;
	[tilespmem:$0x13800] =	vst v63  }
0x19b: {  	s26 =	rddreg [dreg:$0xc];
	s28 =	sadd.s32 $0x5B0, s25  }
0x19c: {  	[tilespmem:s26], [sflag:$0x2] =	stream.indirect.gather [hbm4b:s3+s8], $0x20, s28, s8, $0xb8;
	[tilespmem:$0x13800] =	vst v63  }
0x19d: {  	s29 =	rddreg [dreg:$0xd];
	s30 =	sadd.s32 $0x5E8, s25  }
0x19e: {  	[tilespmem:s29], [sflag:$0x2] =	stream.indirect.gather [hbm4b:s3+s8], $0x20, s30, s8, $0xb8;
	[tilespmem:$0x13800] =	vst v63  }
0x19f: {  	s31 =	rddreg [dreg:$0xe];
	s11 =	sadd.s32 $0x620, s25  }
0x1a0: {  	[tilespmem:s31], [sflag:$0x2] =	stream.indirect.gather [hbm4b:s3+s8], $0x20, s11, s8, $0xb8;
	[tilespmem:$0x13800] =	vst v63  }
0x1a1: {  	s23 =	rddreg [dreg:$0xf];
	s24 =	sadd.s32 $0x658, s25  }
0x1a2: {  	[tilespmem:s23], [sflag:$0x2] =	stream.indirect.gather [hbm4b:s3+s8], $0x20, s24, s8, $0xb8;
	[tilespmem:$0x13800] =	vst v63  }
0x1a3: {  	s26 =	rddreg [dreg:$0x10];
	s28 =	sadd.s32 $0x690, s25  }
0x1a4: {  	[tilespmem:s26], [sflag:$0x2] =	stream.indirect.gather [hbm4b:s3+s8], $0x20, s28, s8, $0xb8;
	[tilespmem:$0x13800] =	vst v63  }
0x1a5: {  	s29 =	rddreg [dreg:$0x11];
	s30 =	sadd.s32 $0x6C8, s25  }
0x1a6: {  	[tilespmem:s29], [sflag:$0x2] =	stream.indirect.gather [hbm4b:s3+s8], $0x20, s30, s8, $0xb8;
	[tilespmem:$0x13800] =	vst v63  }
0x1a7: {  	_ =	swait.ge [sflag:s18], $0x640  }
0x1a8: {  	[sflag:s18] =	ssyncset.done $0x0  }
0x1a9: {  	[sflag:s18] =	ssyncadd.s32 $0xFFFFF9C0  }
0x1aa: {  	_ =	swait.ge [sflag:s18], $0x640  }
0x1ab: {  	[sflag:s18] =	ssyncset.done $0x0  }
0x1ac: {  	[sflag:s18] =	ssyncadd.s32 $0xFFFFF9C0  }
0x1ad: {  	_ =	swait.ge [sflag:s18], $0x640  }
0x1ae: {  	[sflag:s18] =	ssyncset.done $0x0  }
0x1af: {  	[sflag:s18] =	ssyncadd.s32 $0xFFFFF9C0  }
0x1b0: {  	_ =	swait.ge [sflag:s18], $0x640  }
0x1b1: {  	[sflag:s18] =	ssyncset.done $0x0  }
0x1b2: {  	[sflag:s18] =	ssyncadd.s32 $0xFFFFF9C0  }
0x1b3: {  	_ =	swait.ge [sflag:s18], $0x640  }
0x1b4: {  	[sflag:s18] =	ssyncset.done $0x0  }
0x1b5: {  	[sflag:s18] =	ssyncadd.s32 $0xFFFFF9C0  }
0x1b6: {  	_ =	swait.ge [sflag:s18], $0x640  }
0x1b7: {  	[sflag:s18] =	ssyncset.done $0x0  }
0x1b8: {  	[sflag:s18] =	ssyncadd.s32 $0xFFFFF9C0  }
0x1b9: {  	_ =	swait.ge [sflag:s18], $0x640  }
0x1ba: {  	[sflag:s18] =	ssyncset.done $0x0  }
0x1bb: {  	[sflag:s18] =	ssyncadd.s32 $0xFFFFF9C0  }
0x1bc: {  	_ =	swait.ge [sflag:s18], $0x640  }
0x1bd: {  	[sflag:s18] =	ssyncset.done $0x0  }
0x1be: {  	[sflag:s18] =	ssyncadd.s32 $0xFFFFF9C0  }
0x1bf: {  	_ =	swait.ge [sflag:s18], $0x640  }
0x1c0: {  	[sflag:s18] =	ssyncset.done $0x0  }
0x1c1: {  	[sflag:s18] =	ssyncadd.s32 $0xFFFFF9C0  }
0x1c2: {  	_ =	swait.ge [sflag:s18], $0x640  }
0x1c3: {  	[sflag:s18] =	ssyncset.done $0x0  }
0x1c4: {  	[sflag:s18] =	ssyncadd.s32 $0xFFFFF9C0  }
0x1c5: {  	_ =	swait.ge [sflag:s18], $0x640  }
0x1c6: {  	[sflag:s18] =	ssyncset.done $0x0  }
0x1c7: {  	[sflag:s18] =	ssyncadd.s32 $0xFFFFF9C0  }
0x1c8: {  	_ =	swait.ge [sflag:s18], $0x640  }
0x1c9: {  	[sflag:s18] =	ssyncset.done $0x0  }
0x1ca: {  	[sflag:s18] =	ssyncadd.s32 $0xFFFFF9C0  }
0x1cb: {  	_ =	swait.ge [sflag:s18], $0x640  }
0x1cc: {  	[sflag:s18] =	ssyncset.done $0x0  }
0x1cd: {  	[sflag:s18] =	ssyncadd.s32 $0xFFFFF9C0  }
0x1ce: {  	_ =	swait.ge [sflag:s18], $0x640  }
0x1cf: {  	[sflag:s18] =	ssyncset.done $0x0  }
0x1d0: {  	[sflag:s18] =	ssyncadd.s32 $0xFFFFF9C0  }
0x1d1: {  	_ =	swait.ge [sflag:s18], $0x640  }
0x1d2: {  	[sflag:s18] =	ssyncset.done $0x0  }
0x1d3: {  	[sflag:s18] =	ssyncadd.s32 $0xFFFFF9C0  }
0x1d4: {  	_ =	swait.ge [sflag:s18], $0x640  }
0x1d5: {  	[sflag:s18] =	ssyncset.done $0x0  }
0x1d6: {  	[sflag:s18] =	ssyncadd.s32 $0xFFFFF9C0  }
0x1d7: {  	[hbm4b:s21+s2] =	stream.linear.scatter [tilespmem:s9], [sflag:$0x3], $0x6400, $0x38;
	[tilespmem:$0x13800] =	vst v63  }
0x1d8: {  	p0 =	seq.s32 s22, $0x1A400;
	_ =	swait.ge [sflag:s7], $0x6400  }
0x1d9: {  	s0 =	sshra.s32 @!p0 s22, $0x2;
	s1 =	simm.s32 @!p0 $0x7000;
	[sflag:s7] =	ssyncset.done $0x0  }
0x1da: {  	s10 =	sadd.s32 @!p0 $0x700, s0;
	s11 =	simm.s32 @!p0 $0x32;
	[sflag:s7] =	ssyncadd.s32 $0xFFFF9C00  }
0x1db: {  	[tilespmem:s1], [sflag:$0x1] =	stream.indirect.gather @!p0 [hbm4b:s3+s11], $0x20, s10, s11, $0xb8;
	[tilespmem:$0x13800] =	vst v63  }
0x1dc: {  	s1 =	sadd.s32 @!p0 $0x738, s0;
	s10 =	simm.s32 @!p0 $0x7640  }
0x1dd: {  	[tilespmem:s10], [sflag:$0x1] =	stream.indirect.gather @!p0 [hbm4b:s3+s11], $0x20, s1, s11, $0xb8;
	[tilespmem:$0x13800] =	vst v63  }
0x1de: {  	s1 =	sadd.s32 @!p0 $0x770, s0;
	s10 =	simm.s32 @!p0 $0x7C80  }
0x1df: {  	[tilespmem:s10], [sflag:$0x1] =	stream.indirect.gather @!p0 [hbm4b:s3+s11], $0x20, s1, s11, $0xb8;
	[tilespmem:$0x13800] =	vst v63  }
0x1e0: {  	s1 =	sadd.s32 @!p0 $0x7A8, s0;
	s10 =	simm.s32 @!p0 $0x82C0  }
0x1e1: {  	[tilespmem:s10], [sflag:$0x1] =	stream.indirect.gather @!p0 [hbm4b:s3+s11], $0x20, s1, s11, $0xb8;
	[tilespmem:$0x13800] =	vst v63  }
0x1e2: {  	s1 =	sadd.s32 @!p0 $0x7E0, s0;
	s10 =	simm.s32 @!p0 $0x8900  }
0x1e3: {  	[tilespmem:s10], [sflag:$0x1] =	stream.indirect.gather @!p0 [hbm4b:s3+s11], $0x20, s1, s11, $0xb8;
	[tilespmem:$0x13800] =	vst v63  }
0x1e4: {  	s1 =	sadd.s32 @!p0 $0x818, s0;
	s10 =	simm.s32 @!p0 $0x8F40  }
0x1e5: {  	[tilespmem:s10], [sflag:$0x1] =	stream.indirect.gather @!p0 [hbm4b:s3+s11], $0x20, s1, s11, $0xb8;
	[tilespmem:$0x13800] =	vst v63  }
0x1e6: {  	s1 =	sadd.s32 @!p0 $0x850, s0;
	s10 =	simm.s32 @!p0 $0x9580  }
0x1e7: {  	[tilespmem:s10], [sflag:$0x1] =	stream.indirect.gather @!p0 [hbm4b:s3+s11], $0x20, s1, s11, $0xb8;
	[tilespmem:$0x13800] =	vst v63  }
0x1e8: {  	s1 =	sadd.s32 @!p0 $0x888, s0;
	s10 =	simm.s32 @!p0 $0x9BC0  }
0x1e9: {  	[tilespmem:s10], [sflag:$0x1] =	stream.indirect.gather @!p0 [hbm4b:s3+s11], $0x20, s1, s11, $0xb8;
	[tilespmem:$0x13800] =	vst v63  }
0x1ea: {  	s1 =	sadd.s32 @!p0 $0x8C0, s0;
	s10 =	simm.s32 @!p0 $0xA200  }
0x1eb: {  	[tilespmem:s10], [sflag:$0x1] =	stream.indirect.gather @!p0 [hbm4b:s3+s11], $0x20, s1, s11, $0xb8;
	[tilespmem:$0x13800] =	vst v63  }
0x1ec: {  	s1 =	sadd.s32 @!p0 $0x8F8, s0;
	s10 =	simm.s32 @!p0 $0xA840  }
0x1ed: {  	[tilespmem:s10], [sflag:$0x1] =	stream.indirect.gather @!p0 [hbm4b:s3+s11], $0x20, s1, s11, $0xb8;
	[tilespmem:$0x13800] =	vst v63  }
0x1ee: {  	s1 =	sadd.s32 @!p0 $0x930, s0;
	s10 =	simm.s32 @!p0 $0xAE80  }
0x1ef: {  	[tilespmem:s10], [sflag:$0x1] =	stream.indirect.gather @!p0 [hbm4b:s3+s11], $0x20, s1, s11, $0xb8;
	[tilespmem:$0x13800] =	vst v63  }
0x1f0: {  	s1 =	sadd.s32 @!p0 $0x968, s0;
	s10 =	simm.s32 @!p0 $0xB4C0  }
0x1f1: {  	[tilespmem:s10], [sflag:$0x1] =	stream.indirect.gather @!p0 [hbm4b:s3+s11], $0x20, s1, s11, $0xb8;
	[tilespmem:$0x13800] =	vst v63  }
0x1f2: {  	s1 =	sadd.s32 @!p0 $0x9A0, s0;
	s10 =	simm.s32 @!p0 $0xBB00  }
0x1f3: {  	[tilespmem:s10], [sflag:$0x1] =	stream.indirect.gather @!p0 [hbm4b:s3+s11], $0x20, s1, s11, $0xb8;
	[tilespmem:$0x13800] =	vst v63  }
0x1f4: {  	s1 =	sadd.s32 @!p0 $0x9D8, s0;
	s10 =	simm.s32 @!p0 $0xC140  }
0x1f5: {  	[tilespmem:s10], [sflag:$0x1] =	stream.indirect.gather @!p0 [hbm4b:s3+s11], $0x20, s1, s11, $0xb8;
	[tilespmem:$0x13800] =	vst v63  }
0x1f6: {  	s1 =	sadd.s32 @!p0 $0xA10, s0;
	s10 =	simm.s32 @!p0 $0xC780  }
0x1f7: {  	[tilespmem:s10], [sflag:$0x1] =	stream.indirect.gather @!p0 [hbm4b:s3+s11], $0x20, s1, s11, $0xb8;
	[tilespmem:$0x13800] =	vst v63  }
0x1f8: {  	s0 =	sadd.s32 @!p0 $0xA48, s0;
	s1 =	simm.s32 @!p0 $0xCDC0  }
0x1f9: {  	[tilespmem:s1], [sflag:$0x1] =	stream.indirect.gather @!p0 [hbm4b:s3+s11], $0x20, s0, s11, $0xb8;
	[tilespmem:$0x13800] =	vst v63  }
0x1fa: {  	_ =	swait.ge [sflag:s19], $0x640  }
0x1fb: {  	[sflag:s19] =	ssyncset.done $0x0  }
0x1fc: {  	[sflag:s19] =	ssyncadd.s32 $0xFFFFF9C0  }
0x1fd: {  	_ =	swait.ge [sflag:s19], $0x640  }
0x1fe: {  	[sflag:s19] =	ssyncset.done $0x0  }
0x1ff: {  	[sflag:s19] =	ssyncadd.s32 $0xFFFFF9C0  }
0x200: {  	_ =	swait.ge [sflag:s19], $0x640  }
0x201: {  	[sflag:s19] =	ssyncset.done $0x0  }
0x202: {  	[sflag:s19] =	ssyncadd.s32 $0xFFFFF9C0  }
0x203: {  	_ =	swait.ge [sflag:s19], $0x640  }
0x204: {  	[sflag:s19] =	ssyncset.done $0x0  }
0x205: {  	[sflag:s19] =	ssyncadd.s32 $0xFFFFF9C0  }
0x206: {  	_ =	swait.ge [sflag:s19], $0x640  }
0x207: {  	[sflag:s19] =	ssyncset.done $0x0  }
0x208: {  	[sflag:s19] =	ssyncadd.s32 $0xFFFFF9C0  }
0x209: {  	_ =	swait.ge [sflag:s19], $0x640  }
0x20a: {  	[sflag:s19] =	ssyncset.done $0x0  }
0x20b: {  	[sflag:s19] =	ssyncadd.s32 $0xFFFFF9C0  }
0x20c: {  	_ =	swait.ge [sflag:s19], $0x640  }
0x20d: {  	[sflag:s19] =	ssyncset.done $0x0  }
0x20e: {  	[sflag:s19] =	ssyncadd.s32 $0xFFFFF9C0  }
0x20f: {  	_ =	swait.ge [sflag:s19], $0x640  }
0x210: {  	[sflag:s19] =	ssyncset.done $0x0  }
0x211: {  	[sflag:s19] =	ssyncadd.s32 $0xFFFFF9C0  }
0x212: {  	_ =	swait.ge [sflag:s19], $0x640  }
0x213: {  	[sflag:s19] =	ssyncset.done $0x0  }
0x214: {  	[sflag:s19] =	ssyncadd.s32 $0xFFFFF9C0  }
0x215: {  	_ =	swait.ge [sflag:s19], $0x640  }
0x216: {  	[sflag:s19] =	ssyncset.done $0x0  }
0x217: {  	[sflag:s19] =	ssyncadd.s32 $0xFFFFF9C0  }
0x218: {  	_ =	swait.ge [sflag:s19], $0x640  }
0x219: {  	[sflag:s19] =	ssyncset.done $0x0  }
0x21a: {  	[sflag:s19] =	ssyncadd.s32 $0xFFFFF9C0  }
0x21b: {  	_ =	swait.ge [sflag:s19], $0x640  }
0x21c: {  	[sflag:s19] =	ssyncset.done $0x0  }
0x21d: {  	[sflag:s19] =	ssyncadd.s32 $0xFFFFF9C0  }
0x21e: {  	_ =	swait.ge [sflag:s19], $0x640  }
0x21f: {  	[sflag:s19] =	ssyncset.done $0x0  }
0x220: {  	[sflag:s19] =	ssyncadd.s32 $0xFFFFF9C0  }
0x221: {  	_ =	swait.ge [sflag:s19], $0x640  }
0x222: {  	[sflag:s19] =	ssyncset.done $0x0  }
0x223: {  	[sflag:s19] =	ssyncadd.s32 $0xFFFFF9C0  }
0x224: {  	_ =	swait.ge [sflag:s19], $0x640  }
0x225: {  	[sflag:s19] =	ssyncset.done $0x0  }
0x226: {  	[sflag:s19] =	ssyncadd.s32 $0xFFFFF9C0  }
0x227: {  	s20 =	sadd.s32 $0x1, s20;
	_ =	swait.ge [sflag:s19], $0x640  }
0x228: {  	p0 =	sne.s32 s20, s5;
	[sflag:s19] =	ssyncset.done $0x0  }
.Ltmp1:
0x229: {  	s31 =	sadd.s32 $0xC80, s21;
	[sflag:s19] =	ssyncadd.s32 $0xFFFFF9C0;
	(pc) =	sbr.rel @p0 .LBB2_1-.Ltmp1, $4  }
0x22a: {  	[hbm4b:s31+s2] =	stream.linear.scatter [tilespmem:s17], [sflag:$0x3], $0x6400, $0x38;
	[tilespmem:$0x13800] =	vst v63  }
0x22b: {  	_ =	swait.ge [sflag:s7], $0x6400  }
0x22c: {  	[sflag:s7] =	ssyncset.done $0x0  }
0x22d: {  	[sflag:s7] =	ssyncadd.s32 $0xFFFF9C00  }
0x22e: {  	_ =	sfence.sel $0x180000  }
0x22f: {  	[bflag:$0x0] =	sbarrier.arrive $0xFFFF  }
0x230: {  	_ =	strace $0x90000047  }
0x231: {  	s0 =	stileid.u32;
	[bflag:$0x2] =	sbarrier.arrive $0xFFFF  }
0x232: {  	p0 =	sne.s32 s0, $0x0;
	s0 =	rddreg [dreg:$0x2]  }
0x233: {  	s0 =	sadd.s32 @!p0 $0x100000, s0  }
0x234: {  	[sflag:s0] =	ssyncadd.tile.s32 @!p0 $0x1;
	_ =	shalt  }
.Lfunc_end2:
_tile_overlayer_lowered:
.L_overlay_start_2:
0x235: {  	(tag) =	ssettag $0x2  }
0x236: {  	s0 =	rddreg [dreg:$0x0];
	s2 =	stileid.u32  }
0x237: {  	s1 =	rddreg [dreg:$0x1];
	p0 =	sne.s32 s2, $0x0  }
0x238: {  	s3 =	rddreg [dreg:$0x2];
	[bflag:$0x3] =	sbarrier.arrive $0xFFFF;
	s2 =	simm.s32 @!p0 $0x1C03  }
0x239: {  	[timem:s3], [sflag:s2] =	dma.local @!p0 [hbm:s0], s1  }
0x23a: {  	s0 =	simm.s32 @!p0 $0x3  }
0x23b: {  	_ =	swait.ge @!p0 [sflag:s0], s1  }
0x23c: {  	s1 =	ssub.s32 @!p0 $0x0, s1;
	[sflag:s0] =	ssyncset.done @!p0 $0x0  }
0x23d: {  	[sflag:s0] =	ssyncadd.s32 @!p0 s1  }
0x23e: {  	[bflag:$0x3] =	sbarrier.arrive $0xFFFF  }
0x23f: {  	_ =	shalt  }

// kernel: sparse-core-data-format-call.cloned.1.call-start
scs
called_computation_lowered:
.L_overlay_start_0:
0x0: {  	s2 =	sld [smem:$0x3FD9]  }
0x1: {  	s3 =	sld [smem:$0x3FFE];
	_ =	sdelay $0x1  }
0x2: {  	s1 =	srdreg.scid  }
0x3: {  	s0 =	sand.u32 $0x1, s1  }
0x4: {  	s18 =	sshll.u32 s0, $0xA;
	s2 =	sadd.s32 s3, s2  }
0x5: {  	s2 =	sadd.s32 s2, s18  }
0x6: {  	[smem:$0x3FC6] =	sst s2  }
0x7: {  	_ = 	snop  }
0x8: {  	s2 =	sld [smem:$0x3FD0];
	(tm) =	ssettm $0x1  }
0x9: {  	s19 =	sld [smem:$0x3FFB];
	_ =	sdelay $0x3  }
0xa: {  	_ =	strace s19  }
0xb: {  	s3 =	sld [smem:$0x3FFC];
	_ =	sdelay $0x3  }
0xc: {  	_ =	strace s3  }
0xd: {  	s3 =	sld [smem:$0x3FFD];
	_ =	sdelay $0x3  }
0xe: {  	_ =	strace s3  }
0xf: {  	_ =	strace $0x8FFFFFFF  }
0x10: {  	s20 =	sld [smem:$0x3FDB];
	_ =	sdelay $0x1  }
0x11: {  	s4 =	simm.s32 $_scs_section_size  }
0x12: {  	s5 =	simm.s32 $_size__tile_overlayer_lowered;
	s6 =	simm.s32 $_tile_overlayer_lowered  }
0x13: {  	s23 =	simm.s32 $0x1BFF;
	s22 =	sshll.u32 s6, $0x1;
	s3 =	sadd.s32 s4, s20  }
0x14: {  	s7 =	simm.s32 $0x0;
	s21 =	sshll.u32 s5, $0x1;
	s5 =	sadd.s32 s22, s3  }
0x15: {  	[timem:s7], [sflag:s23] =	dma.local [hbm:s5], s21  }
0x16: {  	_ =	swait.ge [sflag:s23], s21  }
0x17: {  	s4 =	ssub.s32 $0x0, s21;
	[sflag:s23] =	ssyncset.done $0x0  }
0x18: {  	[sflag:s23] =	ssyncadd.s32 s4;
	_ =	sdelay $0x1  }
0x19: {  	s24 =	simm.s32 $0x1B8B  }
0x1a: {  	_ =	swait.ge [sflag:s24], $0x1  }
0x1b: {  	[sflag:s24] =	ssyncset.done $0x0  }
0x1c: {  	s26 =	simm.s32 $0x1B8E;
	s25 =	sld [smem:$0x3FFE];
	[sflag:s24] =	ssyncadd.s32 $0xFFFFFFFF  }
0x1d: {  	s27 =	simm.s32 $execute0_lowered;
	[smem:$0x3FD2] =	sst s26  }
0x1e: {  	s5 =	sshll.u32 s27, $0x1;
	_ =	strace $0x80000049;
	[dreg:$0x1] =	wrdreg $0xFFFFFFFF  }
0x1f: {  	s28 =	simm.s32 $_size_execute0_lowered;
	s3 =	sadd.s32 s3, s5;
	[dreg:$0x0] =	wrdreg $0x0  }
0x20: {  	s5 =	sshll.u32 s28, $0x1;
	[dreg:$0x2] =	wrdreg s3  }
0x21: {  	[dreg:$0x3] =	wrdreg s5  }
0x22: {  	[dreg:$0x4] =	wrdreg $0xC0  }
0x23: {  	_ =	task [dreg:s7], $0x5FFFF  }
0x24: {  	[dreg:$0x1] =	wrdreg $0xFFFFFFFF  }
0x25: {  	[dreg:$0x0] =	wrdreg $0x60  }
0x26: {  	[dreg:$0x2] =	wrdreg s25  }
0x27: {  	[dreg:$0x3] =	wrdreg s2  }
0x28: {  	[dreg:$0x4] =	wrdreg $0x9  }
0x29: {  	_ =	task.clear_ibuf [dreg:s7], $0x5FFFF;
	_ =	strace $0x90000049  }
0x2a: {  	s29 =	simm.s32 $0x9;
	_ =	strace $0x8000004B  }
0x2b: {  	_ =	swait.ge [sflag:s29], $0x1  }
0x2c: {  	[sflag:s29] =	ssyncadd.s32 $0xFFFFFFFF  }
0x2d: {  	_ =	strace $0x9000004B  }
0x2e: {  	_ =	sfence  }
0x2f: {  	s30 =	sld [smem:$0x0];
	_ =	sdelay $0x2  }
0x30: {  	s31 =	sshll.u32 s1, $0xD;
	s1 =	sshrl.u32 s1, $0x2  }
0x31: {  	s3 =	sand.u32 $0x4000, s31;
	s1 =	sadd.s32 s1, s30  }
0x32: {  	s0 =	sor.u32 s3, s0;
	s1 =	sshll.u32 s1, $0x11  }
0x33: {  	s0 =	sor.u32 s1, s0  }
0x34: {  	s0 =	sadd.s32 $0x8F2B, s0  }
0x35: {  	[sflag:s0] =	ssyncadd.remote.s32 $0x1  }
0x36: {  	_ =	sfence.sel $0xFFFF  }
0x37: {  	[dreg:$0x0] =	wrdreg $0xFFFFFFFF;
	(pc) =	sbr.abs _section_cstart, $3  }
0x38: {  	[dreg:$0x1] =	wrdreg $0xFFFFFFFF  }
0x39: {  	_ =	task.clear_ibuf [dreg:s7], $0x2FFFF;
	_ =	strace $0x9FFFFFFF  }
0x3a: {  	(tm) =	ssettm $0x7FFFFFFF  }
0x3b: {  	_ =	shalt  }
tec
execute0_lowered:
.L_overlay_start_1:
0x0: {  	(tag) =	ssettag $0x1  }
0x1: {  	s0 =	srdreg.scid  }
0x2: {  	s1 =	sshll.u32 s0, $0x4  }
0x3: {  	s0 =	stileid.u32;
	s1 =	sand.u32 $0x10, s1  }
0x4: {  	s1 =	sor.u32 s0, s1  }
0x5: {  	s6 =	rddreg [dreg:$0x0];
	s4 =	simm.s32 $0x1;
	s2 =	sshll.u32 s1, $0x7  }
0x6: {  	s7 =	simm.s32 $0x2;
	s12 =	simm.s32 $0x0;
	s1 =	ssub.s32 $0x4000, s2  }
0x7: {  	s8 =	simm.s32 $0x20000;
	s13 =	simm.s32 $0x0;
	s3 =	sand.u32 $0xF80, s1  }
0x8: {  	s9 =	simm.s32 $0x0;
	s5 =	sshrl.u32 s1, $0xC;
	p0 =	sne.s32 s3, $0x0  }
.Ltmp0:
0x9: {  	s1 =	rddreg [dreg:$0x2];
	s4 =	simm.s32 @!p0 $0x0;
	(pc) =	sbr.rel .LBB1_1-.Ltmp0, $4  }
0xa: {  	s11 =	simm.s32 $0x0;
	s3 =	rddreg [dreg:$0x1];
	s5 =	sadd.s32 s4, s5  }
0xb: {  	_ =	strace $0x8000004A;
	s4 =	simm.s32 $0x1;
	s5 =	smul.u32 $0x32, s5  }
0xc: {  	s6 =	sadd.s32 $0xA00, s6;
	s10 =	smov.u32 s2;
	[sflag:s4] =	ssyncpa.u1 $0x0  }
0xd: {  	p0 =	por $0x0, $0x0;
	[sflag:s7] =	ssyncpa.u1 $0x0;
	s7 =	sor.u32 $0x1, s5  }
.LBB1_4:
0xe: {  	s16 =	sshll.u32 s13, $0x3;
	s17 =	sand.u32 $0x78, s13  }
0xf: {  	s30 =	sand.u32 $0xF800, s13;
	s12 =	sshll.u32 s12, $0x10;
	s16 =	sand.u32 $0x3C00, s16  }
0x10: {  	s31 =	sand.u32 $0x7, s13;
	s16 =	sor.u32 s17, s16;
	s17 =	sadd.s32 s3, s30  }
0x11: {  	s13 =	sshll.u32 s31, $0x12;
	s16 =	sshrl.u32 s16, $0x3;
	s12 =	sadd.s32 s12, s17  }
0x12: {  	[tilespmem:s15+$0x0 ss:$0x81] =	vst.msk $0xffff, v0;
	s13 =	sor.u32 $0x400, s13;
	s12 =	sadd.s32 s16, s12  }
0x13: {  	[hbm4b:s12+s13] =	stream.strided.scatter [tilespmem:s14], [sflag:$0x2], $0x1000, s8, s13, $0x20;
	[tilespmem:$0x4040] =	vst v63  }
.LBB1_5:
0x14: {  	s14 =	sadd.s32 $0x1, s9  }
0x15: {  	s12 =	sadd.s32 $0x1000, s10;
	s16 =	smov.u32 s10;
	p2 =	sgt.s32 s14, $0x31  }
0x16: {  	s16 =	smov.u32 @p2 s12  }
0x17: {  	s14 =	simm.s32 @p2 $0x0;
	p2 =	sgt.s32 s16, $0x3FFF  }
0x18: {  	s16 =	smov.u32 @p2 s2;
	p2 =	sne.s32 s11, s7  }
.Ltmp1:
0x19: {  	p1 =	slt.u32 s11, $0x2;
	(pc) =	sbr.rel @!p2 .LBB1_6-.Ltmp1, $4  }
0x1a: {  	s15 =	simm.s32 @!p1 $0x2  }
0x1b: {  	s13 =	smov.u32 s10;
	p0 =	por !p0, !p0;
	_ =	swait.ge @!p1 [sflag:s15], $0x1000  }
0x1c: {  	s12 =	smov.u32 s9;
	[sflag:s15] =	ssyncset.done @!p1 $0x0;
	s9 =	smov.u32 s14  }
0x1d: {  	s11 =	sadd.s32 $0x1, s11;
	[sflag:s15] =	ssyncadd.s32 @!p1 $0xFFFFF000;
	s10 =	smov.u32 s16  }
.LBB1_1:
0x1e: {  	p1 =	sge.u32 s11, s5  }
0x1f: {  	s14 =	sand.u32 @!p1 $0x1FFFFFF, s9  }
0x20: {  	s15 =	smulhi.u32 @!p1 $0x4924925, s14;
	_ =	sdelay $0x1  }
0x21: {  	s15 =	smul.u32 @!p1 $0x38, s15  }
0x22: {  	s16 =	sxor.u32 @!p1 $0xFFFFFFFF, s11;
	s17 =	smul.u32 @!p1 $0x380, s10  }
0x23: {  	s31 =	sadd.s32 $0xFFFFFFFF, s11;
	s16 =	sshll.u32 @!p1 s16, $0xC;
	s14 =	ssub.s32 @!p1 s14, s15  }
0x24: {  	s15 =	sand.u32 @!p1 $0x1000, s16;
	s16 =	sadd.s32 @!p1 s6, s17;
	s14 =	sshll.u32 @!p1 s14, $0x4  }
0x25: {  	s17 =	simm.s32 @!p1 $0x1C00;
	s14 =	sadd.s32 @!p1 s14, s16;
	s16 =	simm.s32 @!p1 $0x20  }
0x26: {  	[tilespmem:s15], [sflag:$0x1] =	stream.strided.gather @!p1 [hbm4b:s14+s16], $0x1000, s17, s16, $0x38;
	[tilespmem:$0x4040] =	vst v63  }
0x27: {  	p1 =	sge.u32 s31, s5  }
.Ltmp2:
0x28: {  	_ = 	snop;
	(pc) =	sbr.rel @p1 .LBB1_5-.Ltmp2, $1  }
0x29: {  	_ =	sdelay $0x3  }
0x2a: {  	s14 =	simm.s32 $0x1  }
0x2b: {  	_ =	swait.ge [sflag:s4], $0x1000;
	s14 =	simm.s32 @!p0 $0x0  }
0x2c: {  	[sflag:s4] =	ssyncset.done $0x0;
	s15 =	sshll.u32 s14, $0xC  }
0x2d: {  	[sflag:s4] =	ssyncadd.s32 $0xFFFFF000;
	s18 =	sor.u32 $0x10, s15  }
0x2e: {  	s14 =	smul.u32 $0x4080, s14;
	v1 =	vld [tilespmem:s18+$0x0]  }
0x2f: {  	s30 =	sand.u32 $0x1, s11;
	v0 =	vld [tilespmem:s18+$0xFFFFFFF0]  }
0x30: {  	s15 =	smul.u32 $0x4080, s30;
	s14 =	sshrl.u32 s14, $0x2  }
0x31: {  	s16 =	sor.u32 $0x2000, s14  }
0x32: {  	s31 =	sshrl.u32 s15, $0x2;
	s15 =	sadd.s32 $0x0, s16  }
0x33: {  	s17 =	simm.s32 $0x4;
	s18 =	sadd.s32 $0x20, s18;
	s14 =	sor.u32 $0x2000, s31;
	[tilespmem:s15+$0x810 ss:$0x81] =	vst.msk $0xffff, v1  }
.LBB1_3:
0x34: {  	v1 =	vld [tilespmem:s18+$0x0];
	p1 =	sne.s32 s17, $0x1FC;
	[tilespmem:s15+$0x0 ss:$0x81] =	vst.msk $0xffff, v0;
	s15 =	smov.u32 s17;
	s17 =	sadd.s32 $0x4, s17  }
.Ltmp3:
0x35: {  	v0 =	vld [tilespmem:s18+$0xFFFFFFF0];
	(pc) =	sbr.rel @p1 .LBB1_3-.Ltmp3, $4  }
0x36: {  	_ = 	snop  }
0x37: {  	s15 =	sshra.s32 s15, $0x2  }
0x38: {  	s15 =	sadd.s32 s15, s16  }
0x39: {  	s18 =	sadd.s32 $0x20, s18;
	[tilespmem:s15+$0x810 ss:$0x81] =	vst.msk $0xffff, v1  }
.Ltmp4:
0x3a: {  	_ = 	snop;
	(pc) =	sbr.rel .LBB1_4-.Ltmp4, $1  }
0x3b: {  	_ =	sdelay $0x3  }
.LBB1_6:
0x3c: {  	_ =	sfence.sel $0x180000  }
0x3d: {  	s2 =	simm.s32 $0x1;
	[bflag:$0x0] =	sbarrier.arrive $0xFFFF  }
0x3e: {  	s31 =	simm.s32 $0x2;
	[sflag:s2] =	ssyncpa.u1 $0x1  }
0x3f: {  	[sflag:s31] =	ssyncpa.u1 $0x1  }
0x40: {  	p0 =	sne.s32 s0, $0x0;
	_ =	strace $0x9000004A  }
0x41: {  	s0 =	sadd.s32 @!p0 $0x100000, s1;
	[bflag:$0x2] =	sbarrier.arrive $0xFFFF  }
0x42: {  	[sflag:s0] =	ssyncadd.tile.s32 @!p0 $0x1;
	_ =	shalt  }
.Lfunc_end1:
_tile_overlayer_lowered:
.L_overlay_start_2:
0x43: {  	(tag) =	ssettag $0x2  }
0x44: {  	s0 =	rddreg [dreg:$0x0];
	s2 =	stileid.u32  }
0x45: {  	s1 =	rddreg [dreg:$0x1];
	p0 =	sne.s32 s2, $0x0  }
0x46: {  	s3 =	rddreg [dreg:$0x2];
	[bflag:$0x3] =	sbarrier.arrive $0xFFFF;
	s2 =	simm.s32 @!p0 $0x1C01  }
0x47: {  	[timem:s3], [sflag:s2] =	dma.local @!p0 [hbm:s0], s1  }
0x48: {  	s0 =	simm.s32 @!p0 $0x1  }
0x49: {  	_ =	swait.ge @!p0 [sflag:s0], s1  }
0x4a: {  	s1 =	ssub.s32 @!p0 $0x0, s1;
	[sflag:s0] =	ssyncset.done @!p0 $0x0  }
0x4b: {  	[sflag:s0] =	ssyncadd.s32 @!p0 s1  }
0x4c: {  	[bflag:$0x3] =	sbarrier.arrive $0xFFFF  }
0x4d: {  	_ =	shalt  }

</sc_bundles>
